<compile_context>
chip_gen: v7x
topology: tpu7x:2x2x1
jax: 0.10.2.dev20260603
libtpu: 0.0.44.dev20260713+nightly
codegen_flags: <defaults>
</compile_context>

<pallas_src>
import functools

import jax
import jax.numpy as jnp
from jax import lax
from jax.experimental import pallas as pl
from jax.experimental.pallas import tpu as pltpu
from jax.experimental.pallas import tpu_sc as plsc

N = 10000
E = 320000
DIN = 128
H = 64
NH = 4
DOUT = 64
G = 64

NPAD = 10112

NC = 2
NS = 16
NW = NC * NS
EW = E // NW
B = 80
NCHUNK = EW // B
ROWS_A = 624
TAIL_OFF = NS * ROWS_A
TAIL = N - TAIL_OFF
PAD_ROWS = NPAD - N

NBUF = 4
GROUPS = NCHUNK // NBUF
TAIL_CHUNK = GROUPS * NBUF


def _make_sc_scatter(D):
  mesh = plsc.VectorSubcoreMesh(
      core_axis_name="c", subcore_axis_name="s",
      num_cores=NC, num_subcores=NS)

  @functools.partial(
      pl.kernel,
      out_type=jax.ShapeDtypeStruct((NC, NPAD, D), jnp.float32),
      mesh=mesh,
      scratch_types=[
          [pltpu.VMEM((B,), jnp.int32) for _ in range(NBUF)],
          [pltpu.VMEM((B,), jnp.int32) for _ in range(NBUF)],
          [pltpu.VMEM((B, D), jnp.float32) for _ in range(NBUF)],
          pltpu.VMEM_SHARED((N, D), jnp.float32),
          [pltpu.SemaphoreType.DMA for _ in range(NBUF)],
          [pltpu.SemaphoreType.DMA for _ in range(NBUF)],
      ],
  )
  def sc_scatter(x_hbm, row_hbm, col_hbm, zeros_hbm, out_hbm,
                 colv, rowv, gbuf, acc, sem_i, sem_g):
    c = lax.axis_index("c")
    s = lax.axis_index("s")
    wid = s * NC + c
    pltpu.sync_copy(zeros_hbm.at[pl.ds(s * ROWS_A, ROWS_A)],
                    acc.at[pl.ds(s * ROWS_A, ROWS_A)])

    @pl.when(s == NS - 1)
    def _():
      pltpu.sync_copy(zeros_hbm.at[pl.ds(TAIL_OFF, TAIL)],
                      acc.at[pl.ds(TAIL_OFF, TAIL)])

    plsc.subcore_barrier()
    base = wid * EW

    def start_idx(chunk, b):
      off = base + chunk * B
      pltpu.async_copy(col_hbm.at[pl.ds(off, B)], colv[b], sem_i[b])
      pltpu.async_copy(row_hbm.at[pl.ds(off, B)], rowv[b], sem_i[b])

    def wait_idx(b):
      pltpu.make_async_copy(col_hbm.at[pl.ds(0, B)], colv[b],
                            sem_i[b]).wait()
      pltpu.make_async_copy(row_hbm.at[pl.ds(0, B)], rowv[b],
                            sem_i[b]).wait()

    for b in range(NBUF):
      start_idx(b, b)

    @pl.loop(0, GROUPS)
    def _(g):
      for b in range(NBUF):
        wait_idx(b)
        pltpu.async_copy(x_hbm.at[colv[b]], gbuf[b], sem_g[b])
      for b in range(NBUF):
        pltpu.make_async_copy(x_hbm.at[colv[b]], gbuf[b],
                              sem_g[b]).wait()
        pltpu.sync_copy(gbuf[b], acc.at[rowv[b]], add=True)

        @pl.when(g < GROUPS - 1)
        def _():
          start_idx((g + 1) * NBUF + b, b)

    start_idx(TAIL_CHUNK, 0)
    wait_idx(0)
    pltpu.async_copy(x_hbm.at[colv[0]], gbuf[0], sem_g[0]).wait()
    pltpu.sync_copy(gbuf[0], acc.at[rowv[0]], add=True)

    plsc.subcore_barrier()
    pltpu.sync_copy(acc.at[pl.ds(s * ROWS_A, ROWS_A)],
                    out_hbm.at[c].at[pl.ds(s * ROWS_A, ROWS_A)])

    @pl.when(s == NS - 1)
    def _():
      pltpu.sync_copy(acc.at[pl.ds(TAIL_OFF, TAIL)],
                      out_hbm.at[c].at[pl.ds(TAIL_OFF, TAIL)])
      pltpu.sync_copy(zeros_hbm.at[pl.ds(0, PAD_ROWS)],
                      out_hbm.at[c].at[pl.ds(N, PAD_ROWS)])

  return sc_scatter


_sc_scatter_128 = _make_sc_scatter(DIN)

GN = G * NPAD
CSEG = GN // NS


def _make_sc_cmat():
  mesh = plsc.VectorSubcoreMesh(
      core_axis_name="c", subcore_axis_name="s",
      num_cores=NC, num_subcores=NS)

  @functools.partial(
      pl.kernel,
      out_type=jax.ShapeDtypeStruct((NC, GN), jnp.float32),
      mesh=mesh,
      scratch_types=[
          [pltpu.VMEM((B,), jnp.int32) for _ in range(NBUF)],
          [pltpu.VMEM((B,), jnp.int32) for _ in range(NBUF)],
          [pltpu.VMEM((B,), jnp.int32) for _ in range(NBUF)],
          pltpu.VMEM((B,), jnp.float32),
          pltpu.VMEM_SHARED((GN,), jnp.float32),
          [pltpu.SemaphoreType.DMA for _ in range(NBUF)],
          [pltpu.SemaphoreType.DMA for _ in range(NBUF)],
      ],
  )
  def sc_cmat(row_hbm, col_hbm, batch_hbm, zeros_hbm, out_hbm,
              colv, rowv, browv, ones, acc, sem_i, sem_g):
    c = lax.axis_index("c")
    s = lax.axis_index("s")
    wid = s * NC + c
    for j in range(B // 16):
      ones[pl.ds(j * 16, 16)] = jnp.full((16,), 1.0, jnp.float32)
    pltpu.sync_copy(zeros_hbm.at[pl.ds(s * CSEG, CSEG)],
                    acc.at[pl.ds(s * CSEG, CSEG)])
    plsc.subcore_barrier()
    base = wid * EW

    def start_idx(chunk, b):
      off = base + chunk * B
      pltpu.async_copy(col_hbm.at[pl.ds(off, B)], colv[b], sem_i[b])
      pltpu.async_copy(row_hbm.at[pl.ds(off, B)], rowv[b], sem_i[b])

    def wait_idx(b):
      pltpu.make_async_copy(col_hbm.at[pl.ds(0, B)], colv[b],
                            sem_i[b]).wait()
      pltpu.make_async_copy(row_hbm.at[pl.ds(0, B)], rowv[b],
                            sem_i[b]).wait()

    def do_chunk(b):
      pltpu.make_async_copy(batch_hbm.at[rowv[b]], browv[b],
                            sem_g[b]).wait()
      for j in range(B // 16):
        sl = pl.ds(j * 16, 16)
        colv[b][sl] = browv[b][sl] * NPAD + colv[b][sl]
      pltpu.sync_copy(ones, acc.at[colv[b]], add=True)

    for b in range(NBUF):
      start_idx(b, b)

    @pl.loop(0, GROUPS)
    def _(g):
      for b in range(NBUF):
        wait_idx(b)
        pltpu.async_copy(batch_hbm.at[rowv[b]], browv[b], sem_g[b])
      for b in range(NBUF):
        do_chunk(b)

        @pl.when(g < GROUPS - 1)
        def _():
          start_idx((g + 1) * NBUF + b, b)

    start_idx(TAIL_CHUNK, 0)
    wait_idx(0)
    pltpu.async_copy(batch_hbm.at[rowv[0]], browv[0], sem_g[0])
    do_chunk(0)

    plsc.subcore_barrier()
    pltpu.sync_copy(acc.at[pl.ds(s * CSEG, CSEG)],
                    out_hbm.at[c].at[pl.ds(s * CSEG, CSEG)])

  return sc_cmat


_sc_cmat = _make_sc_cmat()


BN = 1264


_HI = lax.Precision.HIGHEST
BN0 = 1000


def _dense0_body(x, w1a, w1b, oa, ob):
  xb = x[...].astype(jnp.bfloat16)
  oa[...] = lax.dot_general(xb, w1a[...], (((1,), (1,)), ((), ())),
                            preferred_element_type=jnp.float32)
  ob[...] = lax.dot_general(xb, w1b[...], (((1,), (1,)), ((), ())),
                            preferred_element_type=jnp.float32)


def _dense0(x, w1a, w1b):
  return pl.pallas_call(
      _dense0_body,
      grid=(N // BN0,),
      in_specs=[
          pl.BlockSpec((BN0, DIN), lambda i: (i, 0)),
          pl.BlockSpec((DIN, DIN), lambda i: (0, 0)),
          pl.BlockSpec((DIN, DIN), lambda i: (0, 0)),
      ],
      out_specs=[pl.BlockSpec((BN0, DIN), lambda i: (i, 0)),
                 pl.BlockSpec((BN0, DIN), lambda i: (i, 0))],
      out_shape=[jax.ShapeDtypeStruct((N, DIN), jnp.float32),
                 jax.ShapeDtypeStruct((N, DIN), jnp.float32)],
  )(x, w1a, w1b)


def _dense1_body(ga0, ga1, gb0, gb1, w2a, w2b, o):
  def elu(v):
    return jnp.where(v > 0, v, jnp.exp(jnp.minimum(v, 0.0)) - 1.0)
  h1a = elu(ga0[...] + ga1[...]).astype(jnp.bfloat16)
  h1b = elu(gb0[...] + gb1[...]).astype(jnp.bfloat16)
  o[...] = (
      lax.dot_general(h1a, w2a[...], (((1,), (1,)), ((), ())),
                      preferred_element_type=jnp.float32)
      + lax.dot_general(h1b, w2b[...], (((1,), (1,)), ((), ())),
                        preferred_element_type=jnp.float32))


def _dense1(ga0, ga1, gb0, gb1, w2a, w2b):
  return pl.pallas_call(
      _dense1_body,
      grid=(NPAD // BN,),
      in_specs=[pl.BlockSpec((BN, DIN), lambda i: (i, 0))] * 4
      + [pl.BlockSpec((DIN, DIN), lambda i: (0, 0))] * 2,
      out_specs=pl.BlockSpec((BN, DIN), lambda i: (i, 0)),
      out_shape=jax.ShapeDtypeStruct((NPAD, DIN), jnp.float32),
  )(ga0, ga1, gb0, gb1, w2a, w2b)


def _pool_mlp_body(c0, c1, z2, batch, m1, b1, m2, b2, m3, b3, m4, b4,
                   m5, b5, o):
  cm = c0[...] + c1[...]
  sums = lax.dot_general(cm, z2[...], (((1,), (0,)), ((), ())),
                         precision=_HI, preferred_element_type=jnp.float32)
  gids = lax.broadcasted_iota(jnp.int32, (G, NPAD), 0)
  counts = jnp.sum((batch[...] == gids).astype(jnp.float32),
                   axis=1, keepdims=True)
  y = sums / jnp.maximum(counts, 1.0)
  for m, b in ((m1, b1), (m2, b2), (m3, b3), (m4, b4)):
    y = lax.dot_general(y.astype(jnp.bfloat16), m[...],
                        (((1,), (1,)), ((), ())),
                        preferred_element_type=jnp.float32)
    y = jnp.maximum(y + b[...], 0.0)
  logits = lax.dot_general(y.astype(jnp.bfloat16), m5[...],
                           (((1,), (1,)), ((), ())),
                           preferred_element_type=jnp.float32) + b5[...]
  z = logits - jnp.max(logits, axis=-1, keepdims=True)
  ez = jnp.exp(z)
  o[...] = (ez / jnp.sum(ez, axis=-1, keepdims=True))[:, :4]


def _pool_mlp(c0, c1, z2, batch2d, m1, b1, m2, b2, m3, b3, m4, b4, m5, b5):
  return pl.pallas_call(
      _pool_mlp_body,
      out_shape=jax.ShapeDtypeStruct((G, 4), jnp.float32),
  )(c0, c1, z2, batch2d, m1, b1, m2, b2, m3, b3, m4, b4, m5, b5)


def kernel(x, edge_index, batch, W1, A1, W2, A2,
           M1, b1, M2, b2, M3, b3, M4, b4, M5, b5):
  row = edge_index[0]
  col = edge_index[1]
  zeros128 = jnp.zeros((N, DIN), jnp.float32)
  zerosgn = jnp.zeros((GN,), jnp.float32)
  batch_pad = jnp.full((1, NPAD), -1, jnp.int32).at[:, :N].set(
      batch.reshape(1, N))
  bfc = jnp.bfloat16
  w1r = W1.reshape(NH * H, DIN)
  z1a, z1b = _dense0(x, w1r[:DIN].astype(bfc), w1r[DIN:].astype(bfc))
  g1pa = _sc_scatter_128(z1a, row, col, zeros128)
  g1pb = _sc_scatter_128(z1b, row, col, zeros128)
  cpart = _sc_cmat(row, col, batch, zerosgn)
  w2p = jnp.zeros((DIN, NH * H), jnp.float32).at[:DOUT].set(W2)
  z2 = _dense1(g1pa[0], g1pa[1], g1pb[0], g1pb[1],
               w2p[:, :DIN].astype(bfc), w2p[:, DIN:].astype(bfc))
  cp = cpart.reshape(NC, G, NPAD)
  m1p = jnp.zeros((1024, DIN), jnp.float32).at[:, :DOUT].set(M1).astype(bfc)
  m5p = jnp.zeros((DIN, 1024), jnp.float32).at[:4].set(M5).astype(bfc)
  b5p = jnp.full((1, DIN), -1e30, jnp.float32).at[:, :4].set(
      b5.reshape(1, -1))
  return _pool_mlp(cp[0], cp[1], z2, batch_pad,
                   m1p, b1.reshape(1, -1), M2.astype(bfc),
                   b2.reshape(1, -1), M3.astype(bfc), b3.reshape(1, -1),
                   M4.astype(bfc), b4.reshape(1, -1), m5p, b5p)

# --- scband reference (transcript-rebuilt; emitter-appended) ---
"""Pipeline reference for scband-gat-652835029727 (READ-ONLY COPY).

The authoritative reference and input builder live on the scoring server;
editing this copy changes nothing except your own understanding.
"""

import jax, jax.numpy as jnp
import numpy as np

N = 10000
E = 320000
DIN = 128
H = 64
NH = 4
DOUT = 64
G = 64


def setup_inputs(seed: int = 0) -> dict:
    key = jax.random.key(seed)
    ks = jax.random.split(key, 20)
    x = jax.random.normal(ks[0], (N, DIN), dtype=jnp.float32)
    edge_index = jax.random.randint(ks[1], (2, E), 0, N, dtype=jnp.int32)
    batch = jnp.sort(jax.random.randint(ks[2], (N,), 0, G, dtype=jnp.int32))
    # layer1: NH heads, each fc weight [H, DIN], attn weight [1, 2H]
    W1 = jax.random.normal(ks[3], (NH, H, DIN), dtype=jnp.float32) * 0.1
    A1 = jax.random.normal(ks[4], (NH, 1, 2 * H), dtype=jnp.float32) * 0.1
    # layer2: 1 head, fc weight [DOUT, NH*H], attn weight [1, 2*DOUT]
    W2 = jax.random.normal(ks[5], (DOUT, NH * H), dtype=jnp.float32) * 0.1
    A2 = jax.random.normal(ks[6], (1, 2 * DOUT), dtype=jnp.float32) * 0.1
    # MLP weights (torch Linear convention: [out, in])
    M1 = jax.random.normal(ks[7], (1024, DOUT), dtype=jnp.float32) * 0.05
    b1 = jnp.zeros((1024,), dtype=jnp.float32)
    M2 = jax.random.normal(ks[8], (1024, 1024), dtype=jnp.float32) * 0.02
    b2 = jnp.zeros((1024,), dtype=jnp.float32)
    M3 = jax.random.normal(ks[9], (1024, 1024), dtype=jnp.float32) * 0.02
    b3 = jnp.zeros((1024,), dtype=jnp.float32)
    M4 = jax.random.normal(ks[10], (1024, 1024), dtype=jnp.float32) * 0.02
    b4 = jnp.zeros((1024,), dtype=jnp.float32)
    M5 = jax.random.normal(ks[11], (4, 1024), dtype=jnp.float32) * 0.05
    b5 = jnp.zeros((4,), dtype=jnp.float32)
    return {"x": x, "edge_index": edge_index, "batch": batch,
            "W1": W1, "A1": A1, "W2": W2, "A2": A2,
            "M1": M1, "b1": b1, "M2": M2, "b2": b2, "M3": M3, "b3": b3,
            "M4": M4, "b4": b4, "M5": M5, "b5": b5}


def _gat_head(x, W, A, row, col):
    z = x @ W.T  # [N, H]
    z2 = jnp.concatenate([z[row], z[col]], axis=-1)  # [E, 2H]
    a = jax.nn.leaky_relu(z2 @ A.T, negative_slope=0.01)  # [E, 1]
    # F.softmax(alpha, dim=1) over a size-1 axis -> all ones (faithful)
    alpha = jax.nn.softmax(a, axis=1)
    out = jnp.zeros_like(z).at[row].add(alpha * z[col])
    return out


def reference(x, edge_index, batch, W1, A1, W2, A2,
              M1, b1, M2, b2, M3, b3, M4, b4, M5, b5):
    row = edge_index[0]
    col = edge_index[1]
    # layer1: multi-head, merge='cat'
    heads = [_gat_head(x, W1[h], A1[h], row, col) for h in range(NH)]
    h1 = jnp.concatenate(heads, axis=-1)  # [N, NH*H]
    h1 = jax.nn.elu(h1)
    # layer2: single head
    h2 = _gat_head(h1, W2, A2, row, col)  # [N, DOUT]
    # global mean pool by graph id
    sums = jax.ops.segment_sum(h2, batch, num_segments=G)
    counts = jax.ops.segment_sum(jnp.ones((N, 1), dtype=h2.dtype), batch, num_segments=G)
    pooled = sums / jnp.maximum(counts, 1.0)  # [G, DOUT]
    # MLP (dropout is identity in eval)
    y = jax.nn.relu(pooled @ M1.T + b1)
    y = jax.nn.relu(y @ M2.T + b2)
    y = jax.nn.relu(y @ M3.T + b3)
    y = jax.nn.relu(y @ M4.T + b4)
    logits = y @ M5.T + b5
    return jax.nn.softmax(logits, axis=-1)

if __name__ == "__main__":
    import jax
    _d = setup_inputs()
    print(jax.jit(kernel)(*tuple(_d.values())))

</pallas_src>

<mosaic_0001>
#map = affine_map<(d0, d1) -> (0, 0)>
#map1 = affine_map<(d0, d1) -> (0)>
#map2 = affine_map<(d0, d1) -> (0, 0, 0)>
module attributes {stable_mosaic.version = 14 : i64} {
  func.func @sc_scatter(%arg0: i32, %arg1: i32, %arg2: memref<10000x128xf32, #tpu.memory_space<hbm>>, %arg3: memref<320000xi32, #tpu.memory_space<hbm>>, %arg4: memref<320000xi32, #tpu.memory_space<hbm>>, %arg5: memref<10000x128xf32, #tpu.memory_space<hbm>>, %arg6: memref<2x10112x128xf32, #tpu.memory_space<hbm>>, %arg7: memref<80xi32, #tpu.memory_space<vmem>>, %arg8: memref<80xi32, #tpu.memory_space<vmem>>, %arg9: memref<80xi32, #tpu.memory_space<vmem>>, %arg10: memref<80xi32, #tpu.memory_space<vmem>>, %arg11: memref<80xi32, #tpu.memory_space<vmem>>, %arg12: memref<80xi32, #tpu.memory_space<vmem>>, %arg13: memref<80xi32, #tpu.memory_space<vmem>>, %arg14: memref<80xi32, #tpu.memory_space<vmem>>, %arg15: memref<80x128xf32, #tpu.memory_space<vmem>>, %arg16: memref<80x128xf32, #tpu.memory_space<vmem>>, %arg17: memref<80x128xf32, #tpu.memory_space<vmem>>, %arg18: memref<80x128xf32, #tpu.memory_space<vmem>>, %arg19: memref<10000x128xf32, #tpu.memory_space<vmem_shared>>, %arg20: memref<!tpu.dma_semaphore, #tpu.memory_space<semaphore_mem>>, %arg21: memref<!tpu.dma_semaphore, #tpu.memory_space<semaphore_mem>>, %arg22: memref<!tpu.dma_semaphore, #tpu.memory_space<semaphore_mem>>, %arg23: memref<!tpu.dma_semaphore, #tpu.memory_space<semaphore_mem>>, %arg24: memref<!tpu.dma_semaphore, #tpu.memory_space<semaphore_mem>>, %arg25: memref<!tpu.dma_semaphore, #tpu.memory_space<semaphore_mem>>, %arg26: memref<!tpu.dma_semaphore, #tpu.memory_space<semaphore_mem>>, %arg27: memref<!tpu.dma_semaphore, #tpu.memory_space<semaphore_mem>>) attributes {dimension_semantics = [#tpu.dimension_semantics<core_parallel>, #tpu.dimension_semantics<subcore_parallel>], iteration_bounds = array<i64: 2, 16>, scalar_prefetch = 0 : i64, scratch_operands = 21 : i64, tpu.core_type = #tpu.core_type<sc_vector_subcore>, window_params = [{transform_indices = #map}, {transform_indices = #map1}, {transform_indices = #map1}, {transform_indices = #map}, {transform_indices = #map2}]} {
    %mul3A = arith.constant 2 : i32
    %mul3A_0 = arith.muli %arg1, %mul3A : i32
    %add3A = arith.addi %mul3A_0, %arg0 : i32
    %mul3A_1 = arith.constant 624 : i32
    %mul3A_2 = arith.muli %arg1, %mul3A_1 : i32
    %mul3A_3 = arith.constant 624 : i32
    %mul3A_4 = arith.muli %arg1, %mul3A_3 : i32
    "tpu.region"() ({
      %run_scoped3A = tpu.sem_alloc : memref<!tpu.dma_semaphore, #tpu.memory_space<semaphore_mem>>
      %dma_start3A_65 = arith.constant 0 : i32
      %dma_start3A_66 = tpu.memref_slice %arg19[%mul3A_4, %dma_start3A_65] : memref<10000x128xf32, #tpu.memory_space<vmem_shared>> -> memref<624x128xf32, #tpu.memory_space<vmem_shared>>
      %dma_start3A_67 = arith.constant 0 : i32
      %dma_start3A_68 = tpu.memref_slice %arg5[%mul3A_2, %dma_start3A_67] : memref<10000x128xf32, #tpu.memory_space<hbm>> -> memref<624x128xf32, #tpu.memory_space<hbm>>
      tpu.enqueue_dma source(%dma_start3A_68 : memref<624x128xf32, #tpu.memory_space<hbm>>) target(%dma_start3A_66 : memref<624x128xf32, #tpu.memory_space<vmem_shared>>) target_semaphore(%run_scoped3A : memref<!tpu.dma_semaphore, #tpu.memory_space<semaphore_mem>>)
      %dma_wait3A_69 = arith.constant 0 : i32
      %dma_wait3A_70 = tpu.memref_slice %arg19[%mul3A_4, %dma_wait3A_69] : memref<10000x128xf32, #tpu.memory_space<vmem_shared>> -> memref<624x128xf32, #tpu.memory_space<vmem_shared>>
      %dma_wait3A_71 = arith.constant 0 : i32
      %dma_wait3A_72 = tpu.memref_slice %arg5[%mul3A_2, %dma_wait3A_71] : memref<10000x128xf32, #tpu.memory_space<hbm>> -> memref<624x128xf32, #tpu.memory_space<hbm>>
      tpu.wait_dma2 semaphore(%run_scoped3A : memref<!tpu.dma_semaphore, #tpu.memory_space<semaphore_mem>>) src(%dma_wait3A_72 : memref<624x128xf32, #tpu.memory_space<hbm>>) dst(%dma_wait3A_70 : memref<624x128xf32, #tpu.memory_space<vmem_shared>>)
      tpu.yield
    }) : () -> ()
    %eq3A = arith.constant 15 : i32
    %eq3A_5 = arith.cmpi eq, %arg1, %eq3A : i32
    %convert_element_type3A = arith.extui %eq3A_5 : i1 to i32
    %cond3A = arith.constant 0 : i32
    %cond3A_6 = arith.cmpi ne, %convert_element_type3A, %cond3A : i32
    scf.if %cond3A_6 {
      "tpu.region"() ({
        %run_scoped3A = tpu.sem_alloc : memref<!tpu.dma_semaphore, #tpu.memory_space<semaphore_mem>>
        %dma_start3A_65 = arith.constant 9984 : i32
        %dma_start3A_66 = arith.constant 0 : i32
        %dma_start3A_67 = tpu.memref_slice %arg19[%dma_start3A_65, %dma_start3A_66] : memref<10000x128xf32, #tpu.memory_space<vmem_shared>> -> memref<16x128xf32, #tpu.memory_space<vmem_shared>>
        %dma_start3A_68 = arith.constant 9984 : i32
        %dma_start3A_69 = arith.constant 0 : i32
        %dma_start3A_70 = tpu.memref_slice %arg5[%dma_start3A_68, %dma_start3A_69] : memref<10000x128xf32, #tpu.memory_space<hbm>> -> memref<16x128xf32, #tpu.memory_space<hbm>>
        tpu.enqueue_dma source(%dma_start3A_70 : memref<16x128xf32, #tpu.memory_space<hbm>>) target(%dma_start3A_67 : memref<16x128xf32, #tpu.memory_space<vmem_shared>>) target_semaphore(%run_scoped3A : memref<!tpu.dma_semaphore, #tpu.memory_space<semaphore_mem>>)
        %dma_wait3A_71 = arith.constant 9984 : i32
        %dma_wait3A_72 = arith.constant 0 : i32
        %dma_wait3A_73 = tpu.memref_slice %arg19[%dma_wait3A_71, %dma_wait3A_72] : memref<10000x128xf32, #tpu.memory_space<vmem_shared>> -> memref<16x128xf32, #tpu.memory_space<vmem_shared>>
        %dma_wait3A_74 = arith.constant 9984 : i32
        %dma_wait3A_75 = arith.constant 0 : i32
        %dma_wait3A_76 = tpu.memref_slice %arg5[%dma_wait3A_74, %dma_wait3A_75] : memref<10000x128xf32, #tpu.memory_space<hbm>> -> memref<16x128xf32, #tpu.memory_space<hbm>>
        tpu.wait_dma2 semaphore(%run_scoped3A : memref<!tpu.dma_semaphore, #tpu.memory_space<semaphore_mem>>) src(%dma_wait3A_76 : memref<16x128xf32, #tpu.memory_space<hbm>>) dst(%dma_wait3A_73 : memref<16x128xf32, #tpu.memory_space<vmem_shared>>)
        tpu.yield
      }) : () -> ()
    } else {
    }
    %barrier3A = arith.constant 0 : index
    tpu.barrier barrier_id(%barrier3A)
    %mul3A_7 = arith.constant 10000 : i32
    %mul3A_8 = arith.muli %add3A, %mul3A_7 : i32
    %add3A_9 = arith.constant 0 : i32
    %add3A_10 = arith.addi %mul3A_8, %add3A_9 : i32
    %dma_start3A = tpu.memref_slice %arg4[%add3A_10] : memref<320000xi32, #tpu.memory_space<hbm>> -> memref<80xi32, #tpu.memory_space<hbm>>
    %dma_start3A_11 = tpu.memref_slice %arg4[%add3A_10] : memref<320000xi32, #tpu.memory_space<hbm>> -> memref<80xi32, #tpu.memory_space<hbm>>
    tpu.enqueue_dma source(%dma_start3A_11 : memref<80xi32, #tpu.memory_space<hbm>>) target(%arg7 : memref<80xi32, #tpu.memory_space<vmem>>) target_semaphore(%arg20 : memref<!tpu.dma_semaphore, #tpu.memory_space<semaphore_mem>>)
    %dma_start3A_12 = tpu.memref_slice %arg3[%add3A_10] : memref<320000xi32, #tpu.memory_space<hbm>> -> memref<80xi32, #tpu.memory_space<hbm>>
    %dma_start3A_13 = tpu.memref_slice %arg3[%add3A_10] : memref<320000xi32, #tpu.memory_space<hbm>> -> memref<80xi32, #tpu.memory_space<hbm>>
    tpu.enqueue_dma source(%dma_start3A_13 : memref<80xi32, #tpu.memory_space<hbm>>) target(%arg11 : memref<80xi32, #tpu.memory_space<vmem>>) target_semaphore(%arg20 : memref<!tpu.dma_semaphore, #tpu.memory_space<semaphore_mem>>)
    %add3A_14 = arith.constant 80 : i32
    %add3A_15 = arith.addi %mul3A_8, %add3A_14 : i32
    %dma_start3A_16 = tpu.memref_slice %arg4[%add3A_15] : memref<320000xi32, #tpu.memory_space<hbm>> -> memref<80xi32, #tpu.memory_space<hbm>>
    %dma_start3A_17 = tpu.memref_slice %arg4[%add3A_15] : memref<320000xi32, #tpu.memory_space<hbm>> -> memref<80xi32, #tpu.memory_space<hbm>>
    tpu.enqueue_dma source(%dma_start3A_17 : memref<80xi32, #tpu.memory_space<hbm>>) target(%arg8 : memref<80xi32, #tpu.memory_space<vmem>>) target_semaphore(%arg21 : memref<!tpu.dma_semaphore, #tpu.memory_space<semaphore_mem>>)
    %dma_start3A_18 = tpu.memref_slice %arg3[%add3A_15] : memref<320000xi32, #tpu.memory_space<hbm>> -> memref<80xi32, #tpu.memory_space<hbm>>
    %dma_start3A_19 = tpu.memref_slice %arg3[%add3A_15] : memref<320000xi32, #tpu.memory_space<hbm>> -> memref<80xi32, #tpu.memory_space<hbm>>
    tpu.enqueue_dma source(%dma_start3A_19 : memref<80xi32, #tpu.memory_space<hbm>>) target(%arg12 : memref<80xi32, #tpu.memory_space<vmem>>) target_semaphore(%arg21 : memref<!tpu.dma_semaphore, #tpu.memory_space<semaphore_mem>>)
    %add3A_20 = arith.constant 160 : i32
    %add3A_21 = arith.addi %mul3A_8, %add3A_20 : i32
    %dma_start3A_22 = tpu.memref_slice %arg4[%add3A_21] : memref<320000xi32, #tpu.memory_space<hbm>> -> memref<80xi32, #tpu.memory_space<hbm>>
    %dma_start3A_23 = tpu.memref_slice %arg4[%add3A_21] : memref<320000xi32, #tpu.memory_space<hbm>> -> memref<80xi32, #tpu.memory_space<hbm>>
    tpu.enqueue_dma source(%dma_start3A_23 : memref<80xi32, #tpu.memory_space<hbm>>) target(%arg9 : memref<80xi32, #tpu.memory_space<vmem>>) target_semaphore(%arg22 : memref<!tpu.dma_semaphore, #tpu.memory_space<semaphore_mem>>)
    %dma_start3A_24 = tpu.memref_slice %arg3[%add3A_21] : memref<320000xi32, #tpu.memory_space<hbm>> -> memref<80xi32, #tpu.memory_space<hbm>>
    %dma_start3A_25 = tpu.memref_slice %arg3[%add3A_21] : memref<320000xi32, #tpu.memory_space<hbm>> -> memref<80xi32, #tpu.memory_space<hbm>>
    tpu.enqueue_dma source(%dma_start3A_25 : memref<80xi32, #tpu.memory_space<hbm>>) target(%arg13 : memref<80xi32, #tpu.memory_space<vmem>>) target_semaphore(%arg22 : memref<!tpu.dma_semaphore, #tpu.memory_space<semaphore_mem>>)
    %add3A_26 = arith.constant 240 : i32
    %add3A_27 = arith.addi %mul3A_8, %add3A_26 : i32
    %dma_start3A_28 = tpu.memref_slice %arg4[%add3A_27] : memref<320000xi32, #tpu.memory_space<hbm>> -> memref<80xi32, #tpu.memory_space<hbm>>
    %dma_start3A_29 = tpu.memref_slice %arg4[%add3A_27] : memref<320000xi32, #tpu.memory_space<hbm>> -> memref<80xi32, #tpu.memory_space<hbm>>
    tpu.enqueue_dma source(%dma_start3A_29 : memref<80xi32, #tpu.memory_space<hbm>>) target(%arg10 : memref<80xi32, #tpu.memory_space<vmem>>) target_semaphore(%arg23 : memref<!tpu.dma_semaphore, #tpu.memory_space<semaphore_mem>>)
    %dma_start3A_30 = tpu.memref_slice %arg3[%add3A_27] : memref<320000xi32, #tpu.memory_space<hbm>> -> memref<80xi32, #tpu.memory_space<hbm>>
    %dma_start3A_31 = tpu.memref_slice %arg3[%add3A_27] : memref<320000xi32, #tpu.memory_space<hbm>> -> memref<80xi32, #tpu.memory_space<hbm>>
    tpu.enqueue_dma source(%dma_start3A_31 : memref<80xi32, #tpu.memory_space<hbm>>) target(%arg14 : memref<80xi32, #tpu.memory_space<vmem>>) target_semaphore(%arg23 : memref<!tpu.dma_semaphore, #tpu.memory_space<semaphore_mem>>)
    %scan3A = arith.constant 0 : i32
    %scan3A_32 = arith.constant 31 : i32
    %scan3A_33 = arith.addi %scan3A, %scan3A_32 : i32
    %scan3A_34 = arith.constant 1 : i32
    scf.for %scan3A_65 = %scan3A to %scan3A_33 step %scan3A_34  : i32 {
      %mul3A_66 = arith.constant 1 : i32
      %mul3A_67 = arith.muli %scan3A_65, %mul3A_66 : i32
      %add3A_68 = arith.constant 0 : i32
      %add3A_69 = arith.addi %add3A_68, %mul3A_67 : i32
      %dma_wait3A_70 = arith.constant 0 : i32
      %dma_wait3A_71 = tpu.memref_slice %arg4[%dma_wait3A_70] : memref<320000xi32, #tpu.memory_space<hbm>> -> memref<80xi32, #tpu.memory_space<hbm>>
      %dma_wait3A_72 = arith.constant 0 : i32
      %dma_wait3A_73 = tpu.memref_slice %arg4[%dma_wait3A_72] : memref<320000xi32, #tpu.memory_space<hbm>> -> memref<80xi32, #tpu.memory_space<hbm>>
      tpu.wait_dma2 semaphore(%arg20 : memref<!tpu.dma_semaphore, #tpu.memory_space<semaphore_mem>>) src(%dma_wait3A_73 : memref<80xi32, #tpu.memory_space<hbm>>) dst(%arg7 : memref<80xi32, #tpu.memory_space<vmem>>)
      %dma_wait3A_74 = arith.constant 0 : i32
      %dma_wait3A_75 = tpu.memref_slice %arg3[%dma_wait3A_74] : memref<320000xi32, #tpu.memory_space<hbm>> -> memref<80xi32, #tpu.memory_space<hbm>>
      %dma_wait3A_76 = arith.constant 0 : i32
      %dma_wait3A_77 = tpu.memref_slice %arg3[%dma_wait3A_76] : memref<320000xi32, #tpu.memory_space<hbm>> -> memref<80xi32, #tpu.memory_space<hbm>>
      tpu.wait_dma2 semaphore(%arg20 : memref<!tpu.dma_semaphore, #tpu.memory_space<semaphore_mem>>) src(%dma_wait3A_77 : memref<80xi32, #tpu.memory_space<hbm>>) dst(%arg11 : memref<80xi32, #tpu.memory_space<vmem>>)
      %dma_start3A_78 = arith.constant 0 : i32
      %dma_start3A_79 = arith.constant 0 : i32
      %dma_start3A_80 = tpu.memref_slice %arg2[%dma_start3A_78, %dma_start3A_79] : memref<10000x128xf32, #tpu.memory_space<hbm>> -> memref<10000x128xf32, #tpu.memory_space<hbm>>
      tpu.enqueue_indirect_dma source(%dma_start3A_80 : memref<10000x128xf32, #tpu.memory_space<hbm>>) target(%arg15 : memref<80x128xf32, #tpu.memory_space<vmem>>) offsets(%arg7 : memref<80xi32, #tpu.memory_space<vmem>>) semaphore(%arg24 : memref<!tpu.dma_semaphore, #tpu.memory_space<semaphore_mem>>)
      %dma_wait3A_81 = arith.constant 0 : i32
      %dma_wait3A_82 = tpu.memref_slice %arg4[%dma_wait3A_81] : memref<320000xi32, #tpu.memory_space<hbm>> -> memref<80xi32, #tpu.memory_space<hbm>>
      %dma_wait3A_83 = arith.constant 0 : i32
      %dma_wait3A_84 = tpu.memref_slice %arg4[%dma_wait3A_83] : memref<320000xi32, #tpu.memory_space<hbm>> -> memref<80xi32, #tpu.memory_space<hbm>>
      tpu.wait_dma2 semaphore(%arg21 : memref<!tpu.dma_semaphore, #tpu.memory_space<semaphore_mem>>) src(%dma_wait3A_84 : memref<80xi32, #tpu.memory_space<hbm>>) dst(%arg8 : memref<80xi32, #tpu.memory_space<vmem>>)
      %dma_wait3A_85 = arith.constant 0 : i32
      %dma_wait3A_86 = tpu.memref_slice %arg3[%dma_wait3A_85] : memref<320000xi32, #tpu.memory_space<hbm>> -> memref<80xi32, #tpu.memory_space<hbm>>
      %dma_wait3A_87 = arith.constant 0 : i32
      %dma_wait3A_88 = tpu.memref_slice %arg3[%dma_wait3A_87] : memref<320000xi32, #tpu.memory_space<hbm>> -> memref<80xi32, #tpu.memory_space<hbm>>
      tpu.wait_dma2 semaphore(%arg21 : memref<!tpu.dma_semaphore, #tpu.memory_space<semaphore_mem>>) src(%dma_wait3A_88 : memref<80xi32, #tpu.memory_space<hbm>>) dst(%arg12 : memref<80xi32, #tpu.memory_space<vmem>>)
      %dma_start3A_89 = arith.constant 0 : i32
      %dma_start3A_90 = arith.constant 0 : i32
      %dma_start3A_91 = tpu.memref_slice %arg2[%dma_start3A_89, %dma_start3A_90] : memref<10000x128xf32, #tpu.memory_space<hbm>> -> memref<10000x128xf32, #tpu.memory_space<hbm>>
      tpu.enqueue_indirect_dma source(%dma_start3A_91 : memref<10000x128xf32, #tpu.memory_space<hbm>>) target(%arg16 : memref<80x128xf32, #tpu.memory_space<vmem>>) offsets(%arg8 : memref<80xi32, #tpu.memory_space<vmem>>) semaphore(%arg25 : memref<!tpu.dma_semaphore, #tpu.memory_space<semaphore_mem>>)
      %dma_wait3A_92 = arith.constant 0 : i32
      %dma_wait3A_93 = tpu.memref_slice %arg4[%dma_wait3A_92] : memref<320000xi32, #tpu.memory_space<hbm>> -> memref<80xi32, #tpu.memory_space<hbm>>
      %dma_wait3A_94 = arith.constant 0 : i32
      %dma_wait3A_95 = tpu.memref_slice %arg4[%dma_wait3A_94] : memref<320000xi32, #tpu.memory_space<hbm>> -> memref<80xi32, #tpu.memory_space<hbm>>
      tpu.wait_dma2 semaphore(%arg22 : memref<!tpu.dma_semaphore, #tpu.memory_space<semaphore_mem>>) src(%dma_wait3A_95 : memref<80xi32, #tpu.memory_space<hbm>>) dst(%arg9 : memref<80xi32, #tpu.memory_space<vmem>>)
      %dma_wait3A_96 = arith.constant 0 : i32
      %dma_wait3A_97 = tpu.memref_slice %arg3[%dma_wait3A_96] : memref<320000xi32, #tpu.memory_space<hbm>> -> memref<80xi32, #tpu.memory_space<hbm>>
      %dma_wait3A_98 = arith.constant 0 : i32
      %dma_wait3A_99 = tpu.memref_slice %arg3[%dma_wait3A_98] : memref<320000xi32, #tpu.memory_space<hbm>> -> memref<80xi32, #tpu.memory_space<hbm>>
      tpu.wait_dma2 semaphore(%arg22 : memref<!tpu.dma_semaphore, #tpu.memory_space<semaphore_mem>>) src(%dma_wait3A_99 : memref<80xi32, #tpu.memory_space<hbm>>) dst(%arg13 : memref<80xi32, #tpu.memory_space<vmem>>)
      %dma_start3A_100 = arith.constant 0 : i32
      %dma_start3A_101 = arith.constant 0 : i32
      %dma_start3A_102 = tpu.memref_slice %arg2[%dma_start3A_100, %dma_start3A_101] : memref<10000x128xf32, #tpu.memory_space<hbm>> -> memref<10000x128xf32, #tpu.memory_space<hbm>>
      tpu.enqueue_indirect_dma source(%dma_start3A_102 : memref<10000x128xf32, #tpu.memory_space<hbm>>) target(%arg17 : memref<80x128xf32, #tpu.memory_space<vmem>>) offsets(%arg9 : memref<80xi32, #tpu.memory_space<vmem>>) semaphore(%arg26 : memref<!tpu.dma_semaphore, #tpu.memory_space<semaphore_mem>>)
      %dma_wait3A_103 = arith.constant 0 : i32
      %dma_wait3A_104 = tpu.memref_slice %arg4[%dma_wait3A_103] : memref<320000xi32, #tpu.memory_space<hbm>> -> memref<80xi32, #tpu.memory_space<hbm>>
      %dma_wait3A_105 = arith.constant 0 : i32
      %dma_wait3A_106 = tpu.memref_slice %arg4[%dma_wait3A_105] : memref<320000xi32, #tpu.memory_space<hbm>> -> memref<80xi32, #tpu.memory_space<hbm>>
      tpu.wait_dma2 semaphore(%arg23 : memref<!tpu.dma_semaphore, #tpu.memory_space<semaphore_mem>>) src(%dma_wait3A_106 : memref<80xi32, #tpu.memory_space<hbm>>) dst(%arg10 : memref<80xi32, #tpu.memory_space<vmem>>)
      %dma_wait3A_107 = arith.constant 0 : i32
      %dma_wait3A_108 = tpu.memref_slice %arg3[%dma_wait3A_107] : memref<320000xi32, #tpu.memory_space<hbm>> -> memref<80xi32, #tpu.memory_space<hbm>>
      %dma_wait3A_109 = arith.constant 0 : i32
      %dma_wait3A_110 = tpu.memref_slice %arg3[%dma_wait3A_109] : memref<320000xi32, #tpu.memory_space<hbm>> -> memref<80xi32, #tpu.memory_space<hbm>>
      tpu.wait_dma2 semaphore(%arg23 : memref<!tpu.dma_semaphore, #tpu.memory_space<semaphore_mem>>) src(%dma_wait3A_110 : memref<80xi32, #tpu.memory_space<hbm>>) dst(%arg14 : memref<80xi32, #tpu.memory_space<vmem>>)
      %dma_start3A_111 = arith.constant 0 : i32
      %dma_start3A_112 = arith.constant 0 : i32
      %dma_start3A_113 = tpu.memref_slice %arg2[%dma_start3A_111, %dma_start3A_112] : memref<10000x128xf32, #tpu.memory_space<hbm>> -> memref<10000x128xf32, #tpu.memory_space<hbm>>
      tpu.enqueue_indirect_dma source(%dma_start3A_113 : memref<10000x128xf32, #tpu.memory_space<hbm>>) target(%arg18 : memref<80x128xf32, #tpu.memory_space<vmem>>) offsets(%arg10 : memref<80xi32, #tpu.memory_space<vmem>>) semaphore(%arg27 : memref<!tpu.dma_semaphore, #tpu.memory_space<semaphore_mem>>)
      %dma_wait3A_114 = arith.constant 0 : i32
      %dma_wait3A_115 = arith.constant 0 : i32
      %dma_wait3A_116 = tpu.memref_slice %arg2[%dma_wait3A_114, %dma_wait3A_115] : memref<10000x128xf32, #tpu.memory_space<hbm>> -> memref<10000x128xf32, #tpu.memory_space<hbm>>
      tpu.wait_indirect_dma semaphore(%arg24 : memref<!tpu.dma_semaphore, #tpu.memory_space<semaphore_mem>>) src(%dma_wait3A_116 : memref<10000x128xf32, #tpu.memory_space<hbm>>) dst(%arg15 : memref<80x128xf32, #tpu.memory_space<vmem>>)
      "tpu.region"() ({
        %run_scoped3A = tpu.sem_alloc : memref<!tpu.dma_semaphore, #tpu.memory_space<semaphore_mem>>
        %dma_start3A_145 = arith.constant 0 : i32
        %dma_start3A_146 = arith.constant 0 : i32
        %dma_start3A_147 = tpu.memref_slice %arg19[%dma_start3A_145, %dma_start3A_146] : memref<10000x128xf32, #tpu.memory_space<vmem_shared>> -> memref<10000x128xf32, #tpu.memory_space<vmem_shared>>
        tpu.enqueue_indirect_dma source(%arg15 : memref<80x128xf32, #tpu.memory_space<vmem>>) target(%dma_start3A_147 : memref<10000x128xf32, #tpu.memory_space<vmem_shared>>) offsets(%arg11 : memref<80xi32, #tpu.memory_space<vmem>>) semaphore(%run_scoped3A : memref<!tpu.dma_semaphore, #tpu.memory_space<semaphore_mem>>) {add = true}
        %dma_wait3A_148 = arith.constant 0 : i32
        %dma_wait3A_149 = arith.constant 0 : i32
        %dma_wait3A_150 = tpu.memref_slice %arg19[%dma_wait3A_148, %dma_wait3A_149] : memref<10000x128xf32, #tpu.memory_space<vmem_shared>> -> memref<10000x128xf32, #tpu.memory_space<vmem_shared>>
        tpu.wait_indirect_dma semaphore(%run_scoped3A : memref<!tpu.dma_semaphore, #tpu.memory_space<semaphore_mem>>) src(%arg15 : memref<80x128xf32, #tpu.memory_space<vmem>>) dst(%dma_wait3A_150 : memref<10000x128xf32, #tpu.memory_space<vmem_shared>>)
        tpu.yield
      }) : () -> ()
      %lt3A = arith.constant 30 : i32
      %lt3A_117 = arith.cmpi slt, %add3A_69, %lt3A : i32
      %convert_element_type3A_118 = arith.extui %lt3A_117 : i1 to i32
      %cond3A_119 = arith.constant 0 : i32
      %cond3A_120 = arith.cmpi ne, %convert_element_type3A_118, %cond3A_119 : i32
      scf.if %cond3A_120 {
        %add3A_145 = arith.constant 1 : i32
        %add3A_146 = arith.addi %add3A_69, %add3A_145 : i32
        %mul3A_147 = arith.constant 4 : i32
        %mul3A_148 = arith.muli %add3A_146, %mul3A_147 : i32
        %add3A_149 = arith.constant 0 : i32
        %add3A_150 = arith.addi %mul3A_148, %add3A_149 : i32
        %mul3A_151 = arith.constant 80 : i32
        %mul3A_152 = arith.muli %add3A_150, %mul3A_151 : i32
        %add3A_153 = arith.addi %mul3A_8, %mul3A_152 : i32
        %dma_start3A_154 = tpu.memref_slice %arg4[%add3A_153] : memref<320000xi32, #tpu.memory_space<hbm>> -> memref<80xi32, #tpu.memory_space<hbm>>
        %dma_start3A_155 = tpu.memref_slice %arg4[%add3A_153] : memref<320000xi32, #tpu.memory_space<hbm>> -> memref<80xi32, #tpu.memory_space<hbm>>
        tpu.enqueue_dma source(%dma_start3A_155 : memref<80xi32, #tpu.memory_space<hbm>>) target(%arg7 : memref<80xi32, #tpu.memory_space<vmem>>) target_semaphore(%arg20 : memref<!tpu.dma_semaphore, #tpu.memory_space<semaphore_mem>>)
        %dma_start3A_156 = tpu.memref_slice %arg3[%add3A_153] : memref<320000xi32, #tpu.memory_space<hbm>> -> memref<80xi32, #tpu.memory_space<hbm>>
        %dma_start3A_157 = tpu.memref_slice %arg3[%add3A_153] : memref<320000xi32, #tpu.memory_space<hbm>> -> memref<80xi32, #tpu.memory_space<hbm>>
        tpu.enqueue_dma source(%dma_start3A_157 : memref<80xi32, #tpu.memory_space<hbm>>) target(%arg11 : memref<80xi32, #tpu.memory_space<vmem>>) target_semaphore(%arg20 : memref<!tpu.dma_semaphore, #tpu.memory_space<semaphore_mem>>)
      } else {
      }
      %dma_wait3A_121 = arith.constant 0 : i32
      %dma_wait3A_122 = arith.constant 0 : i32
      %dma_wait3A_123 = tpu.memref_slice %arg2[%dma_wait3A_121, %dma_wait3A_122] : memref<10000x128xf32, #tpu.memory_space<hbm>> -> memref<10000x128xf32, #tpu.memory_space<hbm>>
      tpu.wait_indirect_dma semaphore(%arg25 : memref<!tpu.dma_semaphore, #tpu.memory_space<semaphore_mem>>) src(%dma_wait3A_123 : memref<10000x128xf32, #tpu.memory_space<hbm>>) dst(%arg16 : memref<80x128xf32, #tpu.memory_space<vmem>>)
      "tpu.region"() ({
        %run_scoped3A = tpu.sem_alloc : memref<!tpu.dma_semaphore, #tpu.memory_space<semaphore_mem>>
        %dma_start3A_145 = arith.constant 0 : i32
        %dma_start3A_146 = arith.constant 0 : i32
        %dma_start3A_147 = tpu.memref_slice %arg19[%dma_start3A_145, %dma_start3A_146] : memref<10000x128xf32, #tpu.memory_space<vmem_shared>> -> memref<10000x128xf32, #tpu.memory_space<vmem_shared>>
        tpu.enqueue_indirect_dma source(%arg16 : memref<80x128xf32, #tpu.memory_space<vmem>>) target(%dma_start3A_147 : memref<10000x128xf32, #tpu.memory_space<vmem_shared>>) offsets(%arg12 : memref<80xi32, #tpu.memory_space<vmem>>) semaphore(%run_scoped3A : memref<!tpu.dma_semaphore, #tpu.memory_space<semaphore_mem>>) {add = true}
        %dma_wait3A_148 = arith.constant 0 : i32
        %dma_wait3A_149 = arith.constant 0 : i32
        %dma_wait3A_150 = tpu.memref_slice %arg19[%dma_wait3A_148, %dma_wait3A_149] : memref<10000x128xf32, #tpu.memory_space<vmem_shared>> -> memref<10000x128xf32, #tpu.memory_space<vmem_shared>>
        tpu.wait_indirect_dma semaphore(%run_scoped3A : memref<!tpu.dma_semaphore, #tpu.memory_space<semaphore_mem>>) src(%arg16 : memref<80x128xf32, #tpu.memory_space<vmem>>) dst(%dma_wait3A_150 : memref<10000x128xf32, #tpu.memory_space<vmem_shared>>)
        tpu.yield
      }) : () -> ()
      %lt3A_124 = arith.constant 30 : i32
      %lt3A_125 = arith.cmpi slt, %add3A_69, %lt3A_124 : i32
      %convert_element_type3A_126 = arith.extui %lt3A_125 : i1 to i32
      %cond3A_127 = arith.constant 0 : i32
      %cond3A_128 = arith.cmpi ne, %convert_element_type3A_126, %cond3A_127 : i32
      scf.if %cond3A_128 {
        %add3A_145 = arith.constant 1 : i32
        %add3A_146 = arith.addi %add3A_69, %add3A_145 : i32
        %mul3A_147 = arith.constant 4 : i32
        %mul3A_148 = arith.muli %add3A_146, %mul3A_147 : i32
        %add3A_149 = arith.constant 1 : i32
        %add3A_150 = arith.addi %mul3A_148, %add3A_149 : i32
        %mul3A_151 = arith.constant 80 : i32
        %mul3A_152 = arith.muli %add3A_150, %mul3A_151 : i32
        %add3A_153 = arith.addi %mul3A_8, %mul3A_152 : i32
        %dma_start3A_154 = tpu.memref_slice %arg4[%add3A_153] : memref<320000xi32, #tpu.memory_space<hbm>> -> memref<80xi32, #tpu.memory_space<hbm>>
        %dma_start3A_155 = tpu.memref_slice %arg4[%add3A_153] : memref<320000xi32, #tpu.memory_space<hbm>> -> memref<80xi32, #tpu.memory_space<hbm>>
        tpu.enqueue_dma source(%dma_start3A_155 : memref<80xi32, #tpu.memory_space<hbm>>) target(%arg8 : memref<80xi32, #tpu.memory_space<vmem>>) target_semaphore(%arg21 : memref<!tpu.dma_semaphore, #tpu.memory_space<semaphore_mem>>)
        %dma_start3A_156 = tpu.memref_slice %arg3[%add3A_153] : memref<320000xi32, #tpu.memory_space<hbm>> -> memref<80xi32, #tpu.memory_space<hbm>>
        %dma_start3A_157 = tpu.memref_slice %arg3[%add3A_153] : memref<320000xi32, #tpu.memory_space<hbm>> -> memref<80xi32, #tpu.memory_space<hbm>>
        tpu.enqueue_dma source(%dma_start3A_157 : memref<80xi32, #tpu.memory_space<hbm>>) target(%arg12 : memref<80xi32, #tpu.memory_space<vmem>>) target_semaphore(%arg21 : memref<!tpu.dma_semaphore, #tpu.memory_space<semaphore_mem>>)
      } else {
      }
      %dma_wait3A_129 = arith.constant 0 : i32
      %dma_wait3A_130 = arith.constant 0 : i32
      %dma_wait3A_131 = tpu.memref_slice %arg2[%dma_wait3A_129, %dma_wait3A_130] : memref<10000x128xf32, #tpu.memory_space<hbm>> -> memref<10000x128xf32, #tpu.memory_space<hbm>>
      tpu.wait_indirect_dma semaphore(%arg26 : memref<!tpu.dma_semaphore, #tpu.memory_space<semaphore_mem>>) src(%dma_wait3A_131 : memref<10000x128xf32, #tpu.memory_space<hbm>>) dst(%arg17 : memref<80x128xf32, #tpu.memory_space<vmem>>)
      "tpu.region"() ({
        %run_scoped3A = tpu.sem_alloc : memref<!tpu.dma_semaphore, #tpu.memory_space<semaphore_mem>>
        %dma_start3A_145 = arith.constant 0 : i32
        %dma_start3A_146 = arith.constant 0 : i32
        %dma_start3A_147 = tpu.memref_slice %arg19[%dma_start3A_145, %dma_start3A_146] : memref<10000x128xf32, #tpu.memory_space<vmem_shared>> -> memref<10000x128xf32, #tpu.memory_space<vmem_shared>>
        tpu.enqueue_indirect_dma source(%arg17 : memref<80x128xf32, #tpu.memory_space<vmem>>) target(%dma_start3A_147 : memref<10000x128xf32, #tpu.memory_space<vmem_shared>>) offsets(%arg13 : memref<80xi32, #tpu.memory_space<vmem>>) semaphore(%run_scoped3A : memref<!tpu.dma_semaphore, #tpu.memory_space<semaphore_mem>>) {add = true}
        %dma_wait3A_148 = arith.constant 0 : i32
        %dma_wait3A_149 = arith.constant 0 : i32
        %dma_wait3A_150 = tpu.memref_slice %arg19[%dma_wait3A_148, %dma_wait3A_149] : memref<10000x128xf32, #tpu.memory_space<vmem_shared>> -> memref<10000x128xf32, #tpu.memory_space<vmem_shared>>
        tpu.wait_indirect_dma semaphore(%run_scoped3A : memref<!tpu.dma_semaphore, #tpu.memory_space<semaphore_mem>>) src(%arg17 : memref<80x128xf32, #tpu.memory_space<vmem>>) dst(%dma_wait3A_150 : memref<10000x128xf32, #tpu.memory_space<vmem_shared>>)
        tpu.yield
      }) : () -> ()
      %lt3A_132 = arith.constant 30 : i32
      %lt3A_133 = arith.cmpi slt, %add3A_69, %lt3A_132 : i32
      %convert_element_type3A_134 = arith.extui %lt3A_133 : i1 to i32
      %cond3A_135 = arith.constant 0 : i32
      %cond3A_136 = arith.cmpi ne, %convert_element_type3A_134, %cond3A_135 : i32
      scf.if %cond3A_136 {
        %add3A_145 = arith.constant 1 : i32
        %add3A_146 = arith.addi %add3A_69, %add3A_145 : i32
        %mul3A_147 = arith.constant 4 : i32
        %mul3A_148 = arith.muli %add3A_146, %mul3A_147 : i32
        %add3A_149 = arith.constant 2 : i32
        %add3A_150 = arith.addi %mul3A_148, %add3A_149 : i32
        %mul3A_151 = arith.constant 80 : i32
        %mul3A_152 = arith.muli %add3A_150, %mul3A_151 : i32
        %add3A_153 = arith.addi %mul3A_8, %mul3A_152 : i32
        %dma_start3A_154 = tpu.memref_slice %arg4[%add3A_153] : memref<320000xi32, #tpu.memory_space<hbm>> -> memref<80xi32, #tpu.memory_space<hbm>>
        %dma_start3A_155 = tpu.memref_slice %arg4[%add3A_153] : memref<320000xi32, #tpu.memory_space<hbm>> -> memref<80xi32, #tpu.memory_space<hbm>>
        tpu.enqueue_dma source(%dma_start3A_155 : memref<80xi32, #tpu.memory_space<hbm>>) target(%arg9 : memref<80xi32, #tpu.memory_space<vmem>>) target_semaphore(%arg22 : memref<!tpu.dma_semaphore, #tpu.memory_space<semaphore_mem>>)
        %dma_start3A_156 = tpu.memref_slice %arg3[%add3A_153] : memref<320000xi32, #tpu.memory_space<hbm>> -> memref<80xi32, #tpu.memory_space<hbm>>
        %dma_start3A_157 = tpu.memref_slice %arg3[%add3A_153] : memref<320000xi32, #tpu.memory_space<hbm>> -> memref<80xi32, #tpu.memory_space<hbm>>
        tpu.enqueue_dma source(%dma_start3A_157 : memref<80xi32, #tpu.memory_space<hbm>>) target(%arg13 : memref<80xi32, #tpu.memory_space<vmem>>) target_semaphore(%arg22 : memref<!tpu.dma_semaphore, #tpu.memory_space<semaphore_mem>>)
      } else {
      }
      %dma_wait3A_137 = arith.constant 0 : i32
      %dma_wait3A_138 = arith.constant 0 : i32
      %dma_wait3A_139 = tpu.memref_slice %arg2[%dma_wait3A_137, %dma_wait3A_138] : memref<10000x128xf32, #tpu.memory_space<hbm>> -> memref<10000x128xf32, #tpu.memory_space<hbm>>
      tpu.wait_indirect_dma semaphore(%arg27 : memref<!tpu.dma_semaphore, #tpu.memory_space<semaphore_mem>>) src(%dma_wait3A_139 : memref<10000x128xf32, #tpu.memory_space<hbm>>) dst(%arg18 : memref<80x128xf32, #tpu.memory_space<vmem>>)
      "tpu.region"() ({
        %run_scoped3A = tpu.sem_alloc : memref<!tpu.dma_semaphore, #tpu.memory_space<semaphore_mem>>
        %dma_start3A_145 = arith.constant 0 : i32
        %dma_start3A_146 = arith.constant 0 : i32
        %dma_start3A_147 = tpu.memref_slice %arg19[%dma_start3A_145, %dma_start3A_146] : memref<10000x128xf32, #tpu.memory_space<vmem_shared>> -> memref<10000x128xf32, #tpu.memory_space<vmem_shared>>
        tpu.enqueue_indirect_dma source(%arg18 : memref<80x128xf32, #tpu.memory_space<vmem>>) target(%dma_start3A_147 : memref<10000x128xf32, #tpu.memory_space<vmem_shared>>) offsets(%arg14 : memref<80xi32, #tpu.memory_space<vmem>>) semaphore(%run_scoped3A : memref<!tpu.dma_semaphore, #tpu.memory_space<semaphore_mem>>) {add = true}
        %dma_wait3A_148 = arith.constant 0 : i32
        %dma_wait3A_149 = arith.constant 0 : i32
        %dma_wait3A_150 = tpu.memref_slice %arg19[%dma_wait3A_148, %dma_wait3A_149] : memref<10000x128xf32, #tpu.memory_space<vmem_shared>> -> memref<10000x128xf32, #tpu.memory_space<vmem_shared>>
        tpu.wait_indirect_dma semaphore(%run_scoped3A : memref<!tpu.dma_semaphore, #tpu.memory_space<semaphore_mem>>) src(%arg18 : memref<80x128xf32, #tpu.memory_space<vmem>>) dst(%dma_wait3A_150 : memref<10000x128xf32, #tpu.memory_space<vmem_shared>>)
        tpu.yield
      }) : () -> ()
      %lt3A_140 = arith.constant 30 : i32
      %lt3A_141 = arith.cmpi slt, %add3A_69, %lt3A_140 : i32
      %convert_element_type3A_142 = arith.extui %lt3A_141 : i1 to i32
      %cond3A_143 = arith.constant 0 : i32
      %cond3A_144 = arith.cmpi ne, %convert_element_type3A_142, %cond3A_143 : i32
      scf.if %cond3A_144 {
        %add3A_145 = arith.constant 1 : i32
        %add3A_146 = arith.addi %add3A_69, %add3A_145 : i32
        %mul3A_147 = arith.constant 4 : i32
        %mul3A_148 = arith.muli %add3A_146, %mul3A_147 : i32
        %add3A_149 = arith.constant 3 : i32
        %add3A_150 = arith.addi %mul3A_148, %add3A_149 : i32
        %mul3A_151 = arith.constant 80 : i32
        %mul3A_152 = arith.muli %add3A_150, %mul3A_151 : i32
        %add3A_153 = arith.addi %mul3A_8, %mul3A_152 : i32
        %dma_start3A_154 = tpu.memref_slice %arg4[%add3A_153] : memref<320000xi32, #tpu.memory_space<hbm>> -> memref<80xi32, #tpu.memory_space<hbm>>
        %dma_start3A_155 = tpu.memref_slice %arg4[%add3A_153] : memref<320000xi32, #tpu.memory_space<hbm>> -> memref<80xi32, #tpu.memory_space<hbm>>
        tpu.enqueue_dma source(%dma_start3A_155 : memref<80xi32, #tpu.memory_space<hbm>>) target(%arg10 : memref<80xi32, #tpu.memory_space<vmem>>) target_semaphore(%arg23 : memref<!tpu.dma_semaphore, #tpu.memory_space<semaphore_mem>>)
        %dma_start3A_156 = tpu.memref_slice %arg3[%add3A_153] : memref<320000xi32, #tpu.memory_space<hbm>> -> memref<80xi32, #tpu.memory_space<hbm>>
        %dma_start3A_157 = tpu.memref_slice %arg3[%add3A_153] : memref<320000xi32, #tpu.memory_space<hbm>> -> memref<80xi32, #tpu.memory_space<hbm>>
        tpu.enqueue_dma source(%dma_start3A_157 : memref<80xi32, #tpu.memory_space<hbm>>) target(%arg14 : memref<80xi32, #tpu.memory_space<vmem>>) target_semaphore(%arg23 : memref<!tpu.dma_semaphore, #tpu.memory_space<semaphore_mem>>)
      } else {
      }
    }
    %scan3A_35 = arith.constant 31 : i32
    %add3A_36 = arith.constant 9920 : i32
    %add3A_37 = arith.addi %mul3A_8, %add3A_36 : i32
    %dma_start3A_38 = tpu.memref_slice %arg4[%add3A_37] : memref<320000xi32, #tpu.memory_space<hbm>> -> memref<80xi32, #tpu.memory_space<hbm>>
    %dma_start3A_39 = tpu.memref_slice %arg4[%add3A_37] : memref<320000xi32, #tpu.memory_space<hbm>> -> memref<80xi32, #tpu.memory_space<hbm>>
    tpu.enqueue_dma source(%dma_start3A_39 : memref<80xi32, #tpu.memory_space<hbm>>) target(%arg7 : memref<80xi32, #tpu.memory_space<vmem>>) target_semaphore(%arg20 : memref<!tpu.dma_semaphore, #tpu.memory_space<semaphore_mem>>)
    %dma_start3A_40 = tpu.memref_slice %arg3[%add3A_37] : memref<320000xi32, #tpu.memory_space<hbm>> -> memref<80xi32, #tpu.memory_space<hbm>>
    %dma_start3A_41 = tpu.memref_slice %arg3[%add3A_37] : memref<320000xi32, #tpu.memory_space<hbm>> -> memref<80xi32, #tpu.memory_space<hbm>>
    tpu.enqueue_dma source(%dma_start3A_41 : memref<80xi32, #tpu.memory_space<hbm>>) target(%arg11 : memref<80xi32, #tpu.memory_space<vmem>>) target_semaphore(%arg20 : memref<!tpu.dma_semaphore, #tpu.memory_space<semaphore_mem>>)
    %dma_wait3A = arith.constant 0 : i32
    %dma_wait3A_42 = tpu.memref_slice %arg4[%dma_wait3A] : memref<320000xi32, #tpu.memory_space<hbm>> -> memref<80xi32, #tpu.memory_space<hbm>>
    %dma_wait3A_43 = arith.constant 0 : i32
    %dma_wait3A_44 = tpu.memref_slice %arg4[%dma_wait3A_43] : memref<320000xi32, #tpu.memory_space<hbm>> -> memref<80xi32, #tpu.memory_space<hbm>>
    tpu.wait_dma2 semaphore(%arg20 : memref<!tpu.dma_semaphore, #tpu.memory_space<semaphore_mem>>) src(%dma_wait3A_44 : memref<80xi32, #tpu.memory_space<hbm>>) dst(%arg7 : memref<80xi32, #tpu.memory_space<vmem>>)
    %dma_wait3A_45 = arith.constant 0 : i32
    %dma_wait3A_46 = tpu.memref_slice %arg3[%dma_wait3A_45] : memref<320000xi32, #tpu.memory_space<hbm>> -> memref<80xi32, #tpu.memory_space<hbm>>
    %dma_wait3A_47 = arith.constant 0 : i32
    %dma_wait3A_48 = tpu.memref_slice %arg3[%dma_wait3A_47] : memref<320000xi32, #tpu.memory_space<hbm>> -> memref<80xi32, #tpu.memory_space<hbm>>
    tpu.wait_dma2 semaphore(%arg20 : memref<!tpu.dma_semaphore, #tpu.memory_space<semaphore_mem>>) src(%dma_wait3A_48 : memref<80xi32, #tpu.memory_space<hbm>>) dst(%arg11 : memref<80xi32, #tpu.memory_space<vmem>>)
    %dma_start3A_49 = arith.constant 0 : i32
    %dma_start3A_50 = arith.constant 0 : i32
    %dma_start3A_51 = tpu.memref_slice %arg2[%dma_start3A_49, %dma_start3A_50] : memref<10000x128xf32, #tpu.memory_space<hbm>> -> memref<10000x128xf32, #tpu.memory_space<hbm>>
    tpu.enqueue_indirect_dma source(%dma_start3A_51 : memref<10000x128xf32, #tpu.memory_space<hbm>>) target(%arg15 : memref<80x128xf32, #tpu.memory_space<vmem>>) offsets(%arg7 : memref<80xi32, #tpu.memory_space<vmem>>) semaphore(%arg24 : memref<!tpu.dma_semaphore, #tpu.memory_space<semaphore_mem>>)
    %dma_wait3A_52 = arith.constant 0 : i32
    %dma_wait3A_53 = arith.constant 0 : i32
    %dma_wait3A_54 = tpu.memref_slice %arg2[%dma_wait3A_52, %dma_wait3A_53] : memref<10000x128xf32, #tpu.memory_space<hbm>> -> memref<10000x128xf32, #tpu.memory_space<hbm>>
    tpu.wait_indirect_dma semaphore(%arg24 : memref<!tpu.dma_semaphore, #tpu.memory_space<semaphore_mem>>) src(%dma_wait3A_54 : memref<10000x128xf32, #tpu.memory_space<hbm>>) dst(%arg15 : memref<80x128xf32, #tpu.memory_space<vmem>>)
    "tpu.region"() ({
      %run_scoped3A = tpu.sem_alloc : memref<!tpu.dma_semaphore, #tpu.memory_space<semaphore_mem>>
      %dma_start3A_65 = arith.constant 0 : i32
      %dma_start3A_66 = arith.constant 0 : i32
      %dma_start3A_67 = tpu.memref_slice %arg19[%dma_start3A_65, %dma_start3A_66] : memref<10000x128xf32, #tpu.memory_space<vmem_shared>> -> memref<10000x128xf32, #tpu.memory_space<vmem_shared>>
      tpu.enqueue_indirect_dma source(%arg15 : memref<80x128xf32, #tpu.memory_space<vmem>>) target(%dma_start3A_67 : memref<10000x128xf32, #tpu.memory_space<vmem_shared>>) offsets(%arg11 : memref<80xi32, #tpu.memory_space<vmem>>) semaphore(%run_scoped3A : memref<!tpu.dma_semaphore, #tpu.memory_space<semaphore_mem>>) {add = true}
      %dma_wait3A_68 = arith.constant 0 : i32
      %dma_wait3A_69 = arith.constant 0 : i32
      %dma_wait3A_70 = tpu.memref_slice %arg19[%dma_wait3A_68, %dma_wait3A_69] : memref<10000x128xf32, #tpu.memory_space<vmem_shared>> -> memref<10000x128xf32, #tpu.memory_space<vmem_shared>>
      tpu.wait_indirect_dma semaphore(%run_scoped3A : memref<!tpu.dma_semaphore, #tpu.memory_space<semaphore_mem>>) src(%arg15 : memref<80x128xf32, #tpu.memory_space<vmem>>) dst(%dma_wait3A_70 : memref<10000x128xf32, #tpu.memory_space<vmem_shared>>)
      tpu.yield
    }) : () -> ()
    %barrier3A_55 = arith.constant 0 : index
    tpu.barrier barrier_id(%barrier3A_55)
    %mul3A_56 = arith.constant 624 : i32
    %mul3A_57 = arith.muli %arg1, %mul3A_56 : i32
    %mul3A_58 = arith.constant 624 : i32
    %mul3A_59 = arith.muli %arg1, %mul3A_58 : i32
    "tpu.region"() ({
      %run_scoped3A = tpu.sem_alloc : memref<!tpu.dma_semaphore, #tpu.memory_space<semaphore_mem>>
      %dma_start3A_65 = arith.constant 0 : i32
      %dma_start3A_66 = arith.constant 0 : i32
      %dma_start3A_67 = tpu.memref_slice %arg6[%arg0, %dma_start3A_65, %dma_start3A_66] : memref<2x10112x128xf32, #tpu.memory_space<hbm>> -> memref<1x10112x128xf32, #tpu.memory_space<hbm>>
      %dma_start3A_68 = tpu.memref_squeeze %dma_start3A_67 : memref<1x10112x128xf32, #tpu.memory_space<hbm>> -> memref<10112x128xf32, #tpu.memory_space<hbm>>
      %dma_start3A_69 = arith.constant 0 : i32
      %dma_start3A_70 = tpu.memref_slice %dma_start3A_68[%mul3A_59, %dma_start3A_69] : memref<10112x128xf32, #tpu.memory_space<hbm>> -> memref<624x128xf32, #tpu.memory_space<hbm>>
      %dma_start3A_71 = arith.constant 0 : i32
      %dma_start3A_72 = tpu.memref_slice %arg19[%mul3A_57, %dma_start3A_71] : memref<10000x128xf32, #tpu.memory_space<vmem_shared>> -> memref<624x128xf32, #tpu.memory_space<vmem_shared>>
      tpu.enqueue_dma source(%dma_start3A_72 : memref<624x128xf32, #tpu.memory_space<vmem_shared>>) target(%dma_start3A_70 : memref<624x128xf32, #tpu.memory_space<hbm>>) target_semaphore(%run_scoped3A : memref<!tpu.dma_semaphore, #tpu.memory_space<semaphore_mem>>)
      %dma_wait3A_73 = arith.constant 0 : i32
      %dma_wait3A_74 = arith.constant 0 : i32
      %dma_wait3A_75 = tpu.memref_slice %arg6[%arg0, %dma_wait3A_73, %dma_wait3A_74] : memref<2x10112x128xf32, #tpu.memory_space<hbm>> -> memref<1x10112x128xf32, #tpu.memory_space<hbm>>
      %dma_wait3A_76 = tpu.memref_squeeze %dma_wait3A_75 : memref<1x10112x128xf32, #tpu.memory_space<hbm>> -> memref<10112x128xf32, #tpu.memory_space<hbm>>
      %dma_wait3A_77 = arith.constant 0 : i32
      %dma_wait3A_78 = tpu.memref_slice %dma_wait3A_76[%mul3A_59, %dma_wait3A_77] : memref<10112x128xf32, #tpu.memory_space<hbm>> -> memref<624x128xf32, #tpu.memory_space<hbm>>
      %dma_wait3A_79 = arith.constant 0 : i32
      %dma_wait3A_80 = tpu.memref_slice %arg19[%mul3A_57, %dma_wait3A_79] : memref<10000x128xf32, #tpu.memory_space<vmem_shared>> -> memref<624x128xf32, #tpu.memory_space<vmem_shared>>
      tpu.wait_dma2 semaphore(%run_scoped3A : memref<!tpu.dma_semaphore, #tpu.memory_space<semaphore_mem>>) src(%dma_wait3A_80 : memref<624x128xf32, #tpu.memory_space<vmem_shared>>) dst(%dma_wait3A_78 : memref<624x128xf32, #tpu.memory_space<hbm>>)
      tpu.yield
    }) : () -> ()
    %eq3A_60 = arith.constant 15 : i32
    %eq3A_61 = arith.cmpi eq, %arg1, %eq3A_60 : i32
    %convert_element_type3A_62 = arith.extui %eq3A_61 : i1 to i32
    %cond3A_63 = arith.constant 0 : i32
    %cond3A_64 = arith.cmpi ne, %convert_element_type3A_62, %cond3A_63 : i32
    scf.if %cond3A_64 {
      "tpu.region"() ({
        %run_scoped3A = tpu.sem_alloc : memref<!tpu.dma_semaphore, #tpu.memory_space<semaphore_mem>>
        %dma_start3A_65 = arith.constant 0 : i32
        %dma_start3A_66 = arith.constant 0 : i32
        %dma_start3A_67 = tpu.memref_slice %arg6[%arg0, %dma_start3A_65, %dma_start3A_66] : memref<2x10112x128xf32, #tpu.memory_space<hbm>> -> memref<1x10112x128xf32, #tpu.memory_space<hbm>>
        %dma_start3A_68 = tpu.memref_squeeze %dma_start3A_67 : memref<1x10112x128xf32, #tpu.memory_space<hbm>> -> memref<10112x128xf32, #tpu.memory_space<hbm>>
        %dma_start3A_69 = arith.constant 9984 : i32
        %dma_start3A_70 = arith.constant 0 : i32
        %dma_start3A_71 = tpu.memref_slice %dma_start3A_68[%dma_start3A_69, %dma_start3A_70] : memref<10112x128xf32, #tpu.memory_space<hbm>> -> memref<16x128xf32, #tpu.memory_space<hbm>>
        %dma_start3A_72 = arith.constant 9984 : i32
        %dma_start3A_73 = arith.constant 0 : i32
        %dma_start3A_74 = tpu.memref_slice %arg19[%dma_start3A_72, %dma_start3A_73] : memref<10000x128xf32, #tpu.memory_space<vmem_shared>> -> memref<16x128xf32, #tpu.memory_space<vmem_shared>>
        tpu.enqueue_dma source(%dma_start3A_74 : memref<16x128xf32, #tpu.memory_space<vmem_shared>>) target(%dma_start3A_71 : memref<16x128xf32, #tpu.memory_space<hbm>>) target_semaphore(%run_scoped3A : memref<!tpu.dma_semaphore, #tpu.memory_space<semaphore_mem>>)
        %dma_wait3A_75 = arith.constant 0 : i32
        %dma_wait3A_76 = arith.constant 0 : i32
        %dma_wait3A_77 = tpu.memref_slice %arg6[%arg0, %dma_wait3A_75, %dma_wait3A_76] : memref<2x10112x128xf32, #tpu.memory_space<hbm>> -> memref<1x10112x128xf32, #tpu.memory_space<hbm>>
        %dma_wait3A_78 = tpu.memref_squeeze %dma_wait3A_77 : memref<1x10112x128xf32, #tpu.memory_space<hbm>> -> memref<10112x128xf32, #tpu.memory_space<hbm>>
        %dma_wait3A_79 = arith.constant 9984 : i32
        %dma_wait3A_80 = arith.constant 0 : i32
        %dma_wait3A_81 = tpu.memref_slice %dma_wait3A_78[%dma_wait3A_79, %dma_wait3A_80] : memref<10112x128xf32, #tpu.memory_space<hbm>> -> memref<16x128xf32, #tpu.memory_space<hbm>>
        %dma_wait3A_82 = arith.constant 9984 : i32
        %dma_wait3A_83 = arith.constant 0 : i32
        %dma_wait3A_84 = tpu.memref_slice %arg19[%dma_wait3A_82, %dma_wait3A_83] : memref<10000x128xf32, #tpu.memory_space<vmem_shared>> -> memref<16x128xf32, #tpu.memory_space<vmem_shared>>
        tpu.wait_dma2 semaphore(%run_scoped3A : memref<!tpu.dma_semaphore, #tpu.memory_space<semaphore_mem>>) src(%dma_wait3A_84 : memref<16x128xf32, #tpu.memory_space<vmem_shared>>) dst(%dma_wait3A_81 : memref<16x128xf32, #tpu.memory_space<hbm>>)
        tpu.yield
      }) : () -> ()
      "tpu.region"() ({
        %run_scoped3A = tpu.sem_alloc : memref<!tpu.dma_semaphore, #tpu.memory_space<semaphore_mem>>
        %dma_start3A_65 = arith.constant 0 : i32
        %dma_start3A_66 = arith.constant 0 : i32
        %dma_start3A_67 = tpu.memref_slice %arg6[%arg0, %dma_start3A_65, %dma_start3A_66] : memref<2x10112x128xf32, #tpu.memory_space<hbm>> -> memref<1x10112x128xf32, #tpu.memory_space<hbm>>
        %dma_start3A_68 = tpu.memref_squeeze %dma_start3A_67 : memref<1x10112x128xf32, #tpu.memory_space<hbm>> -> memref<10112x128xf32, #tpu.memory_space<hbm>>
        %dma_start3A_69 = arith.constant 10000 : i32
        %dma_start3A_70 = arith.constant 0 : i32
        %dma_start3A_71 = tpu.memref_slice %dma_start3A_68[%dma_start3A_69, %dma_start3A_70] : memref<10112x128xf32, #tpu.memory_space<hbm>> -> memref<112x128xf32, #tpu.memory_space<hbm>>
        %dma_start3A_72 = arith.constant 0 : i32
        %dma_start3A_73 = arith.constant 0 : i32
        %dma_start3A_74 = tpu.memref_slice %arg5[%dma_start3A_72, %dma_start3A_73] : memref<10000x128xf32, #tpu.memory_space<hbm>> -> memref<112x128xf32, #tpu.memory_space<hbm>>
        tpu.enqueue_dma source(%dma_start3A_74 : memref<112x128xf32, #tpu.memory_space<hbm>>) target(%dma_start3A_71 : memref<112x128xf32, #tpu.memory_space<hbm>>) target_semaphore(%run_scoped3A : memref<!tpu.dma_semaphore, #tpu.memory_space<semaphore_mem>>)
        %dma_wait3A_75 = arith.constant 0 : i32
        %dma_wait3A_76 = arith.constant 0 : i32
        %dma_wait3A_77 = tpu.memref_slice %arg6[%arg0, %dma_wait3A_75, %dma_wait3A_76] : memref<2x10112x128xf32, #tpu.memory_space<hbm>> -> memref<1x10112x128xf32, #tpu.memory_space<hbm>>
        %dma_wait3A_78 = tpu.memref_squeeze %dma_wait3A_77 : memref<1x10112x128xf32, #tpu.memory_space<hbm>> -> memref<10112x128xf32, #tpu.memory_space<hbm>>
        %dma_wait3A_79 = arith.constant 10000 : i32
        %dma_wait3A_80 = arith.constant 0 : i32
        %dma_wait3A_81 = tpu.memref_slice %dma_wait3A_78[%dma_wait3A_79, %dma_wait3A_80] : memref<10112x128xf32, #tpu.memory_space<hbm>> -> memref<112x128xf32, #tpu.memory_space<hbm>>
        %dma_wait3A_82 = arith.constant 0 : i32
        %dma_wait3A_83 = arith.constant 0 : i32
        %dma_wait3A_84 = tpu.memref_slice %arg5[%dma_wait3A_82, %dma_wait3A_83] : memref<10000x128xf32, #tpu.memory_space<hbm>> -> memref<112x128xf32, #tpu.memory_space<hbm>>
        tpu.wait_dma2 semaphore(%run_scoped3A : memref<!tpu.dma_semaphore, #tpu.memory_space<semaphore_mem>>) src(%dma_wait3A_84 : memref<112x128xf32, #tpu.memory_space<hbm>>) dst(%dma_wait3A_81 : memref<112x128xf32, #tpu.memory_space<hbm>>)
        tpu.yield
      }) : () -> ()
    } else {
    }
    return
  }
}

#map = affine_map<(d0, d1) -> (0)>
#map1 = affine_map<(d0, d1) -> (0, 0)>
module attributes {stable_mosaic.version = 14 : i64} {
  func.func @sc_cmat(%arg0: i32, %arg1: i32, %arg2: memref<320000xi32, #tpu.memory_space<hbm>>, %arg3: memref<320000xi32, #tpu.memory_space<hbm>>, %arg4: memref<10000xi32, #tpu.memory_space<hbm>>, %arg5: memref<647168xf32, #tpu.memory_space<hbm>>, %arg6: memref<2x647168xf32, #tpu.memory_space<hbm>>, %arg7: memref<80xi32, #tpu.memory_space<vmem>>, %arg8: memref<80xi32, #tpu.memory_space<vmem>>, %arg9: memref<80xi32, #tpu.memory_space<vmem>>, %arg10: memref<80xi32, #tpu.memory_space<vmem>>, %arg11: memref<80xi32, #tpu.memory_space<vmem>>, %arg12: memref<80xi32, #tpu.memory_space<vmem>>, %arg13: memref<80xi32, #tpu.memory_space<vmem>>, %arg14: memref<80xi32, #tpu.memory_space<vmem>>, %arg15: memref<80xi32, #tpu.memory_space<vmem>>, %arg16: memref<80xi32, #tpu.memory_space<vmem>>, %arg17: memref<80xi32, #tpu.memory_space<vmem>>, %arg18: memref<80xi32, #tpu.memory_space<vmem>>, %arg19: memref<80xf32, #tpu.memory_space<vmem>>, %arg20: memref<647168xf32, #tpu.memory_space<vmem_shared>>, %arg21: memref<!tpu.dma_semaphore, #tpu.memory_space<semaphore_mem>>, %arg22: memref<!tpu.dma_semaphore, #tpu.memory_space<semaphore_mem>>, %arg23: memref<!tpu.dma_semaphore, #tpu.memory_space<semaphore_mem>>, %arg24: memref<!tpu.dma_semaphore, #tpu.memory_space<semaphore_mem>>, %arg25: memref<!tpu.dma_semaphore, #tpu.memory_space<semaphore_mem>>, %arg26: memref<!tpu.dma_semaphore, #tpu.memory_space<semaphore_mem>>, %arg27: memref<!tpu.dma_semaphore, #tpu.memory_space<semaphore_mem>>, %arg28: memref<!tpu.dma_semaphore, #tpu.memory_space<semaphore_mem>>) attributes {dimension_semantics = [#tpu.dimension_semantics<core_parallel>, #tpu.dimension_semantics<subcore_parallel>], iteration_bounds = array<i64: 2, 16>, scalar_prefetch = 0 : i64, scratch_operands = 22 : i64, tpu.core_type = #tpu.core_type<sc_vector_subcore>, window_params = [{transform_indices = #map}, {transform_indices = #map}, {transform_indices = #map}, {transform_indices = #map}, {transform_indices = #map1}]} {
    %mul3A = arith.constant 2 : i32
    %mul3A_0 = arith.muli %arg1, %mul3A : i32
    %add3A = arith.addi %mul3A_0, %arg0 : i32
    %broadcast_in_dim3A = arith.constant 1.000000e+00 : f32
    %broadcast_in_dim3A_1 = vector.broadcast %broadcast_in_dim3A : f32 to vector<16xf32>
    %swap3A = arith.constant 0 : index
    %swap3A_2 = tpu.vector_load %arg19[%swap3A] {strides = array<i32>} : memref<80xf32, #tpu.memory_space<vmem>>, vector<16xf32>,
    %swap3A_3 = vector.shape_cast %swap3A_2 : vector<16xf32> to vector<16xf32>
    %swap3A_4 = vector.shape_cast %broadcast_in_dim3A_1 : vector<16xf32> to vector<16xf32>
    tpu.vector_store %arg19[%swap3A], %swap3A_4 {strides = array<i32>} : memref<80xf32, #tpu.memory_space<vmem>>, vector<16xf32>,
    %broadcast_in_dim3A_5 = arith.constant 1.000000e+00 : f32
    %broadcast_in_dim3A_6 = vector.broadcast %broadcast_in_dim3A_5 : f32 to vector<16xf32>
    %swap3A_7 = arith.constant 16 : index
    %swap3A_8 = tpu.vector_load %arg19[%swap3A_7] {strides = array<i32>} : memref<80xf32, #tpu.memory_space<vmem>>, vector<16xf32>,
    %swap3A_9 = vector.shape_cast %swap3A_8 : vector<16xf32> to vector<16xf32>
    %swap3A_10 = vector.shape_cast %broadcast_in_dim3A_6 : vector<16xf32> to vector<16xf32>
    tpu.vector_store %arg19[%swap3A_7], %swap3A_10 {strides = array<i32>} : memref<80xf32, #tpu.memory_space<vmem>>, vector<16xf32>,
    %broadcast_in_dim3A_11 = arith.constant 1.000000e+00 : f32
    %broadcast_in_dim3A_12 = vector.broadcast %broadcast_in_dim3A_11 : f32 to vector<16xf32>
    %swap3A_13 = arith.constant 32 : index
    %swap3A_14 = tpu.vector_load %arg19[%swap3A_13] {strides = array<i32>} : memref<80xf32, #tpu.memory_space<vmem>>, vector<16xf32>,
    %swap3A_15 = vector.shape_cast %swap3A_14 : vector<16xf32> to vector<16xf32>
    %swap3A_16 = vector.shape_cast %broadcast_in_dim3A_12 : vector<16xf32> to vector<16xf32>
    tpu.vector_store %arg19[%swap3A_13], %swap3A_16 {strides = array<i32>} : memref<80xf32, #tpu.memory_space<vmem>>, vector<16xf32>,
    %broadcast_in_dim3A_17 = arith.constant 1.000000e+00 : f32
    %broadcast_in_dim3A_18 = vector.broadcast %broadcast_in_dim3A_17 : f32 to vector<16xf32>
    %swap3A_19 = arith.constant 48 : index
    %swap3A_20 = tpu.vector_load %arg19[%swap3A_19] {strides = array<i32>} : memref<80xf32, #tpu.memory_space<vmem>>, vector<16xf32>,
    %swap3A_21 = vector.shape_cast %swap3A_20 : vector<16xf32> to vector<16xf32>
    %swap3A_22 = vector.shape_cast %broadcast_in_dim3A_18 : vector<16xf32> to vector<16xf32>
    tpu.vector_store %arg19[%swap3A_19], %swap3A_22 {strides = array<i32>} : memref<80xf32, #tpu.memory_space<vmem>>, vector<16xf32>,
    %broadcast_in_dim3A_23 = arith.constant 1.000000e+00 : f32
    %broadcast_in_dim3A_24 = vector.broadcast %broadcast_in_dim3A_23 : f32 to vector<16xf32>
    %swap3A_25 = arith.constant 64 : index
    %swap3A_26 = tpu.vector_load %arg19[%swap3A_25] {strides = array<i32>} : memref<80xf32, #tpu.memory_space<vmem>>, vector<16xf32>,
    %swap3A_27 = vector.shape_cast %swap3A_26 : vector<16xf32> to vector<16xf32>
    %swap3A_28 = vector.shape_cast %broadcast_in_dim3A_24 : vector<16xf32> to vector<16xf32>
    tpu.vector_store %arg19[%swap3A_25], %swap3A_28 {strides = array<i32>} : memref<80xf32, #tpu.memory_space<vmem>>, vector<16xf32>,
    %mul3A_29 = arith.constant 40448 : i32
    %mul3A_30 = arith.muli %arg1, %mul3A_29 : i32
    %mul3A_31 = arith.constant 40448 : i32
    %mul3A_32 = arith.muli %arg1, %mul3A_31 : i32
    "tpu.region"() ({
      %run_scoped3A = tpu.sem_alloc : memref<!tpu.dma_semaphore, #tpu.memory_space<semaphore_mem>>
      %dma_start3A_153 = tpu.memref_slice %arg20[%mul3A_32] : memref<647168xf32, #tpu.memory_space<vmem_shared>> -> memref<40448xf32, #tpu.memory_space<vmem_shared>>
      %dma_start3A_154 = tpu.memref_slice %arg5[%mul3A_30] : memref<647168xf32, #tpu.memory_space<hbm>> -> memref<40448xf32, #tpu.memory_space<hbm>>
      tpu.enqueue_dma source(%dma_start3A_154 : memref<40448xf32, #tpu.memory_space<hbm>>) target(%dma_start3A_153 : memref<40448xf32, #tpu.memory_space<vmem_shared>>) target_semaphore(%run_scoped3A : memref<!tpu.dma_semaphore, #tpu.memory_space<semaphore_mem>>)
      %dma_wait3A_155 = tpu.memref_slice %arg20[%mul3A_32] : memref<647168xf32, #tpu.memory_space<vmem_shared>> -> memref<40448xf32, #tpu.memory_space<vmem_shared>>
      %dma_wait3A_156 = tpu.memref_slice %arg5[%mul3A_30] : memref<647168xf32, #tpu.memory_space<hbm>> -> memref<40448xf32, #tpu.memory_space<hbm>>
      tpu.wait_dma2 semaphore(%run_scoped3A : memref<!tpu.dma_semaphore, #tpu.memory_space<semaphore_mem>>) src(%dma_wait3A_156 : memref<40448xf32, #tpu.memory_space<hbm>>) dst(%dma_wait3A_155 : memref<40448xf32, #tpu.memory_space<vmem_shared>>)
      tpu.yield
    }) : () -> ()
    %barrier3A = arith.constant 0 : index
    tpu.barrier barrier_id(%barrier3A)
    %mul3A_33 = arith.constant 10000 : i32
    %mul3A_34 = arith.muli %add3A, %mul3A_33 : i32
    %add3A_35 = arith.constant 0 : i32
    %add3A_36 = arith.addi %mul3A_34, %add3A_35 : i32
    %dma_start3A = tpu.memref_slice %arg3[%add3A_36] : memref<320000xi32, #tpu.memory_space<hbm>> -> memref<80xi32, #tpu.memory_space<hbm>>
    %dma_start3A_37 = tpu.memref_slice %arg3[%add3A_36] : memref<320000xi32, #tpu.memory_space<hbm>> -> memref<80xi32, #tpu.memory_space<hbm>>
    tpu.enqueue_dma source(%dma_start3A_37 : memref<80xi32, #tpu.memory_space<hbm>>) target(%arg7 : memref<80xi32, #tpu.memory_space<vmem>>) target_semaphore(%arg21 : memref<!tpu.dma_semaphore, #tpu.memory_space<semaphore_mem>>)
    %dma_start3A_38 = tpu.memref_slice %arg2[%add3A_36] : memref<320000xi32, #tpu.memory_space<hbm>> -> memref<80xi32, #tpu.memory_space<hbm>>
    %dma_start3A_39 = tpu.memref_slice %arg2[%add3A_36] : memref<320000xi32, #tpu.memory_space<hbm>> -> memref<80xi32, #tpu.memory_space<hbm>>
    tpu.enqueue_dma source(%dma_start3A_39 : memref<80xi32, #tpu.memory_space<hbm>>) target(%arg11 : memref<80xi32, #tpu.memory_space<vmem>>) target_semaphore(%arg21 : memref<!tpu.dma_semaphore, #tpu.memory_space<semaphore_mem>>)
    %add3A_40 = arith.constant 80 : i32
    %add3A_41 = arith.addi %mul3A_34, %add3A_40 : i32
    %dma_start3A_42 = tpu.memref_slice %arg3[%add3A_41] : memref<320000xi32, #tpu.memory_space<hbm>> -> memref<80xi32, #tpu.memory_space<hbm>>
    %dma_start3A_43 = tpu.memref_slice %arg3[%add3A_41] : memref<320000xi32, #tpu.memory_space<hbm>> -> memref<80xi32, #tpu.memory_space<hbm>>
    tpu.enqueue_dma source(%dma_start3A_43 : memref<80xi32, #tpu.memory_space<hbm>>) target(%arg8 : memref<80xi32, #tpu.memory_space<vmem>>) target_semaphore(%arg22 : memref<!tpu.dma_semaphore, #tpu.memory_space<semaphore_mem>>)
    %dma_start3A_44 = tpu.memref_slice %arg2[%add3A_41] : memref<320000xi32, #tpu.memory_space<hbm>> -> memref<80xi32, #tpu.memory_space<hbm>>
    %dma_start3A_45 = tpu.memref_slice %arg2[%add3A_41] : memref<320000xi32, #tpu.memory_space<hbm>> -> memref<80xi32, #tpu.memory_space<hbm>>
    tpu.enqueue_dma source(%dma_start3A_45 : memref<80xi32, #tpu.memory_space<hbm>>) target(%arg12 : memref<80xi32, #tpu.memory_space<vmem>>) target_semaphore(%arg22 : memref<!tpu.dma_semaphore, #tpu.memory_space<semaphore_mem>>)
    %add3A_46 = arith.constant 160 : i32
    %add3A_47 = arith.addi %mul3A_34, %add3A_46 : i32
    %dma_start3A_48 = tpu.memref_slice %arg3[%add3A_47] : memref<320000xi32, #tpu.memory_space<hbm>> -> memref<80xi32, #tpu.memory_space<hbm>>
    %dma_start3A_49 = tpu.memref_slice %arg3[%add3A_47] : memref<320000xi32, #tpu.memory_space<hbm>> -> memref<80xi32, #tpu.memory_space<hbm>>
    tpu.enqueue_dma source(%dma_start3A_49 : memref<80xi32, #tpu.memory_space<hbm>>) target(%arg9 : memref<80xi32, #tpu.memory_space<vmem>>) target_semaphore(%arg23 : memref<!tpu.dma_semaphore, #tpu.memory_space<semaphore_mem>>)
    %dma_start3A_50 = tpu.memref_slice %arg2[%add3A_47] : memref<320000xi32, #tpu.memory_space<hbm>> -> memref<80xi32, #tpu.memory_space<hbm>>
    %dma_start3A_51 = tpu.memref_slice %arg2[%add3A_47] : memref<320000xi32, #tpu.memory_space<hbm>> -> memref<80xi32, #tpu.memory_space<hbm>>
    tpu.enqueue_dma source(%dma_start3A_51 : memref<80xi32, #tpu.memory_space<hbm>>) target(%arg13 : memref<80xi32, #tpu.memory_space<vmem>>) target_semaphore(%arg23 : memref<!tpu.dma_semaphore, #tpu.memory_space<semaphore_mem>>)
    %add3A_52 = arith.constant 240 : i32
    %add3A_53 = arith.addi %mul3A_34, %add3A_52 : i32
    %dma_start3A_54 = tpu.memref_slice %arg3[%add3A_53] : memref<320000xi32, #tpu.memory_space<hbm>> -> memref<80xi32, #tpu.memory_space<hbm>>
    %dma_start3A_55 = tpu.memref_slice %arg3[%add3A_53] : memref<320000xi32, #tpu.memory_space<hbm>> -> memref<80xi32, #tpu.memory_space<hbm>>
    tpu.enqueue_dma source(%dma_start3A_55 : memref<80xi32, #tpu.memory_space<hbm>>) target(%arg10 : memref<80xi32, #tpu.memory_space<vmem>>) target_semaphore(%arg24 : memref<!tpu.dma_semaphore, #tpu.memory_space<semaphore_mem>>)
    %dma_start3A_56 = tpu.memref_slice %arg2[%add3A_53] : memref<320000xi32, #tpu.memory_space<hbm>> -> memref<80xi32, #tpu.memory_space<hbm>>
    %dma_start3A_57 = tpu.memref_slice %arg2[%add3A_53] : memref<320000xi32, #tpu.memory_space<hbm>> -> memref<80xi32, #tpu.memory_space<hbm>>
    tpu.enqueue_dma source(%dma_start3A_57 : memref<80xi32, #tpu.memory_space<hbm>>) target(%arg14 : memref<80xi32, #tpu.memory_space<vmem>>) target_semaphore(%arg24 : memref<!tpu.dma_semaphore, #tpu.memory_space<semaphore_mem>>)
    %scan3A = arith.constant 0 : i32
    %scan3A_58 = arith.constant 31 : i32
    %scan3A_59 = arith.addi %scan3A, %scan3A_58 : i32
    %scan3A_60 = arith.constant 1 : i32
    scf.for %scan3A_153 = %scan3A to %scan3A_59 step %scan3A_60  : i32 {
      %mul3A_154 = arith.constant 1 : i32
      %mul3A_155 = arith.muli %scan3A_153, %mul3A_154 : i32
      %add3A_156 = arith.constant 0 : i32
      %add3A_157 = arith.addi %add3A_156, %mul3A_155 : i32
      %dma_wait3A_158 = arith.constant 0 : i32
      %dma_wait3A_159 = tpu.memref_slice %arg3[%dma_wait3A_158] : memref<320000xi32, #tpu.memory_space<hbm>> -> memref<80xi32, #tpu.memory_space<hbm>>
      %dma_wait3A_160 = arith.constant 0 : i32
      %dma_wait3A_161 = tpu.memref_slice %arg3[%dma_wait3A_160] : memref<320000xi32, #tpu.memory_space<hbm>> -> memref<80xi32, #tpu.memory_space<hbm>>
      tpu.wait_dma2 semaphore(%arg21 : memref<!tpu.dma_semaphore, #tpu.memory_space<semaphore_mem>>) src(%dma_wait3A_161 : memref<80xi32, #tpu.memory_space<hbm>>) dst(%arg7 : memref<80xi32, #tpu.memory_space<vmem>>)
      %dma_wait3A_162 = arith.constant 0 : i32
      %dma_wait3A_163 = tpu.memref_slice %arg2[%dma_wait3A_162] : memref<320000xi32, #tpu.memory_space<hbm>> -> memref<80xi32, #tpu.memory_space<hbm>>
      %dma_wait3A_164 = arith.constant 0 : i32
      %dma_wait3A_165 = tpu.memref_slice %arg2[%dma_wait3A_164] : memref<320000xi32, #tpu.memory_space<hbm>> -> memref<80xi32, #tpu.memory_space<hbm>>
      tpu.wait_dma2 semaphore(%arg21 : memref<!tpu.dma_semaphore, #tpu.memory_space<semaphore_mem>>) src(%dma_wait3A_165 : memref<80xi32, #tpu.memory_space<hbm>>) dst(%arg11 : memref<80xi32, #tpu.memory_space<vmem>>)
      %dma_start3A_166 = arith.constant 0 : i32
      %dma_start3A_167 = tpu.memref_slice %arg4[%dma_start3A_166] : memref<10000xi32, #tpu.memory_space<hbm>> -> memref<10000xi32, #tpu.memory_space<hbm>>
      tpu.enqueue_indirect_dma source(%dma_start3A_167 : memref<10000xi32, #tpu.memory_space<hbm>>) target(%arg15 : memref<80xi32, #tpu.memory_space<vmem>>) offsets(%arg11 : memref<80xi32, #tpu.memory_space<vmem>>) semaphore(%arg25 : memref<!tpu.dma_semaphore, #tpu.memory_space<semaphore_mem>>)
      %dma_wait3A_168 = arith.constant 0 : i32
      %dma_wait3A_169 = tpu.memref_slice %arg3[%dma_wait3A_168] : memref<320000xi32, #tpu.memory_space<hbm>> -> memref<80xi32, #tpu.memory_space<hbm>>
      %dma_wait3A_170 = arith.constant 0 : i32
      %dma_wait3A_171 = tpu.memref_slice %arg3[%dma_wait3A_170] : memref<320000xi32, #tpu.memory_space<hbm>> -> memref<80xi32, #tpu.memory_space<hbm>>
      tpu.wait_dma2 semaphore(%arg22 : memref<!tpu.dma_semaphore, #tpu.memory_space<semaphore_mem>>) src(%dma_wait3A_171 : memref<80xi32, #tpu.memory_space<hbm>>) dst(%arg8 : memref<80xi32, #tpu.memory_space<vmem>>)
      %dma_wait3A_172 = arith.constant 0 : i32
      %dma_wait3A_173 = tpu.memref_slice %arg2[%dma_wait3A_172] : memref<320000xi32, #tpu.memory_space<hbm>> -> memref<80xi32, #tpu.memory_space<hbm>>
      %dma_wait3A_174 = arith.constant 0 : i32
      %dma_wait3A_175 = tpu.memref_slice %arg2[%dma_wait3A_174] : memref<320000xi32, #tpu.memory_space<hbm>> -> memref<80xi32, #tpu.memory_space<hbm>>
      tpu.wait_dma2 semaphore(%arg22 : memref<!tpu.dma_semaphore, #tpu.memory_space<semaphore_mem>>) src(%dma_wait3A_175 : memref<80xi32, #tpu.memory_space<hbm>>) dst(%arg12 : memref<80xi32, #tpu.memory_space<vmem>>)
      %dma_start3A_176 = arith.constant 0 : i32
      %dma_start3A_177 = tpu.memref_slice %arg4[%dma_start3A_176] : memref<10000xi32, #tpu.memory_space<hbm>> -> memref<10000xi32, #tpu.memory_space<hbm>>
      tpu.enqueue_indirect_dma source(%dma_start3A_177 : memref<10000xi32, #tpu.memory_space<hbm>>) target(%arg16 : memref<80xi32, #tpu.memory_space<vmem>>) offsets(%arg12 : memref<80xi32, #tpu.memory_space<vmem>>) semaphore(%arg26 : memref<!tpu.dma_semaphore, #tpu.memory_space<semaphore_mem>>)
      %dma_wait3A_178 = arith.constant 0 : i32
      %dma_wait3A_179 = tpu.memref_slice %arg3[%dma_wait3A_178] : memref<320000xi32, #tpu.memory_space<hbm>> -> memref<80xi32, #tpu.memory_space<hbm>>
      %dma_wait3A_180 = arith.constant 0 : i32
      %dma_wait3A_181 = tpu.memref_slice %arg3[%dma_wait3A_180] : memref<320000xi32, #tpu.memory_space<hbm>> -> memref<80xi32, #tpu.memory_space<hbm>>
      tpu.wait_dma2 semaphore(%arg23 : memref<!tpu.dma_semaphore, #tpu.memory_space<semaphore_mem>>) src(%dma_wait3A_181 : memref<80xi32, #tpu.memory_space<hbm>>) dst(%arg9 : memref<80xi32, #tpu.memory_space<vmem>>)
      %dma_wait3A_182 = arith.constant 0 : i32
      %dma_wait3A_183 = tpu.memref_slice %arg2[%dma_wait3A_182] : memref<320000xi32, #tpu.memory_space<hbm>> -> memref<80xi32, #tpu.memory_space<hbm>>
      %dma_wait3A_184 = arith.constant 0 : i32
      %dma_wait3A_185 = tpu.memref_slice %arg2[%dma_wait3A_184] : memref<320000xi32, #tpu.memory_space<hbm>> -> memref<80xi32, #tpu.memory_space<hbm>>
      tpu.wait_dma2 semaphore(%arg23 : memref<!tpu.dma_semaphore, #tpu.memory_space<semaphore_mem>>) src(%dma_wait3A_185 : memref<80xi32, #tpu.memory_space<hbm>>) dst(%arg13 : memref<80xi32, #tpu.memory_space<vmem>>)
      %dma_start3A_186 = arith.constant 0 : i32
      %dma_start3A_187 = tpu.memref_slice %arg4[%dma_start3A_186] : memref<10000xi32, #tpu.memory_space<hbm>> -> memref<10000xi32, #tpu.memory_space<hbm>>
      tpu.enqueue_indirect_dma source(%dma_start3A_187 : memref<10000xi32, #tpu.memory_space<hbm>>) target(%arg17 : memref<80xi32, #tpu.memory_space<vmem>>) offsets(%arg13 : memref<80xi32, #tpu.memory_space<vmem>>) semaphore(%arg27 : memref<!tpu.dma_semaphore, #tpu.memory_space<semaphore_mem>>)
      %dma_wait3A_188 = arith.constant 0 : i32
      %dma_wait3A_189 = tpu.memref_slice %arg3[%dma_wait3A_188] : memref<320000xi32, #tpu.memory_space<hbm>> -> memref<80xi32, #tpu.memory_space<hbm>>
      %dma_wait3A_190 = arith.constant 0 : i32
      %dma_wait3A_191 = tpu.memref_slice %arg3[%dma_wait3A_190] : memref<320000xi32, #tpu.memory_space<hbm>> -> memref<80xi32, #tpu.memory_space<hbm>>
      tpu.wait_dma2 semaphore(%arg24 : memref<!tpu.dma_semaphore, #tpu.memory_space<semaphore_mem>>) src(%dma_wait3A_191 : memref<80xi32, #tpu.memory_space<hbm>>) dst(%arg10 : memref<80xi32, #tpu.memory_space<vmem>>)
      %dma_wait3A_192 = arith.constant 0 : i32
      %dma_wait3A_193 = tpu.memref_slice %arg2[%dma_wait3A_192] : memref<320000xi32, #tpu.memory_space<hbm>> -> memref<80xi32, #tpu.memory_space<hbm>>
      %dma_wait3A_194 = arith.constant 0 : i32
      %dma_wait3A_195 = tpu.memref_slice %arg2[%dma_wait3A_194] : memref<320000xi32, #tpu.memory_space<hbm>> -> memref<80xi32, #tpu.memory_space<hbm>>
      tpu.wait_dma2 semaphore(%arg24 : memref<!tpu.dma_semaphore, #tpu.memory_space<semaphore_mem>>) src(%dma_wait3A_195 : memref<80xi32, #tpu.memory_space<hbm>>) dst(%arg14 : memref<80xi32, #tpu.memory_space<vmem>>)
      %dma_start3A_196 = arith.constant 0 : i32
      %dma_start3A_197 = tpu.memref_slice %arg4[%dma_start3A_196] : memref<10000xi32, #tpu.memory_space<hbm>> -> memref<10000xi32, #tpu.memory_space<hbm>>
      tpu.enqueue_indirect_dma source(%dma_start3A_197 : memref<10000xi32, #tpu.memory_space<hbm>>) target(%arg18 : memref<80xi32, #tpu.memory_space<vmem>>) offsets(%arg14 : memref<80xi32, #tpu.memory_space<vmem>>) semaphore(%arg28 : memref<!tpu.dma_semaphore, #tpu.memory_space<semaphore_mem>>)
      %dma_wait3A_198 = arith.constant 0 : i32
      %dma_wait3A_199 = tpu.memref_slice %arg4[%dma_wait3A_198] : memref<10000xi32, #tpu.memory_space<hbm>> -> memref<10000xi32, #tpu.memory_space<hbm>>
      tpu.wait_indirect_dma semaphore(%arg25 : memref<!tpu.dma_semaphore, #tpu.memory_space<semaphore_mem>>) src(%dma_wait3A_199 : memref<10000xi32, #tpu.memory_space<hbm>>) dst(%arg15 : memref<80xi32, #tpu.memory_space<vmem>>)
      %get3A_200 = arith.constant 0 : index
      %get3A_201 = tpu.vector_load %arg15[%get3A_200] {strides = array<i32>} : memref<80xi32, #tpu.memory_space<vmem>>, vector<16xi32>,
      %get3A_202 = vector.shape_cast %get3A_201 : vector<16xi32> to vector<16xi32>
      %mul3A_203 = arith.constant 10112 : i32
      %mul3A_204 = vector.broadcast %mul3A_203 : i32 to vector<16xi32>
      %mul3A_205 = arith.muli %get3A_202, %mul3A_204 : vector<16xi32>
      %get3A_206 = arith.constant 0 : index
      %get3A_207 = tpu.vector_load %arg7[%get3A_206] {strides = array<i32>} : memref<80xi32, #tpu.memory_space<vmem>>, vector<16xi32>,
      %get3A_208 = vector.shape_cast %get3A_207 : vector<16xi32> to vector<16xi32>
      %add3A_209 = arith.addi %mul3A_205, %get3A_208 : vector<16xi32>
      %swap3A_210 = arith.constant 0 : index
      %swap3A_211 = tpu.vector_load %arg7[%swap3A_210] {strides = array<i32>} : memref<80xi32, #tpu.memory_space<vmem>>, vector<16xi32>,
      %swap3A_212 = vector.shape_cast %swap3A_211 : vector<16xi32> to vector<16xi32>
      %swap3A_213 = vector.shape_cast %add3A_209 : vector<16xi32> to vector<16xi32>
      tpu.vector_store %arg7[%swap3A_210], %swap3A_213 {strides = array<i32>} : memref<80xi32, #tpu.memory_space<vmem>>, vector<16xi32>,
      %get3A_214 = arith.constant 16 : index
      %get3A_215 = tpu.vector_load %arg15[%get3A_214] {strides = array<i32>} : memref<80xi32, #tpu.memory_space<vmem>>, vector<16xi32>,
      %get3A_216 = vector.shape_cast %get3A_215 : vector<16xi32> to vector<16xi32>
      %mul3A_217 = arith.constant 10112 : i32
      %mul3A_218 = vector.broadcast %mul3A_217 : i32 to vector<16xi32>
      %mul3A_219 = arith.muli %get3A_216, %mul3A_218 : vector<16xi32>
      %get3A_220 = arith.constant 16 : index
      %get3A_221 = tpu.vector_load %arg7[%get3A_220] {strides = array<i32>} : memref<80xi32, #tpu.memory_space<vmem>>, vector<16xi32>,
      %get3A_222 = vector.shape_cast %get3A_221 : vector<16xi32> to vector<16xi32>
      %add3A_223 = arith.addi %mul3A_219, %get3A_222 : vector<16xi32>
      %swap3A_224 = arith.constant 16 : index
      %swap3A_225 = tpu.vector_load %arg7[%swap3A_224] {strides = array<i32>} : memref<80xi32, #tpu.memory_space<vmem>>, vector<16xi32>,
      %swap3A_226 = vector.shape_cast %swap3A_225 : vector<16xi32> to vector<16xi32>
      %swap3A_227 = vector.shape_cast %add3A_223 : vector<16xi32> to vector<16xi32>
      tpu.vector_store %arg7[%swap3A_224], %swap3A_227 {strides = array<i32>} : memref<80xi32, #tpu.memory_space<vmem>>, vector<16xi32>,
      %get3A_228 = arith.constant 32 : index
      %get3A_229 = tpu.vector_load %arg15[%get3A_228] {strides = array<i32>} : memref<80xi32, #tpu.memory_space<vmem>>, vector<16xi32>,
      %get3A_230 = vector.shape_cast %get3A_229 : vector<16xi32> to vector<16xi32>
      %mul3A_231 = arith.constant 10112 : i32
      %mul3A_232 = vector.broadcast %mul3A_231 : i32 to vector<16xi32>
      %mul3A_233 = arith.muli %get3A_230, %mul3A_232 : vector<16xi32>
      %get3A_234 = arith.constant 32 : index
      %get3A_235 = tpu.vector_load %arg7[%get3A_234] {strides = array<i32>} : memref<80xi32, #tpu.memory_space<vmem>>, vector<16xi32>,
      %get3A_236 = vector.shape_cast %get3A_235 : vector<16xi32> to vector<16xi32>
      %add3A_237 = arith.addi %mul3A_233, %get3A_236 : vector<16xi32>
      %swap3A_238 = arith.constant 32 : index
      %swap3A_239 = tpu.vector_load %arg7[%swap3A_238] {strides = array<i32>} : memref<80xi32, #tpu.memory_space<vmem>>, vector<16xi32>,
      %swap3A_240 = vector.shape_cast %swap3A_239 : vector<16xi32> to vector<16xi32>
      %swap3A_241 = vector.shape_cast %add3A_237 : vector<16xi32> to vector<16xi32>
      tpu.vector_store %arg7[%swap3A_238], %swap3A_241 {strides = array<i32>} : memref<80xi32, #tpu.memory_space<vmem>>, vector<16xi32>,
      %get3A_242 = arith.constant 48 : index
      %get3A_243 = tpu.vector_load %arg15[%get3A_242] {strides = array<i32>} : memref<80xi32, #tpu.memory_space<vmem>>, vector<16xi32>,
      %get3A_244 = vector.shape_cast %get3A_243 : vector<16xi32> to vector<16xi32>
      %mul3A_245 = arith.constant 10112 : i32
      %mul3A_246 = vector.broadcast %mul3A_245 : i32 to vector<16xi32>
      %mul3A_247 = arith.muli %get3A_244, %mul3A_246 : vector<16xi32>
      %get3A_248 = arith.constant 48 : index
      %get3A_249 = tpu.vector_load %arg7[%get3A_248] {strides = array<i32>} : memref<80xi32, #tpu.memory_space<vmem>>, vector<16xi32>,
      %get3A_250 = vector.shape_cast %get3A_249 : vector<16xi32> to vector<16xi32>
      %add3A_251 = arith.addi %mul3A_247, %get3A_250 : vector<16xi32>
      %swap3A_252 = arith.constant 48 : index
      %swap3A_253 = tpu.vector_load %arg7[%swap3A_252] {strides = array<i32>} : memref<80xi32, #tpu.memory_space<vmem>>, vector<16xi32>,
      %swap3A_254 = vector.shape_cast %swap3A_253 : vector<16xi32> to vector<16xi32>
      %swap3A_255 = vector.shape_cast %add3A_251 : vector<16xi32> to vector<16xi32>
      tpu.vector_store %arg7[%swap3A_252], %swap3A_255 {strides = array<i32>} : memref<80xi32, #tpu.memory_space<vmem>>, vector<16xi32>,
      %get3A_256 = arith.constant 64 : index
      %get3A_257 = tpu.vector_load %arg15[%get3A_256] {strides = array<i32>} : memref<80xi32, #tpu.memory_space<vmem>>, vector<16xi32>,
      %get3A_258 = vector.shape_cast %get3A_257 : vector<16xi32> to vector<16xi32>
      %mul3A_259 = arith.constant 10112 : i32
      %mul3A_260 = vector.broadcast %mul3A_259 : i32 to vector<16xi32>
      %mul3A_261 = arith.muli %get3A_258, %mul3A_260 : vector<16xi32>
      %get3A_262 = arith.constant 64 : index
      %get3A_263 = tpu.vector_load %arg7[%get3A_262] {strides = array<i32>} : memref<80xi32, #tpu.memory_space<vmem>>, vector<16xi32>,
      %get3A_264 = vector.shape_cast %get3A_263 : vector<16xi32> to vector<16xi32>
      %add3A_265 = arith.addi %mul3A_261, %get3A_264 : vector<16xi32>
      %swap3A_266 = arith.constant 64 : index
      %swap3A_267 = tpu.vector_load %arg7[%swap3A_266] {strides = array<i32>} : memref<80xi32, #tpu.memory_space<vmem>>, vector<16xi32>,
      %swap3A_268 = vector.shape_cast %swap3A_267 : vector<16xi32> to vector<16xi32>
      %swap3A_269 = vector.shape_cast %add3A_265 : vector<16xi32> to vector<16xi32>
      tpu.vector_store %arg7[%swap3A_266], %swap3A_269 {strides = array<i32>} : memref<80xi32, #tpu.memory_space<vmem>>, vector<16xi32>,
      "tpu.region"() ({
        %run_scoped3A = tpu.sem_alloc : memref<!tpu.dma_semaphore, #tpu.memory_space<semaphore_mem>>
        %dma_start3A_503 = arith.constant 0 : i32
        %dma_start3A_504 = tpu.memref_slice %arg20[%dma_start3A_503] : memref<647168xf32, #tpu.memory_space<vmem_shared>> -> memref<647168xf32, #tpu.memory_space<vmem_shared>>
        tpu.enqueue_indirect_dma source(%arg19 : memref<80xf32, #tpu.memory_space<vmem>>) target(%dma_start3A_504 : memref<647168xf32, #tpu.memory_space<vmem_shared>>) offsets(%arg7 : memref<80xi32, #tpu.memory_space<vmem>>) semaphore(%run_scoped3A : memref<!tpu.dma_semaphore, #tpu.memory_space<semaphore_mem>>) {add = true}
        %dma_wait3A_505 = arith.constant 0 : i32
        %dma_wait3A_506 = tpu.memref_slice %arg20[%dma_wait3A_505] : memref<647168xf32, #tpu.memory_space<vmem_shared>> -> memref<647168xf32, #tpu.memory_space<vmem_shared>>
        tpu.wait_indirect_dma semaphore(%run_scoped3A : memref<!tpu.dma_semaphore, #tpu.memory_space<semaphore_mem>>) src(%arg19 : memref<80xf32, #tpu.memory_space<vmem>>) dst(%dma_wait3A_506 : memref<647168xf32, #tpu.memory_space<vmem_shared>>)
        tpu.yield
      }) : () -> ()
      %lt3A = arith.constant 30 : i32
      %lt3A_270 = arith.cmpi slt, %add3A_157, %lt3A : i32
      %convert_element_type3A = arith.extui %lt3A_270 : i1 to i32
      %cond3A = arith.constant 0 : i32
      %cond3A_271 = arith.cmpi ne, %convert_element_type3A, %cond3A : i32
      scf.if %cond3A_271 {
        %add3A_503 = arith.constant 1 : i32
        %add3A_504 = arith.addi %add3A_157, %add3A_503 : i32
        %mul3A_505 = arith.constant 4 : i32
        %mul3A_506 = arith.muli %add3A_504, %mul3A_505 : i32
        %add3A_507 = arith.constant 0 : i32
        %add3A_508 = arith.addi %mul3A_506, %add3A_507 : i32
        %mul3A_509 = arith.constant 80 : i32
        %mul3A_510 = arith.muli %add3A_508, %mul3A_509 : i32
        %add3A_511 = arith.addi %mul3A_34, %mul3A_510 : i32
        %dma_start3A_512 = tpu.memref_slice %arg3[%add3A_511] : memref<320000xi32, #tpu.memory_space<hbm>> -> memref<80xi32, #tpu.memory_space<hbm>>
        %dma_start3A_513 = tpu.memref_slice %arg3[%add3A_511] : memref<320000xi32, #tpu.memory_space<hbm>> -> memref<80xi32, #tpu.memory_space<hbm>>
        tpu.enqueue_dma source(%dma_start3A_513 : memref<80xi32, #tpu.memory_space<hbm>>) target(%arg7 : memref<80xi32, #tpu.memory_space<vmem>>) target_semaphore(%arg21 : memref<!tpu.dma_semaphore, #tpu.memory_space<semaphore_mem>>)
        %dma_start3A_514 = tpu.memref_slice %arg2[%add3A_511] : memref<320000xi32, #tpu.memory_space<hbm>> -> memref<80xi32, #tpu.memory_space<hbm>>
        %dma_start3A_515 = tpu.memref_slice %arg2[%add3A_511] : memref<320000xi32, #tpu.memory_space<hbm>> -> memref<80xi32, #tpu.memory_space<hbm>>
        tpu.enqueue_dma source(%dma_start3A_515 : memref<80xi32, #tpu.memory_space<hbm>>) target(%arg11 : memref<80xi32, #tpu.memory_space<vmem>>) target_semaphore(%arg21 : memref<!tpu.dma_semaphore, #tpu.memory_space<semaphore_mem>>)
      } else {
      }
      %dma_wait3A_272 = arith.constant 0 : i32
      %dma_wait3A_273 = tpu.memref_slice %arg4[%dma_wait3A_272] : memref<10000xi32, #tpu.memory_space<hbm>> -> memref<10000xi32, #tpu.memory_space<hbm>>
      tpu.wait_indirect_dma semaphore(%arg26 : memref<!tpu.dma_semaphore, #tpu.memory_space<semaphore_mem>>) src(%dma_wait3A_273 : memref<10000xi32, #tpu.memory_space<hbm>>) dst(%arg16 : memref<80xi32, #tpu.memory_space<vmem>>)
      %get3A_274 = arith.constant 0 : index
      %get3A_275 = tpu.vector_load %arg16[%get3A_274] {strides = array<i32>} : memref<80xi32, #tpu.memory_space<vmem>>, vector<16xi32>,
      %get3A_276 = vector.shape_cast %get3A_275 : vector<16xi32> to vector<16xi32>
      %mul3A_277 = arith.constant 10112 : i32
      %mul3A_278 = vector.broadcast %mul3A_277 : i32 to vector<16xi32>
      %mul3A_279 = arith.muli %get3A_276, %mul3A_278 : vector<16xi32>
      %get3A_280 = arith.constant 0 : index
      %get3A_281 = tpu.vector_load %arg8[%get3A_280] {strides = array<i32>} : memref<80xi32, #tpu.memory_space<vmem>>, vector<16xi32>,
      %get3A_282 = vector.shape_cast %get3A_281 : vector<16xi32> to vector<16xi32>
      %add3A_283 = arith.addi %mul3A_279, %get3A_282 : vector<16xi32>
      %swap3A_284 = arith.constant 0 : index
      %swap3A_285 = tpu.vector_load %arg8[%swap3A_284] {strides = array<i32>} : memref<80xi32, #tpu.memory_space<vmem>>, vector<16xi32>,
      %swap3A_286 = vector.shape_cast %swap3A_285 : vector<16xi32> to vector<16xi32>
      %swap3A_287 = vector.shape_cast %add3A_283 : vector<16xi32> to vector<16xi32>
      tpu.vector_store %arg8[%swap3A_284], %swap3A_287 {strides = array<i32>} : memref<80xi32, #tpu.memory_space<vmem>>, vector<16xi32>,
      %get3A_288 = arith.constant 16 : index
      %get3A_289 = tpu.vector_load %arg16[%get3A_288] {strides = array<i32>} : memref<80xi32, #tpu.memory_space<vmem>>, vector<16xi32>,
      %get3A_290 = vector.shape_cast %get3A_289 : vector<16xi32> to vector<16xi32>
      %mul3A_291 = arith.constant 10112 : i32
      %mul3A_292 = vector.broadcast %mul3A_291 : i32 to vector<16xi32>
      %mul3A_293 = arith.muli %get3A_290, %mul3A_292 : vector<16xi32>
      %get3A_294 = arith.constant 16 : index
      %get3A_295 = tpu.vector_load %arg8[%get3A_294] {strides = array<i32>} : memref<80xi32, #tpu.memory_space<vmem>>, vector<16xi32>,
      %get3A_296 = vector.shape_cast %get3A_295 : vector<16xi32> to vector<16xi32>
      %add3A_297 = arith.addi %mul3A_293, %get3A_296 : vector<16xi32>
      %swap3A_298 = arith.constant 16 : index
      %swap3A_299 = tpu.vector_load %arg8[%swap3A_298] {strides = array<i32>} : memref<80xi32, #tpu.memory_space<vmem>>, vector<16xi32>,
      %swap3A_300 = vector.shape_cast %swap3A_299 : vector<16xi32> to vector<16xi32>
      %swap3A_301 = vector.shape_cast %add3A_297 : vector<16xi32> to vector<16xi32>
      tpu.vector_store %arg8[%swap3A_298], %swap3A_301 {strides = array<i32>} : memref<80xi32, #tpu.memory_space<vmem>>, vector<16xi32>,
      %get3A_302 = arith.constant 32 : index
      %get3A_303 = tpu.vector_load %arg16[%get3A_302] {strides = array<i32>} : memref<80xi32, #tpu.memory_space<vmem>>, vector<16xi32>,
      %get3A_304 = vector.shape_cast %get3A_303 : vector<16xi32> to vector<16xi32>
      %mul3A_305 = arith.constant 10112 : i32
      %mul3A_306 = vector.broadcast %mul3A_305 : i32 to vector<16xi32>
      %mul3A_307 = arith.muli %get3A_304, %mul3A_306 : vector<16xi32>
      %get3A_308 = arith.constant 32 : index
      %get3A_309 = tpu.vector_load %arg8[%get3A_308] {strides = array<i32>} : memref<80xi32, #tpu.memory_space<vmem>>, vector<16xi32>,
      %get3A_310 = vector.shape_cast %get3A_309 : vector<16xi32> to vector<16xi32>
      %add3A_311 = arith.addi %mul3A_307, %get3A_310 : vector<16xi32>
      %swap3A_312 = arith.constant 32 : index
      %swap3A_313 = tpu.vector_load %arg8[%swap3A_312] {strides = array<i32>} : memref<80xi32, #tpu.memory_space<vmem>>, vector<16xi32>,
      %swap3A_314 = vector.shape_cast %swap3A_313 : vector<16xi32> to vector<16xi32>
      %swap3A_315 = vector.shape_cast %add3A_311 : vector<16xi32> to vector<16xi32>
      tpu.vector_store %arg8[%swap3A_312], %swap3A_315 {strides = array<i32>} : memref<80xi32, #tpu.memory_space<vmem>>, vector<16xi32>,
      %get3A_316 = arith.constant 48 : index
      %get3A_317 = tpu.vector_load %arg16[%get3A_316] {strides = array<i32>} : memref<80xi32, #tpu.memory_space<vmem>>, vector<16xi32>,
      %get3A_318 = vector.shape_cast %get3A_317 : vector<16xi32> to vector<16xi32>
      %mul3A_319 = arith.constant 10112 : i32
      %mul3A_320 = vector.broadcast %mul3A_319 : i32 to vector<16xi32>
      %mul3A_321 = arith.muli %get3A_318, %mul3A_320 : vector<16xi32>
      %get3A_322 = arith.constant 48 : index
      %get3A_323 = tpu.vector_load %arg8[%get3A_322] {strides = array<i32>} : memref<80xi32, #tpu.memory_space<vmem>>, vector<16xi32>,
      %get3A_324 = vector.shape_cast %get3A_323 : vector<16xi32> to vector<16xi32>
      %add3A_325 = arith.addi %mul3A_321, %get3A_324 : vector<16xi32>
      %swap3A_326 = arith.constant 48 : index
      %swap3A_327 = tpu.vector_load %arg8[%swap3A_326] {strides = array<i32>} : memref<80xi32, #tpu.memory_space<vmem>>, vector<16xi32>,
      %swap3A_328 = vector.shape_cast %swap3A_327 : vector<16xi32> to vector<16xi32>
      %swap3A_329 = vector.shape_cast %add3A_325 : vector<16xi32> to vector<16xi32>
      tpu.vector_store %arg8[%swap3A_326], %swap3A_329 {strides = array<i32>} : memref<80xi32, #tpu.memory_space<vmem>>, vector<16xi32>,
      %get3A_330 = arith.constant 64 : index
      %get3A_331 = tpu.vector_load %arg16[%get3A_330] {strides = array<i32>} : memref<80xi32, #tpu.memory_space<vmem>>, vector<16xi32>,
      %get3A_332 = vector.shape_cast %get3A_331 : vector<16xi32> to vector<16xi32>
      %mul3A_333 = arith.constant 10112 : i32
      %mul3A_334 = vector.broadcast %mul3A_333 : i32 to vector<16xi32>
      %mul3A_335 = arith.muli %get3A_332, %mul3A_334 : vector<16xi32>
      %get3A_336 = arith.constant 64 : index
      %get3A_337 = tpu.vector_load %arg8[%get3A_336] {strides = array<i32>} : memref<80xi32, #tpu.memory_space<vmem>>, vector<16xi32>,
      %get3A_338 = vector.shape_cast %get3A_337 : vector<16xi32> to vector<16xi32>
      %add3A_339 = arith.addi %mul3A_335, %get3A_338 : vector<16xi32>
      %swap3A_340 = arith.constant 64 : index
      %swap3A_341 = tpu.vector_load %arg8[%swap3A_340] {strides = array<i32>} : memref<80xi32, #tpu.memory_space<vmem>>, vector<16xi32>,
      %swap3A_342 = vector.shape_cast %swap3A_341 : vector<16xi32> to vector<16xi32>
      %swap3A_343 = vector.shape_cast %add3A_339 : vector<16xi32> to vector<16xi32>
      tpu.vector_store %arg8[%swap3A_340], %swap3A_343 {strides = array<i32>} : memref<80xi32, #tpu.memory_space<vmem>>, vector<16xi32>,
      "tpu.region"() ({
        %run_scoped3A = tpu.sem_alloc : memref<!tpu.dma_semaphore, #tpu.memory_space<semaphore_mem>>
        %dma_start3A_503 = arith.constant 0 : i32
        %dma_start3A_504 = tpu.memref_slice %arg20[%dma_start3A_503] : memref<647168xf32, #tpu.memory_space<vmem_shared>> -> memref<647168xf32, #tpu.memory_space<vmem_shared>>
        tpu.enqueue_indirect_dma source(%arg19 : memref<80xf32, #tpu.memory_space<vmem>>) target(%dma_start3A_504 : memref<647168xf32, #tpu.memory_space<vmem_shared>>) offsets(%arg8 : memref<80xi32, #tpu.memory_space<vmem>>) semaphore(%run_scoped3A : memref<!tpu.dma_semaphore, #tpu.memory_space<semaphore_mem>>) {add = true}
        %dma_wait3A_505 = arith.constant 0 : i32
        %dma_wait3A_506 = tpu.memref_slice %arg20[%dma_wait3A_505] : memref<647168xf32, #tpu.memory_space<vmem_shared>> -> memref<647168xf32, #tpu.memory_space<vmem_shared>>
        tpu.wait_indirect_dma semaphore(%run_scoped3A : memref<!tpu.dma_semaphore, #tpu.memory_space<semaphore_mem>>) src(%arg19 : memref<80xf32, #tpu.memory_space<vmem>>) dst(%dma_wait3A_506 : memref<647168xf32, #tpu.memory_space<vmem_shared>>)
        tpu.yield
      }) : () -> ()
      %lt3A_344 = arith.constant 30 : i32
      %lt3A_345 = arith.cmpi slt, %add3A_157, %lt3A_344 : i32
      %convert_element_type3A_346 = arith.extui %lt3A_345 : i1 to i32
      %cond3A_347 = arith.constant 0 : i32
      %cond3A_348 = arith.cmpi ne, %convert_element_type3A_346, %cond3A_347 : i32
      scf.if %cond3A_348 {
        %add3A_503 = arith.constant 1 : i32
        %add3A_504 = arith.addi %add3A_157, %add3A_503 : i32
        %mul3A_505 = arith.constant 4 : i32
        %mul3A_506 = arith.muli %add3A_504, %mul3A_505 : i32
        %add3A_507 = arith.constant 1 : i32
        %add3A_508 = arith.addi %mul3A_506, %add3A_507 : i32
        %mul3A_509 = arith.constant 80 : i32
        %mul3A_510 = arith.muli %add3A_508, %mul3A_509 : i32
        %add3A_511 = arith.addi %mul3A_34, %mul3A_510 : i32
        %dma_start3A_512 = tpu.memref_slice %arg3[%add3A_511] : memref<320000xi32, #tpu.memory_space<hbm>> -> memref<80xi32, #tpu.memory_space<hbm>>
        %dma_start3A_513 = tpu.memref_slice %arg3[%add3A_511] : memref<320000xi32, #tpu.memory_space<hbm>> -> memref<80xi32, #tpu.memory_space<hbm>>
        tpu.enqueue_dma source(%dma_start3A_513 : memref<80xi32, #tpu.memory_space<hbm>>) target(%arg8 : memref<80xi32, #tpu.memory_space<vmem>>) target_semaphore(%arg22 : memref<!tpu.dma_semaphore, #tpu.memory_space<semaphore_mem>>)
        %dma_start3A_514 = tpu.memref_slice %arg2[%add3A_511] : memref<320000xi32, #tpu.memory_space<hbm>> -> memref<80xi32, #tpu.memory_space<hbm>>
        %dma_start3A_515 = tpu.memref_slice %arg2[%add3A_511] : memref<320000xi32, #tpu.memory_space<hbm>> -> memref<80xi32, #tpu.memory_space<hbm>>
        tpu.enqueue_dma source(%dma_start3A_515 : memref<80xi32, #tpu.memory_space<hbm>>) target(%arg12 : memref<80xi32, #tpu.memory_space<vmem>>) target_semaphore(%arg22 : memref<!tpu.dma_semaphore, #tpu.memory_space<semaphore_mem>>)
      } else {
      }
      %dma_wait3A_349 = arith.constant 0 : i32
      %dma_wait3A_350 = tpu.memref_slice %arg4[%dma_wait3A_349] : memref<10000xi32, #tpu.memory_space<hbm>> -> memref<10000xi32, #tpu.memory_space<hbm>>
      tpu.wait_indirect_dma semaphore(%arg27 : memref<!tpu.dma_semaphore, #tpu.memory_space<semaphore_mem>>) src(%dma_wait3A_350 : memref<10000xi32, #tpu.memory_space<hbm>>) dst(%arg17 : memref<80xi32, #tpu.memory_space<vmem>>)
      %get3A_351 = arith.constant 0 : index
      %get3A_352 = tpu.vector_load %arg17[%get3A_351] {strides = array<i32>} : memref<80xi32, #tpu.memory_space<vmem>>, vector<16xi32>,
      %get3A_353 = vector.shape_cast %get3A_352 : vector<16xi32> to vector<16xi32>
      %mul3A_354 = arith.constant 10112 : i32
      %mul3A_355 = vector.broadcast %mul3A_354 : i32 to vector<16xi32>
      %mul3A_356 = arith.muli %get3A_353, %mul3A_355 : vector<16xi32>
      %get3A_357 = arith.constant 0 : index
      %get3A_358 = tpu.vector_load %arg9[%get3A_357] {strides = array<i32>} : memref<80xi32, #tpu.memory_space<vmem>>, vector<16xi32>,
      %get3A_359 = vector.shape_cast %get3A_358 : vector<16xi32> to vector<16xi32>
      %add3A_360 = arith.addi %mul3A_356, %get3A_359 : vector<16xi32>
      %swap3A_361 = arith.constant 0 : index
      %swap3A_362 = tpu.vector_load %arg9[%swap3A_361] {strides = array<i32>} : memref<80xi32, #tpu.memory_space<vmem>>, vector<16xi32>,
      %swap3A_363 = vector.shape_cast %swap3A_362 : vector<16xi32> to vector<16xi32>
      %swap3A_364 = vector.shape_cast %add3A_360 : vector<16xi32> to vector<16xi32>
      tpu.vector_store %arg9[%swap3A_361], %swap3A_364 {strides = array<i32>} : memref<80xi32, #tpu.memory_space<vmem>>, vector<16xi32>,
      %get3A_365 = arith.constant 16 : index
      %get3A_366 = tpu.vector_load %arg17[%get3A_365] {strides = array<i32>} : memref<80xi32, #tpu.memory_space<vmem>>, vector<16xi32>,
      %get3A_367 = vector.shape_cast %get3A_366 : vector<16xi32> to vector<16xi32>
      %mul3A_368 = arith.constant 10112 : i32
      %mul3A_369 = vector.broadcast %mul3A_368 : i32 to vector<16xi32>
      %mul3A_370 = arith.muli %get3A_367, %mul3A_369 : vector<16xi32>
      %get3A_371 = arith.constant 16 : index
      %get3A_372 = tpu.vector_load %arg9[%get3A_371] {strides = array<i32>} : memref<80xi32, #tpu.memory_space<vmem>>, vector<16xi32>,
      %get3A_373 = vector.shape_cast %get3A_372 : vector<16xi32> to vector<16xi32>
      %add3A_374 = arith.addi %mul3A_370, %get3A_373 : vector<16xi32>
      %swap3A_375 = arith.constant 16 : index
      %swap3A_376 = tpu.vector_load %arg9[%swap3A_375] {strides = array<i32>} : memref<80xi32, #tpu.memory_space<vmem>>, vector<16xi32>,
      %swap3A_377 = vector.shape_cast %swap3A_376 : vector<16xi32> to vector<16xi32>
      %swap3A_378 = vector.shape_cast %add3A_374 : vector<16xi32> to vector<16xi32>
      tpu.vector_store %arg9[%swap3A_375], %swap3A_378 {strides = array<i32>} : memref<80xi32, #tpu.memory_space<vmem>>, vector<16xi32>,
      %get3A_379 = arith.constant 32 : index
      %get3A_380 = tpu.vector_load %arg17[%get3A_379] {strides = array<i32>} : memref<80xi32, #tpu.memory_space<vmem>>, vector<16xi32>,
      %get3A_381 = vector.shape_cast %get3A_380 : vector<16xi32> to vector<16xi32>
      %mul3A_382 = arith.constant 10112 : i32
      %mul3A_383 = vector.broadcast %mul3A_382 : i32 to vector<16xi32>
      %mul3A_384 = arith.muli %get3A_381, %mul3A_383 : vector<16xi32>
      %get3A_385 = arith.constant 32 : index
      %get3A_386 = tpu.vector_load %arg9[%get3A_385] {strides = array<i32>} : memref<80xi32, #tpu.memory_space<vmem>>, vector<16xi32>,
      %get3A_387 = vector.shape_cast %get3A_386 : vector<16xi32> to vector<16xi32>
      %add3A_388 = arith.addi %mul3A_384, %get3A_387 : vector<16xi32>
      %swap3A_389 = arith.constant 32 : index
      %swap3A_390 = tpu.vector_load %arg9[%swap3A_389] {strides = array<i32>} : memref<80xi32, #tpu.memory_space<vmem>>, vector<16xi32>,
      %swap3A_391 = vector.shape_cast %swap3A_390 : vector<16xi32> to vector<16xi32>
      %swap3A_392 = vector.shape_cast %add3A_388 : vector<16xi32> to vector<16xi32>
      tpu.vector_store %arg9[%swap3A_389], %swap3A_392 {strides = array<i32>} : memref<80xi32, #tpu.memory_space<vmem>>, vector<16xi32>,
      %get3A_393 = arith.constant 48 : index
      %get3A_394 = tpu.vector_load %arg17[%get3A_393] {strides = array<i32>} : memref<80xi32, #tpu.memory_space<vmem>>, vector<16xi32>,
      %get3A_395 = vector.shape_cast %get3A_394 : vector<16xi32> to vector<16xi32>
      %mul3A_396 = arith.constant 10112 : i32
      %mul3A_397 = vector.broadcast %mul3A_396 : i32 to vector<16xi32>
      %mul3A_398 = arith.muli %get3A_395, %mul3A_397 : vector<16xi32>
      %get3A_399 = arith.constant 48 : index
      %get3A_400 = tpu.vector_load %arg9[%get3A_399] {strides = array<i32>} : memref<80xi32, #tpu.memory_space<vmem>>, vector<16xi32>,
      %get3A_401 = vector.shape_cast %get3A_400 : vector<16xi32> to vector<16xi32>
      %add3A_402 = arith.addi %mul3A_398, %get3A_401 : vector<16xi32>
      %swap3A_403 = arith.constant 48 : index
      %swap3A_404 = tpu.vector_load %arg9[%swap3A_403] {strides = array<i32>} : memref<80xi32, #tpu.memory_space<vmem>>, vector<16xi32>,
      %swap3A_405 = vector.shape_cast %swap3A_404 : vector<16xi32> to vector<16xi32>
      %swap3A_406 = vector.shape_cast %add3A_402 : vector<16xi32> to vector<16xi32>
      tpu.vector_store %arg9[%swap3A_403], %swap3A_406 {strides = array<i32>} : memref<80xi32, #tpu.memory_space<vmem>>, vector<16xi32>,
      %get3A_407 = arith.constant 64 : index
      %get3A_408 = tpu.vector_load %arg17[%get3A_407] {strides = array<i32>} : memref<80xi32, #tpu.memory_space<vmem>>, vector<16xi32>,
      %get3A_409 = vector.shape_cast %get3A_408 : vector<16xi32> to vector<16xi32>
      %mul3A_410 = arith.constant 10112 : i32
      %mul3A_411 = vector.broadcast %mul3A_410 : i32 to vector<16xi32>
      %mul3A_412 = arith.muli %get3A_409, %mul3A_411 : vector<16xi32>
      %get3A_413 = arith.constant 64 : index
      %get3A_414 = tpu.vector_load %arg9[%get3A_413] {strides = array<i32>} : memref<80xi32, #tpu.memory_space<vmem>>, vector<16xi32>,
      %get3A_415 = vector.shape_cast %get3A_414 : vector<16xi32> to vector<16xi32>
      %add3A_416 = arith.addi %mul3A_412, %get3A_415 : vector<16xi32>
      %swap3A_417 = arith.constant 64 : index
      %swap3A_418 = tpu.vector_load %arg9[%swap3A_417] {strides = array<i32>} : memref<80xi32, #tpu.memory_space<vmem>>, vector<16xi32>,
      %swap3A_419 = vector.shape_cast %swap3A_418 : vector<16xi32> to vector<16xi32>
      %swap3A_420 = vector.shape_cast %add3A_416 : vector<16xi32> to vector<16xi32>
      tpu.vector_store %arg9[%swap3A_417], %swap3A_420 {strides = array<i32>} : memref<80xi32, #tpu.memory_space<vmem>>, vector<16xi32>,
      "tpu.region"() ({
        %run_scoped3A = tpu.sem_alloc : memref<!tpu.dma_semaphore, #tpu.memory_space<semaphore_mem>>
        %dma_start3A_503 = arith.constant 0 : i32
        %dma_start3A_504 = tpu.memref_slice %arg20[%dma_start3A_503] : memref<647168xf32, #tpu.memory_space<vmem_shared>> -> memref<647168xf32, #tpu.memory_space<vmem_shared>>
        tpu.enqueue_indirect_dma source(%arg19 : memref<80xf32, #tpu.memory_space<vmem>>) target(%dma_start3A_504 : memref<647168xf32, #tpu.memory_space<vmem_shared>>) offsets(%arg9 : memref<80xi32, #tpu.memory_space<vmem>>) semaphore(%run_scoped3A : memref<!tpu.dma_semaphore, #tpu.memory_space<semaphore_mem>>) {add = true}
        %dma_wait3A_505 = arith.constant 0 : i32
        %dma_wait3A_506 = tpu.memref_slice %arg20[%dma_wait3A_505] : memref<647168xf32, #tpu.memory_space<vmem_shared>> -> memref<647168xf32, #tpu.memory_space<vmem_shared>>
        tpu.wait_indirect_dma semaphore(%run_scoped3A : memref<!tpu.dma_semaphore, #tpu.memory_space<semaphore_mem>>) src(%arg19 : memref<80xf32, #tpu.memory_space<vmem>>) dst(%dma_wait3A_506 : memref<647168xf32, #tpu.memory_space<vmem_shared>>)
        tpu.yield
      }) : () -> ()
      %lt3A_421 = arith.constant 30 : i32
      %lt3A_422 = arith.cmpi slt, %add3A_157, %lt3A_421 : i32
      %convert_element_type3A_423 = arith.extui %lt3A_422 : i1 to i32
      %cond3A_424 = arith.constant 0 : i32
      %cond3A_425 = arith.cmpi ne, %convert_element_type3A_423, %cond3A_424 : i32
      scf.if %cond3A_425 {
        %add3A_503 = arith.constant 1 : i32
        %add3A_504 = arith.addi %add3A_157, %add3A_503 : i32
        %mul3A_505 = arith.constant 4 : i32
        %mul3A_506 = arith.muli %add3A_504, %mul3A_505 : i32
        %add3A_507 = arith.constant 2 : i32
        %add3A_508 = arith.addi %mul3A_506, %add3A_507 : i32
        %mul3A_509 = arith.constant 80 : i32
        %mul3A_510 = arith.muli %add3A_508, %mul3A_509 : i32
        %add3A_511 = arith.addi %mul3A_34, %mul3A_510 : i32
        %dma_start3A_512 = tpu.memref_slice %arg3[%add3A_511] : memref<320000xi32, #tpu.memory_space<hbm>> -> memref<80xi32, #tpu.memory_space<hbm>>
        %dma_start3A_513 = tpu.memref_slice %arg3[%add3A_511] : memref<320000xi32, #tpu.memory_space<hbm>> -> memref<80xi32, #tpu.memory_space<hbm>>
        tpu.enqueue_dma source(%dma_start3A_513 : memref<80xi32, #tpu.memory_space<hbm>>) target(%arg9 : memref<80xi32, #tpu.memory_space<vmem>>) target_semaphore(%arg23 : memref<!tpu.dma_semaphore, #tpu.memory_space<semaphore_mem>>)
        %dma_start3A_514 = tpu.memref_slice %arg2[%add3A_511] : memref<320000xi32, #tpu.memory_space<hbm>> -> memref<80xi32, #tpu.memory_space<hbm>>
        %dma_start3A_515 = tpu.memref_slice %arg2[%add3A_511] : memref<320000xi32, #tpu.memory_space<hbm>> -> memref<80xi32, #tpu.memory_space<hbm>>
        tpu.enqueue_dma source(%dma_start3A_515 : memref<80xi32, #tpu.memory_space<hbm>>) target(%arg13 : memref<80xi32, #tpu.memory_space<vmem>>) target_semaphore(%arg23 : memref<!tpu.dma_semaphore, #tpu.memory_space<semaphore_mem>>)
      } else {
      }
      %dma_wait3A_426 = arith.constant 0 : i32
      %dma_wait3A_427 = tpu.memref_slice %arg4[%dma_wait3A_426] : memref<10000xi32, #tpu.memory_space<hbm>> -> memref<10000xi32, #tpu.memory_space<hbm>>
      tpu.wait_indirect_dma semaphore(%arg28 : memref<!tpu.dma_semaphore, #tpu.memory_space<semaphore_mem>>) src(%dma_wait3A_427 : memref<10000xi32, #tpu.memory_space<hbm>>) dst(%arg18 : memref<80xi32, #tpu.memory_space<vmem>>)
      %get3A_428 = arith.constant 0 : index
      %get3A_429 = tpu.vector_load %arg18[%get3A_428] {strides = array<i32>} : memref<80xi32, #tpu.memory_space<vmem>>, vector<16xi32>,
      %get3A_430 = vector.shape_cast %get3A_429 : vector<16xi32> to vector<16xi32>
      %mul3A_431 = arith.constant 10112 : i32
      %mul3A_432 = vector.broadcast %mul3A_431 : i32 to vector<16xi32>
      %mul3A_433 = arith.muli %get3A_430, %mul3A_432 : vector<16xi32>
      %get3A_434 = arith.constant 0 : index
      %get3A_435 = tpu.vector_load %arg10[%get3A_434] {strides = array<i32>} : memref<80xi32, #tpu.memory_space<vmem>>, vector<16xi32>,
      %get3A_436 = vector.shape_cast %get3A_435 : vector<16xi32> to vector<16xi32>
      %add3A_437 = arith.addi %mul3A_433, %get3A_436 : vector<16xi32>
      %swap3A_438 = arith.constant 0 : index
      %swap3A_439 = tpu.vector_load %arg10[%swap3A_438] {strides = array<i32>} : memref<80xi32, #tpu.memory_space<vmem>>, vector<16xi32>,
      %swap3A_440 = vector.shape_cast %swap3A_439 : vector<16xi32> to vector<16xi32>
      %swap3A_441 = vector.shape_cast %add3A_437 : vector<16xi32> to vector<16xi32>
      tpu.vector_store %arg10[%swap3A_438], %swap3A_441 {strides = array<i32>} : memref<80xi32, #tpu.memory_space<vmem>>, vector<16xi32>,
      %get3A_442 = arith.constant 16 : index
      %get3A_443 = tpu.vector_load %arg18[%get3A_442] {strides = array<i32>} : memref<80xi32, #tpu.memory_space<vmem>>, vector<16xi32>,
      %get3A_444 = vector.shape_cast %get3A_443 : vector<16xi32> to vector<16xi32>
      %mul3A_445 = arith.constant 10112 : i32
      %mul3A_446 = vector.broadcast %mul3A_445 : i32 to vector<16xi32>
      %mul3A_447 = arith.muli %get3A_444, %mul3A_446 : vector<16xi32>
      %get3A_448 = arith.constant 16 : index
      %get3A_449 = tpu.vector_load %arg10[%get3A_448] {strides = array<i32>} : memref<80xi32, #tpu.memory_space<vmem>>, vector<16xi32>,
      %get3A_450 = vector.shape_cast %get3A_449 : vector<16xi32> to vector<16xi32>
      %add3A_451 = arith.addi %mul3A_447, %get3A_450 : vector<16xi32>
      %swap3A_452 = arith.constant 16 : index
      %swap3A_453 = tpu.vector_load %arg10[%swap3A_452] {strides = array<i32>} : memref<80xi32, #tpu.memory_space<vmem>>, vector<16xi32>,
      %swap3A_454 = vector.shape_cast %swap3A_453 : vector<16xi32> to vector<16xi32>
      %swap3A_455 = vector.shape_cast %add3A_451 : vector<16xi32> to vector<16xi32>
      tpu.vector_store %arg10[%swap3A_452], %swap3A_455 {strides = array<i32>} : memref<80xi32, #tpu.memory_space<vmem>>, vector<16xi32>,
      %get3A_456 = arith.constant 32 : index
      %get3A_457 = tpu.vector_load %arg18[%get3A_456] {strides = array<i32>} : memref<80xi32, #tpu.memory_space<vmem>>, vector<16xi32>,
      %get3A_458 = vector.shape_cast %get3A_457 : vector<16xi32> to vector<16xi32>
      %mul3A_459 = arith.constant 10112 : i32
      %mul3A_460 = vector.broadcast %mul3A_459 : i32 to vector<16xi32>
      %mul3A_461 = arith.muli %get3A_458, %mul3A_460 : vector<16xi32>
      %get3A_462 = arith.constant 32 : index
      %get3A_463 = tpu.vector_load %arg10[%get3A_462] {strides = array<i32>} : memref<80xi32, #tpu.memory_space<vmem>>, vector<16xi32>,
      %get3A_464 = vector.shape_cast %get3A_463 : vector<16xi32> to vector<16xi32>
      %add3A_465 = arith.addi %mul3A_461, %get3A_464 : vector<16xi32>
      %swap3A_466 = arith.constant 32 : index
      %swap3A_467 = tpu.vector_load %arg10[%swap3A_466] {strides = array<i32>} : memref<80xi32, #tpu.memory_space<vmem>>, vector<16xi32>,
      %swap3A_468 = vector.shape_cast %swap3A_467 : vector<16xi32> to vector<16xi32>
      %swap3A_469 = vector.shape_cast %add3A_465 : vector<16xi32> to vector<16xi32>
      tpu.vector_store %arg10[%swap3A_466], %swap3A_469 {strides = array<i32>} : memref<80xi32, #tpu.memory_space<vmem>>, vector<16xi32>,
      %get3A_470 = arith.constant 48 : index
      %get3A_471 = tpu.vector_load %arg18[%get3A_470] {strides = array<i32>} : memref<80xi32, #tpu.memory_space<vmem>>, vector<16xi32>,
      %get3A_472 = vector.shape_cast %get3A_471 : vector<16xi32> to vector<16xi32>
      %mul3A_473 = arith.constant 10112 : i32
      %mul3A_474 = vector.broadcast %mul3A_473 : i32 to vector<16xi32>
      %mul3A_475 = arith.muli %get3A_472, %mul3A_474 : vector<16xi32>
      %get3A_476 = arith.constant 48 : index
      %get3A_477 = tpu.vector_load %arg10[%get3A_476] {strides = array<i32>} : memref<80xi32, #tpu.memory_space<vmem>>, vector<16xi32>,
      %get3A_478 = vector.shape_cast %get3A_477 : vector<16xi32> to vector<16xi32>
      %add3A_479 = arith.addi %mul3A_475, %get3A_478 : vector<16xi32>
      %swap3A_480 = arith.constant 48 : index
      %swap3A_481 = tpu.vector_load %arg10[%swap3A_480] {strides = array<i32>} : memref<80xi32, #tpu.memory_space<vmem>>, vector<16xi32>,
      %swap3A_482 = vector.shape_cast %swap3A_481 : vector<16xi32> to vector<16xi32>
      %swap3A_483 = vector.shape_cast %add3A_479 : vector<16xi32> to vector<16xi32>
      tpu.vector_store %arg10[%swap3A_480], %swap3A_483 {strides = array<i32>} : memref<80xi32, #tpu.memory_space<vmem>>, vector<16xi32>,
      %get3A_484 = arith.constant 64 : index
      %get3A_485 = tpu.vector_load %arg18[%get3A_484] {strides = array<i32>} : memref<80xi32, #tpu.memory_space<vmem>>, vector<16xi32>,
      %get3A_486 = vector.shape_cast %get3A_485 : vector<16xi32> to vector<16xi32>
      %mul3A_487 = arith.constant 10112 : i32
      %mul3A_488 = vector.broadcast %mul3A_487 : i32 to vector<16xi32>
      %mul3A_489 = arith.muli %get3A_486, %mul3A_488 : vector<16xi32>
      %get3A_490 = arith.constant 64 : index
      %get3A_491 = tpu.vector_load %arg10[%get3A_490] {strides = array<i32>} : memref<80xi32, #tpu.memory_space<vmem>>, vector<16xi32>,
      %get3A_492 = vector.shape_cast %get3A_491 : vector<16xi32> to vector<16xi32>
      %add3A_493 = arith.addi %mul3A_489, %get3A_492 : vector<16xi32>
      %swap3A_494 = arith.constant 64 : index
      %swap3A_495 = tpu.vector_load %arg10[%swap3A_494] {strides = array<i32>} : memref<80xi32, #tpu.memory_space<vmem>>, vector<16xi32>,
      %swap3A_496 = vector.shape_cast %swap3A_495 : vector<16xi32> to vector<16xi32>
      %swap3A_497 = vector.shape_cast %add3A_493 : vector<16xi32> to vector<16xi32>
      tpu.vector_store %arg10[%swap3A_494], %swap3A_497 {strides = array<i32>} : memref<80xi32, #tpu.memory_space<vmem>>, vector<16xi32>,
      "tpu.region"() ({
        %run_scoped3A = tpu.sem_alloc : memref<!tpu.dma_semaphore, #tpu.memory_space<semaphore_mem>>
        %dma_start3A_503 = arith.constant 0 : i32
        %dma_start3A_504 = tpu.memref_slice %arg20[%dma_start3A_503] : memref<647168xf32, #tpu.memory_space<vmem_shared>> -> memref<647168xf32, #tpu.memory_space<vmem_shared>>
        tpu.enqueue_indirect_dma source(%arg19 : memref<80xf32, #tpu.memory_space<vmem>>) target(%dma_start3A_504 : memref<647168xf32, #tpu.memory_space<vmem_shared>>) offsets(%arg10 : memref<80xi32, #tpu.memory_space<vmem>>) semaphore(%run_scoped3A : memref<!tpu.dma_semaphore, #tpu.memory_space<semaphore_mem>>) {add = true}
        %dma_wait3A_505 = arith.constant 0 : i32
        %dma_wait3A_506 = tpu.memref_slice %arg20[%dma_wait3A_505] : memref<647168xf32, #tpu.memory_space<vmem_shared>> -> memref<647168xf32, #tpu.memory_space<vmem_shared>>
        tpu.wait_indirect_dma semaphore(%run_scoped3A : memref<!tpu.dma_semaphore, #tpu.memory_space<semaphore_mem>>) src(%arg19 : memref<80xf32, #tpu.memory_space<vmem>>) dst(%dma_wait3A_506 : memref<647168xf32, #tpu.memory_space<vmem_shared>>)
        tpu.yield
      }) : () -> ()
      %lt3A_498 = arith.constant 30 : i32
      %lt3A_499 = arith.cmpi slt, %add3A_157, %lt3A_498 : i32
      %convert_element_type3A_500 = arith.extui %lt3A_499 : i1 to i32
      %cond3A_501 = arith.constant 0 : i32
      %cond3A_502 = arith.cmpi ne, %convert_element_type3A_500, %cond3A_501 : i32
      scf.if %cond3A_502 {
        %add3A_503 = arith.constant 1 : i32
        %add3A_504 = arith.addi %add3A_157, %add3A_503 : i32
        %mul3A_505 = arith.constant 4 : i32
        %mul3A_506 = arith.muli %add3A_504, %mul3A_505 : i32
        %add3A_507 = arith.constant 3 : i32
        %add3A_508 = arith.addi %mul3A_506, %add3A_507 : i32
        %mul3A_509 = arith.constant 80 : i32
        %mul3A_510 = arith.muli %add3A_508, %mul3A_509 : i32
        %add3A_511 = arith.addi %mul3A_34, %mul3A_510 : i32
        %dma_start3A_512 = tpu.memref_slice %arg3[%add3A_511] : memref<320000xi32, #tpu.memory_space<hbm>> -> memref<80xi32, #tpu.memory_space<hbm>>
        %dma_start3A_513 = tpu.memref_slice %arg3[%add3A_511] : memref<320000xi32, #tpu.memory_space<hbm>> -> memref<80xi32, #tpu.memory_space<hbm>>
        tpu.enqueue_dma source(%dma_start3A_513 : memref<80xi32, #tpu.memory_space<hbm>>) target(%arg10 : memref<80xi32, #tpu.memory_space<vmem>>) target_semaphore(%arg24 : memref<!tpu.dma_semaphore, #tpu.memory_space<semaphore_mem>>)
        %dma_start3A_514 = tpu.memref_slice %arg2[%add3A_511] : memref<320000xi32, #tpu.memory_space<hbm>> -> memref<80xi32, #tpu.memory_space<hbm>>
        %dma_start3A_515 = tpu.memref_slice %arg2[%add3A_511] : memref<320000xi32, #tpu.memory_space<hbm>> -> memref<80xi32, #tpu.memory_space<hbm>>
        tpu.enqueue_dma source(%dma_start3A_515 : memref<80xi32, #tpu.memory_space<hbm>>) target(%arg14 : memref<80xi32, #tpu.memory_space<vmem>>) target_semaphore(%arg24 : memref<!tpu.dma_semaphore, #tpu.memory_space<semaphore_mem>>)
      } else {
      }
    }
    %scan3A_61 = arith.constant 31 : i32
    %add3A_62 = arith.constant 9920 : i32
    %add3A_63 = arith.addi %mul3A_34, %add3A_62 : i32
    %dma_start3A_64 = tpu.memref_slice %arg3[%add3A_63] : memref<320000xi32, #tpu.memory_space<hbm>> -> memref<80xi32, #tpu.memory_space<hbm>>
    %dma_start3A_65 = tpu.memref_slice %arg3[%add3A_63] : memref<320000xi32, #tpu.memory_space<hbm>> -> memref<80xi32, #tpu.memory_space<hbm>>
    tpu.enqueue_dma source(%dma_start3A_65 : memref<80xi32, #tpu.memory_space<hbm>>) target(%arg7 : memref<80xi32, #tpu.memory_space<vmem>>) target_semaphore(%arg21 : memref<!tpu.dma_semaphore, #tpu.memory_space<semaphore_mem>>)
    %dma_start3A_66 = tpu.memref_slice %arg2[%add3A_63] : memref<320000xi32, #tpu.memory_space<hbm>> -> memref<80xi32, #tpu.memory_space<hbm>>
    %dma_start3A_67 = tpu.memref_slice %arg2[%add3A_63] : memref<320000xi32, #tpu.memory_space<hbm>> -> memref<80xi32, #tpu.memory_space<hbm>>
    tpu.enqueue_dma source(%dma_start3A_67 : memref<80xi32, #tpu.memory_space<hbm>>) target(%arg11 : memref<80xi32, #tpu.memory_space<vmem>>) target_semaphore(%arg21 : memref<!tpu.dma_semaphore, #tpu.memory_space<semaphore_mem>>)
    %dma_wait3A = arith.constant 0 : i32
    %dma_wait3A_68 = tpu.memref_slice %arg3[%dma_wait3A] : memref<320000xi32, #tpu.memory_space<hbm>> -> memref<80xi32, #tpu.memory_space<hbm>>
    %dma_wait3A_69 = arith.constant 0 : i32
    %dma_wait3A_70 = tpu.memref_slice %arg3[%dma_wait3A_69] : memref<320000xi32, #tpu.memory_space<hbm>> -> memref<80xi32, #tpu.memory_space<hbm>>
    tpu.wait_dma2 semaphore(%arg21 : memref<!tpu.dma_semaphore, #tpu.memory_space<semaphore_mem>>) src(%dma_wait3A_70 : memref<80xi32, #tpu.memory_space<hbm>>) dst(%arg7 : memref<80xi32, #tpu.memory_space<vmem>>)
    %dma_wait3A_71 = arith.constant 0 : i32
    %dma_wait3A_72 = tpu.memref_slice %arg2[%dma_wait3A_71] : memref<320000xi32, #tpu.memory_space<hbm>> -> memref<80xi32, #tpu.memory_space<hbm>>
    %dma_wait3A_73 = arith.constant 0 : i32
    %dma_wait3A_74 = tpu.memref_slice %arg2[%dma_wait3A_73] : memref<320000xi32, #tpu.memory_space<hbm>> -> memref<80xi32, #tpu.memory_space<hbm>>
    tpu.wait_dma2 semaphore(%arg21 : memref<!tpu.dma_semaphore, #tpu.memory_space<semaphore_mem>>) src(%dma_wait3A_74 : memref<80xi32, #tpu.memory_space<hbm>>) dst(%arg11 : memref<80xi32, #tpu.memory_space<vmem>>)
    %dma_start3A_75 = arith.constant 0 : i32
    %dma_start3A_76 = tpu.memref_slice %arg4[%dma_start3A_75] : memref<10000xi32, #tpu.memory_space<hbm>> -> memref<10000xi32, #tpu.memory_space<hbm>>
    tpu.enqueue_indirect_dma source(%dma_start3A_76 : memref<10000xi32, #tpu.memory_space<hbm>>) target(%arg15 : memref<80xi32, #tpu.memory_space<vmem>>) offsets(%arg11 : memref<80xi32, #tpu.memory_space<vmem>>) semaphore(%arg25 : memref<!tpu.dma_semaphore, #tpu.memory_space<semaphore_mem>>)
    %dma_wait3A_77 = arith.constant 0 : i32
    %dma_wait3A_78 = tpu.memref_slice %arg4[%dma_wait3A_77] : memref<10000xi32, #tpu.memory_space<hbm>> -> memref<10000xi32, #tpu.memory_space<hbm>>
    tpu.wait_indirect_dma semaphore(%arg25 : memref<!tpu.dma_semaphore, #tpu.memory_space<semaphore_mem>>) src(%dma_wait3A_78 : memref<10000xi32, #tpu.memory_space<hbm>>) dst(%arg15 : memref<80xi32, #tpu.memory_space<vmem>>)
    %get3A = arith.constant 0 : index
    %get3A_79 = tpu.vector_load %arg15[%get3A] {strides = array<i32>} : memref<80xi32, #tpu.memory_space<vmem>>, vector<16xi32>,
    %get3A_80 = vector.shape_cast %get3A_79 : vector<16xi32> to vector<16xi32>
    %mul3A_81 = arith.constant 10112 : i32
    %mul3A_82 = vector.broadcast %mul3A_81 : i32 to vector<16xi32>
    %mul3A_83 = arith.muli %get3A_80, %mul3A_82 : vector<16xi32>
    %get3A_84 = arith.constant 0 : index
    %get3A_85 = tpu.vector_load %arg7[%get3A_84] {strides = array<i32>} : memref<80xi32, #tpu.memory_space<vmem>>, vector<16xi32>,
    %get3A_86 = vector.shape_cast %get3A_85 : vector<16xi32> to vector<16xi32>
    %add3A_87 = arith.addi %mul3A_83, %get3A_86 : vector<16xi32>
    %swap3A_88 = arith.constant 0 : index
    %swap3A_89 = tpu.vector_load %arg7[%swap3A_88] {strides = array<i32>} : memref<80xi32, #tpu.memory_space<vmem>>, vector<16xi32>,
    %swap3A_90 = vector.shape_cast %swap3A_89 : vector<16xi32> to vector<16xi32>
    %swap3A_91 = vector.shape_cast %add3A_87 : vector<16xi32> to vector<16xi32>
    tpu.vector_store %arg7[%swap3A_88], %swap3A_91 {strides = array<i32>} : memref<80xi32, #tpu.memory_space<vmem>>, vector<16xi32>,
    %get3A_92 = arith.constant 16 : index
    %get3A_93 = tpu.vector_load %arg15[%get3A_92] {strides = array<i32>} : memref<80xi32, #tpu.memory_space<vmem>>, vector<16xi32>,
    %get3A_94 = vector.shape_cast %get3A_93 : vector<16xi32> to vector<16xi32>
    %mul3A_95 = arith.constant 10112 : i32
    %mul3A_96 = vector.broadcast %mul3A_95 : i32 to vector<16xi32>
    %mul3A_97 = arith.muli %get3A_94, %mul3A_96 : vector<16xi32>
    %get3A_98 = arith.constant 16 : index
    %get3A_99 = tpu.vector_load %arg7[%get3A_98] {strides = array<i32>} : memref<80xi32, #tpu.memory_space<vmem>>, vector<16xi32>,
    %get3A_100 = vector.shape_cast %get3A_99 : vector<16xi32> to vector<16xi32>
    %add3A_101 = arith.addi %mul3A_97, %get3A_100 : vector<16xi32>
    %swap3A_102 = arith.constant 16 : index
    %swap3A_103 = tpu.vector_load %arg7[%swap3A_102] {strides = array<i32>} : memref<80xi32, #tpu.memory_space<vmem>>, vector<16xi32>,
    %swap3A_104 = vector.shape_cast %swap3A_103 : vector<16xi32> to vector<16xi32>
    %swap3A_105 = vector.shape_cast %add3A_101 : vector<16xi32> to vector<16xi32>
    tpu.vector_store %arg7[%swap3A_102], %swap3A_105 {strides = array<i32>} : memref<80xi32, #tpu.memory_space<vmem>>, vector<16xi32>,
    %get3A_106 = arith.constant 32 : index
    %get3A_107 = tpu.vector_load %arg15[%get3A_106] {strides = array<i32>} : memref<80xi32, #tpu.memory_space<vmem>>, vector<16xi32>,
    %get3A_108 = vector.shape_cast %get3A_107 : vector<16xi32> to vector<16xi32>
    %mul3A_109 = arith.constant 10112 : i32
    %mul3A_110 = vector.broadcast %mul3A_109 : i32 to vector<16xi32>
    %mul3A_111 = arith.muli %get3A_108, %mul3A_110 : vector<16xi32>
    %get3A_112 = arith.constant 32 : index
    %get3A_113 = tpu.vector_load %arg7[%get3A_112] {strides = array<i32>} : memref<80xi32, #tpu.memory_space<vmem>>, vector<16xi32>,
    %get3A_114 = vector.shape_cast %get3A_113 : vector<16xi32> to vector<16xi32>
    %add3A_115 = arith.addi %mul3A_111, %get3A_114 : vector<16xi32>
    %swap3A_116 = arith.constant 32 : index
    %swap3A_117 = tpu.vector_load %arg7[%swap3A_116] {strides = array<i32>} : memref<80xi32, #tpu.memory_space<vmem>>, vector<16xi32>,
    %swap3A_118 = vector.shape_cast %swap3A_117 : vector<16xi32> to vector<16xi32>
    %swap3A_119 = vector.shape_cast %add3A_115 : vector<16xi32> to vector<16xi32>
    tpu.vector_store %arg7[%swap3A_116], %swap3A_119 {strides = array<i32>} : memref<80xi32, #tpu.memory_space<vmem>>, vector<16xi32>,
    %get3A_120 = arith.constant 48 : index
    %get3A_121 = tpu.vector_load %arg15[%get3A_120] {strides = array<i32>} : memref<80xi32, #tpu.memory_space<vmem>>, vector<16xi32>,
    %get3A_122 = vector.shape_cast %get3A_121 : vector<16xi32> to vector<16xi32>
    %mul3A_123 = arith.constant 10112 : i32
    %mul3A_124 = vector.broadcast %mul3A_123 : i32 to vector<16xi32>
    %mul3A_125 = arith.muli %get3A_122, %mul3A_124 : vector<16xi32>
    %get3A_126 = arith.constant 48 : index
    %get3A_127 = tpu.vector_load %arg7[%get3A_126] {strides = array<i32>} : memref<80xi32, #tpu.memory_space<vmem>>, vector<16xi32>,
    %get3A_128 = vector.shape_cast %get3A_127 : vector<16xi32> to vector<16xi32>
    %add3A_129 = arith.addi %mul3A_125, %get3A_128 : vector<16xi32>
    %swap3A_130 = arith.constant 48 : index
    %swap3A_131 = tpu.vector_load %arg7[%swap3A_130] {strides = array<i32>} : memref<80xi32, #tpu.memory_space<vmem>>, vector<16xi32>,
    %swap3A_132 = vector.shape_cast %swap3A_131 : vector<16xi32> to vector<16xi32>
    %swap3A_133 = vector.shape_cast %add3A_129 : vector<16xi32> to vector<16xi32>
    tpu.vector_store %arg7[%swap3A_130], %swap3A_133 {strides = array<i32>} : memref<80xi32, #tpu.memory_space<vmem>>, vector<16xi32>,
    %get3A_134 = arith.constant 64 : index
    %get3A_135 = tpu.vector_load %arg15[%get3A_134] {strides = array<i32>} : memref<80xi32, #tpu.memory_space<vmem>>, vector<16xi32>,
    %get3A_136 = vector.shape_cast %get3A_135 : vector<16xi32> to vector<16xi32>
    %mul3A_137 = arith.constant 10112 : i32
    %mul3A_138 = vector.broadcast %mul3A_137 : i32 to vector<16xi32>
    %mul3A_139 = arith.muli %get3A_136, %mul3A_138 : vector<16xi32>
    %get3A_140 = arith.constant 64 : index
    %get3A_141 = tpu.vector_load %arg7[%get3A_140] {strides = array<i32>} : memref<80xi32, #tpu.memory_space<vmem>>, vector<16xi32>,
    %get3A_142 = vector.shape_cast %get3A_141 : vector<16xi32> to vector<16xi32>
    %add3A_143 = arith.addi %mul3A_139, %get3A_142 : vector<16xi32>
    %swap3A_144 = arith.constant 64 : index
    %swap3A_145 = tpu.vector_load %arg7[%swap3A_144] {strides = array<i32>} : memref<80xi32, #tpu.memory_space<vmem>>, vector<16xi32>,
    %swap3A_146 = vector.shape_cast %swap3A_145 : vector<16xi32> to vector<16xi32>
    %swap3A_147 = vector.shape_cast %add3A_143 : vector<16xi32> to vector<16xi32>
    tpu.vector_store %arg7[%swap3A_144], %swap3A_147 {strides = array<i32>} : memref<80xi32, #tpu.memory_space<vmem>>, vector<16xi32>,
    "tpu.region"() ({
      %run_scoped3A = tpu.sem_alloc : memref<!tpu.dma_semaphore, #tpu.memory_space<semaphore_mem>>
      %dma_start3A_153 = arith.constant 0 : i32
      %dma_start3A_154 = tpu.memref_slice %arg20[%dma_start3A_153] : memref<647168xf32, #tpu.memory_space<vmem_shared>> -> memref<647168xf32, #tpu.memory_space<vmem_shared>>
      tpu.enqueue_indirect_dma source(%arg19 : memref<80xf32, #tpu.memory_space<vmem>>) target(%dma_start3A_154 : memref<647168xf32, #tpu.memory_space<vmem_shared>>) offsets(%arg7 : memref<80xi32, #tpu.memory_space<vmem>>) semaphore(%run_scoped3A : memref<!tpu.dma_semaphore, #tpu.memory_space<semaphore_mem>>) {add = true}
      %dma_wait3A_155 = arith.constant 0 : i32
      %dma_wait3A_156 = tpu.memref_slice %arg20[%dma_wait3A_155] : memref<647168xf32, #tpu.memory_space<vmem_shared>> -> memref<647168xf32, #tpu.memory_space<vmem_shared>>
      tpu.wait_indirect_dma semaphore(%run_scoped3A : memref<!tpu.dma_semaphore, #tpu.memory_space<semaphore_mem>>) src(%arg19 : memref<80xf32, #tpu.memory_space<vmem>>) dst(%dma_wait3A_156 : memref<647168xf32, #tpu.memory_space<vmem_shared>>)
      tpu.yield
    }) : () -> ()
    %barrier3A_148 = arith.constant 0 : index
    tpu.barrier barrier_id(%barrier3A_148)
    %mul3A_149 = arith.constant 40448 : i32
    %mul3A_150 = arith.muli %arg1, %mul3A_149 : i32
    %mul3A_151 = arith.constant 40448 : i32
    %mul3A_152 = arith.muli %arg1, %mul3A_151 : i32
    "tpu.region"() ({
      %run_scoped3A = tpu.sem_alloc : memref<!tpu.dma_semaphore, #tpu.memory_space<semaphore_mem>>
      %dma_start3A_153 = arith.constant 0 : i32
      %dma_start3A_154 = tpu.memref_slice %arg6[%arg0, %dma_start3A_153] : memref<2x647168xf32, #tpu.memory_space<hbm>> -> memref<1x647168xf32, #tpu.memory_space<hbm>>
      %dma_start3A_155 = tpu.memref_squeeze %dma_start3A_154 : memref<1x647168xf32, #tpu.memory_space<hbm>> -> memref<647168xf32, #tpu.memory_space<hbm>>
      %dma_start3A_156 = tpu.memref_slice %dma_start3A_155[%mul3A_152] : memref<647168xf32, #tpu.memory_space<hbm>> -> memref<40448xf32, #tpu.memory_space<hbm>>
      %dma_start3A_157 = tpu.memref_slice %arg20[%mul3A_150] : memref<647168xf32, #tpu.memory_space<vmem_shared>> -> memref<40448xf32, #tpu.memory_space<vmem_shared>>
      tpu.enqueue_dma source(%dma_start3A_157 : memref<40448xf32, #tpu.memory_space<vmem_shared>>) target(%dma_start3A_156 : memref<40448xf32, #tpu.memory_space<hbm>>) target_semaphore(%run_scoped3A : memref<!tpu.dma_semaphore, #tpu.memory_space<semaphore_mem>>)
      %dma_wait3A_158 = arith.constant 0 : i32
      %dma_wait3A_159 = tpu.memref_slice %arg6[%arg0, %dma_wait3A_158] : memref<2x647168xf32, #tpu.memory_space<hbm>> -> memref<1x647168xf32, #tpu.memory_space<hbm>>
      %dma_wait3A_160 = tpu.memref_squeeze %dma_wait3A_159 : memref<1x647168xf32, #tpu.memory_space<hbm>> -> memref<647168xf32, #tpu.memory_space<hbm>>
      %dma_wait3A_161 = tpu.memref_slice %dma_wait3A_160[%mul3A_152] : memref<647168xf32, #tpu.memory_space<hbm>> -> memref<40448xf32, #tpu.memory_space<hbm>>
      %dma_wait3A_162 = tpu.memref_slice %arg20[%mul3A_150] : memref<647168xf32, #tpu.memory_space<vmem_shared>> -> memref<40448xf32, #tpu.memory_space<vmem_shared>>
      tpu.wait_dma2 semaphore(%run_scoped3A : memref<!tpu.dma_semaphore, #tpu.memory_space<semaphore_mem>>) src(%dma_wait3A_162 : memref<40448xf32, #tpu.memory_space<vmem_shared>>) dst(%dma_wait3A_161 : memref<40448xf32, #tpu.memory_space<hbm>>)
      tpu.yield
    }) : () -> ()
    return
  }
}

#map = affine_map<(d0, d1) -> (0, 0)>
#map1 = affine_map<(d0, d1) -> (0)>
#map2 = affine_map<(d0, d1) -> (0, 0, 0)>
module attributes {stable_mosaic.version = 14 : i64} {
  func.func @sc_scatter(%arg0: i32, %arg1: i32, %arg2: memref<10000x128xf32, #tpu.memory_space<hbm>>, %arg3: memref<320000xi32, #tpu.memory_space<hbm>>, %arg4: memref<320000xi32, #tpu.memory_space<hbm>>, %arg5: memref<10000x128xf32, #tpu.memory_space<hbm>>, %arg6: memref<2x10112x128xf32, #tpu.memory_space<hbm>>, %arg7: memref<80xi32, #tpu.memory_space<vmem>>, %arg8: memref<80xi32, #tpu.memory_space<vmem>>, %arg9: memref<80xi32, #tpu.memory_space<vmem>>, %arg10: memref<80xi32, #tpu.memory_space<vmem>>, %arg11: memref<80xi32, #tpu.memory_space<vmem>>, %arg12: memref<80xi32, #tpu.memory_space<vmem>>, %arg13: memref<80xi32, #tpu.memory_space<vmem>>, %arg14: memref<80xi32, #tpu.memory_space<vmem>>, %arg15: memref<80x128xf32, #tpu.memory_space<vmem>>, %arg16: memref<80x128xf32, #tpu.memory_space<vmem>>, %arg17: memref<80x128xf32, #tpu.memory_space<vmem>>, %arg18: memref<80x128xf32, #tpu.memory_space<vmem>>, %arg19: memref<10000x128xf32, #tpu.memory_space<vmem_shared>>, %arg20: memref<!tpu.dma_semaphore, #tpu.memory_space<semaphore_mem>>, %arg21: memref<!tpu.dma_semaphore, #tpu.memory_space<semaphore_mem>>, %arg22: memref<!tpu.dma_semaphore, #tpu.memory_space<semaphore_mem>>, %arg23: memref<!tpu.dma_semaphore, #tpu.memory_space<semaphore_mem>>, %arg24: memref<!tpu.dma_semaphore, #tpu.memory_space<semaphore_mem>>, %arg25: memref<!tpu.dma_semaphore, #tpu.memory_space<semaphore_mem>>, %arg26: memref<!tpu.dma_semaphore, #tpu.memory_space<semaphore_mem>>, %arg27: memref<!tpu.dma_semaphore, #tpu.memory_space<semaphore_mem>>) attributes {dimension_semantics = [#tpu.dimension_semantics<core_parallel>, #tpu.dimension_semantics<subcore_parallel>], iteration_bounds = array<i64: 2, 16>, scalar_prefetch = 0 : i64, scratch_operands = 21 : i64, tpu.core_type = #tpu.core_type<sc_vector_subcore>, window_params = [{transform_indices = #map}, {transform_indices = #map1}, {transform_indices = #map1}, {transform_indices = #map}, {transform_indices = #map2}]} {
    %mul3A = arith.constant 2 : i32
    %mul3A_0 = arith.muli %arg1, %mul3A : i32
    %add3A = arith.addi %mul3A_0, %arg0 : i32
    %mul3A_1 = arith.constant 624 : i32
    %mul3A_2 = arith.muli %arg1, %mul3A_1 : i32
    %mul3A_3 = arith.constant 624 : i32
    %mul3A_4 = arith.muli %arg1, %mul3A_3 : i32
    "tpu.region"() ({
      %run_scoped3A = tpu.sem_alloc : memref<!tpu.dma_semaphore, #tpu.memory_space<semaphore_mem>>
      %dma_start3A_65 = arith.constant 0 : i32
      %dma_start3A_66 = tpu.memref_slice %arg19[%mul3A_4, %dma_start3A_65] : memref<10000x128xf32, #tpu.memory_space<vmem_shared>> -> memref<624x128xf32, #tpu.memory_space<vmem_shared>>
      %dma_start3A_67 = arith.constant 0 : i32
      %dma_start3A_68 = tpu.memref_slice %arg5[%mul3A_2, %dma_start3A_67] : memref<10000x128xf32, #tpu.memory_space<hbm>> -> memref<624x128xf32, #tpu.memory_space<hbm>>
      tpu.enqueue_dma source(%dma_start3A_68 : memref<624x128xf32, #tpu.memory_space<hbm>>) target(%dma_start3A_66 : memref<624x128xf32, #tpu.memory_space<vmem_shared>>) target_semaphore(%run_scoped3A : memref<!tpu.dma_semaphore, #tpu.memory_space<semaphore_mem>>)
      %dma_wait3A_69 = arith.constant 0 : i32
      %dma_wait3A_70 = tpu.memref_slice %arg19[%mul3A_4, %dma_wait3A_69] : memref<10000x128xf32, #tpu.memory_space<vmem_shared>> -> memref<624x128xf32, #tpu.memory_space<vmem_shared>>
      %dma_wait3A_71 = arith.constant 0 : i32
      %dma_wait3A_72 = tpu.memref_slice %arg5[%mul3A_2, %dma_wait3A_71] : memref<10000x128xf32, #tpu.memory_space<hbm>> -> memref<624x128xf32, #tpu.memory_space<hbm>>
      tpu.wait_dma2 semaphore(%run_scoped3A : memref<!tpu.dma_semaphore, #tpu.memory_space<semaphore_mem>>) src(%dma_wait3A_72 : memref<624x128xf32, #tpu.memory_space<hbm>>) dst(%dma_wait3A_70 : memref<624x128xf32, #tpu.memory_space<vmem_shared>>)
      tpu.yield
    }) : () -> ()
    %eq3A = arith.constant 15 : i32
    %eq3A_5 = arith.cmpi eq, %arg1, %eq3A : i32
    %convert_element_type3A = arith.extui %eq3A_5 : i1 to i32
    %cond3A = arith.constant 0 : i32
    %cond3A_6 = arith.cmpi ne, %convert_element_type3A, %cond3A : i32
    scf.if %cond3A_6 {
      "tpu.region"() ({
        %run_scoped3A = tpu.sem_alloc : memref<!tpu.dma_semaphore, #tpu.memory_space<semaphore_mem>>
        %dma_start3A_65 = arith.constant 9984 : i32
        %dma_start3A_66 = arith.constant 0 : i32
        %dma_start3A_67 = tpu.memref_slice %arg19[%dma_start3A_65, %dma_start3A_66] : memref<10000x128xf32, #tpu.memory_space<vmem_shared>> -> memref<16x128xf32, #tpu.memory_space<vmem_shared>>
        %dma_start3A_68 = arith.constant 9984 : i32
        %dma_start3A_69 = arith.constant 0 : i32
        %dma_start3A_70 = tpu.memref_slice %arg5[%dma_start3A_68, %dma_start3A_69] : memref<10000x128xf32, #tpu.memory_space<hbm>> -> memref<16x128xf32, #tpu.memory_space<hbm>>
        tpu.enqueue_dma source(%dma_start3A_70 : memref<16x128xf32, #tpu.memory_space<hbm>>) target(%dma_start3A_67 : memref<16x128xf32, #tpu.memory_space<vmem_shared>>) target_semaphore(%run_scoped3A : memref<!tpu.dma_semaphore, #tpu.memory_space<semaphore_mem>>)
        %dma_wait3A_71 = arith.constant 9984 : i32
        %dma_wait3A_72 = arith.constant 0 : i32
        %dma_wait3A_73 = tpu.memref_slice %arg19[%dma_wait3A_71, %dma_wait3A_72] : memref<10000x128xf32, #tpu.memory_space<vmem_shared>> -> memref<16x128xf32, #tpu.memory_space<vmem_shared>>
        %dma_wait3A_74 = arith.constant 9984 : i32
        %dma_wait3A_75 = arith.constant 0 : i32
        %dma_wait3A_76 = tpu.memref_slice %arg5[%dma_wait3A_74, %dma_wait3A_75] : memref<10000x128xf32, #tpu.memory_space<hbm>> -> memref<16x128xf32, #tpu.memory_space<hbm>>
        tpu.wait_dma2 semaphore(%run_scoped3A : memref<!tpu.dma_semaphore, #tpu.memory_space<semaphore_mem>>) src(%dma_wait3A_76 : memref<16x128xf32, #tpu.memory_space<hbm>>) dst(%dma_wait3A_73 : memref<16x128xf32, #tpu.memory_space<vmem_shared>>)
        tpu.yield
      }) : () -> ()
    } else {
    }
    %barrier3A = arith.constant 0 : index
    tpu.barrier barrier_id(%barrier3A)
    %mul3A_7 = arith.constant 10000 : i32
    %mul3A_8 = arith.muli %add3A, %mul3A_7 : i32
    %add3A_9 = arith.constant 0 : i32
    %add3A_10 = arith.addi %mul3A_8, %add3A_9 : i32
    %dma_start3A = tpu.memref_slice %arg4[%add3A_10] : memref<320000xi32, #tpu.memory_space<hbm>> -> memref<80xi32, #tpu.memory_space<hbm>>
    %dma_start3A_11 = tpu.memref_slice %arg4[%add3A_10] : memref<320000xi32, #tpu.memory_space<hbm>> -> memref<80xi32, #tpu.memory_space<hbm>>
    tpu.enqueue_dma source(%dma_start3A_11 : memref<80xi32, #tpu.memory_space<hbm>>) target(%arg7 : memref<80xi32, #tpu.memory_space<vmem>>) target_semaphore(%arg20 : memref<!tpu.dma_semaphore, #tpu.memory_space<semaphore_mem>>)
    %dma_start3A_12 = tpu.memref_slice %arg3[%add3A_10] : memref<320000xi32, #tpu.memory_space<hbm>> -> memref<80xi32, #tpu.memory_space<hbm>>
    %dma_start3A_13 = tpu.memref_slice %arg3[%add3A_10] : memref<320000xi32, #tpu.memory_space<hbm>> -> memref<80xi32, #tpu.memory_space<hbm>>
    tpu.enqueue_dma source(%dma_start3A_13 : memref<80xi32, #tpu.memory_space<hbm>>) target(%arg11 : memref<80xi32, #tpu.memory_space<vmem>>) target_semaphore(%arg20 : memref<!tpu.dma_semaphore, #tpu.memory_space<semaphore_mem>>)
    %add3A_14 = arith.constant 80 : i32
    %add3A_15 = arith.addi %mul3A_8, %add3A_14 : i32
    %dma_start3A_16 = tpu.memref_slice %arg4[%add3A_15] : memref<320000xi32, #tpu.memory_space<hbm>> -> memref<80xi32, #tpu.memory_space<hbm>>
    %dma_start3A_17 = tpu.memref_slice %arg4[%add3A_15] : memref<320000xi32, #tpu.memory_space<hbm>> -> memref<80xi32, #tpu.memory_space<hbm>>
    tpu.enqueue_dma source(%dma_start3A_17 : memref<80xi32, #tpu.memory_space<hbm>>) target(%arg8 : memref<80xi32, #tpu.memory_space<vmem>>) target_semaphore(%arg21 : memref<!tpu.dma_semaphore, #tpu.memory_space<semaphore_mem>>)
    %dma_start3A_18 = tpu.memref_slice %arg3[%add3A_15] : memref<320000xi32, #tpu.memory_space<hbm>> -> memref<80xi32, #tpu.memory_space<hbm>>
    %dma_start3A_19 = tpu.memref_slice %arg3[%add3A_15] : memref<320000xi32, #tpu.memory_space<hbm>> -> memref<80xi32, #tpu.memory_space<hbm>>
    tpu.enqueue_dma source(%dma_start3A_19 : memref<80xi32, #tpu.memory_space<hbm>>) target(%arg12 : memref<80xi32, #tpu.memory_space<vmem>>) target_semaphore(%arg21 : memref<!tpu.dma_semaphore, #tpu.memory_space<semaphore_mem>>)
    %add3A_20 = arith.constant 160 : i32
    %add3A_21 = arith.addi %mul3A_8, %add3A_20 : i32
    %dma_start3A_22 = tpu.memref_slice %arg4[%add3A_21] : memref<320000xi32, #tpu.memory_space<hbm>> -> memref<80xi32, #tpu.memory_space<hbm>>
    %dma_start3A_23 = tpu.memref_slice %arg4[%add3A_21] : memref<320000xi32, #tpu.memory_space<hbm>> -> memref<80xi32, #tpu.memory_space<hbm>>
    tpu.enqueue_dma source(%dma_start3A_23 : memref<80xi32, #tpu.memory_space<hbm>>) target(%arg9 : memref<80xi32, #tpu.memory_space<vmem>>) target_semaphore(%arg22 : memref<!tpu.dma_semaphore, #tpu.memory_space<semaphore_mem>>)
    %dma_start3A_24 = tpu.memref_slice %arg3[%add3A_21] : memref<320000xi32, #tpu.memory_space<hbm>> -> memref<80xi32, #tpu.memory_space<hbm>>
    %dma_start3A_25 = tpu.memref_slice %arg3[%add3A_21] : memref<320000xi32, #tpu.memory_space<hbm>> -> memref<80xi32, #tpu.memory_space<hbm>>
    tpu.enqueue_dma source(%dma_start3A_25 : memref<80xi32, #tpu.memory_space<hbm>>) target(%arg13 : memref<80xi32, #tpu.memory_space<vmem>>) target_semaphore(%arg22 : memref<!tpu.dma_semaphore, #tpu.memory_space<semaphore_mem>>)
    %add3A_26 = arith.constant 240 : i32
    %add3A_27 = arith.addi %mul3A_8, %add3A_26 : i32
    %dma_start3A_28 = tpu.memref_slice %arg4[%add3A_27] : memref<320000xi32, #tpu.memory_space<hbm>> -> memref<80xi32, #tpu.memory_space<hbm>>
    %dma_start3A_29 = tpu.memref_slice %arg4[%add3A_27] : memref<320000xi32, #tpu.memory_space<hbm>> -> memref<80xi32, #tpu.memory_space<hbm>>
    tpu.enqueue_dma source(%dma_start3A_29 : memref<80xi32, #tpu.memory_space<hbm>>) target(%arg10 : memref<80xi32, #tpu.memory_space<vmem>>) target_semaphore(%arg23 : memref<!tpu.dma_semaphore, #tpu.memory_space<semaphore_mem>>)
    %dma_start3A_30 = tpu.memref_slice %arg3[%add3A_27] : memref<320000xi32, #tpu.memory_space<hbm>> -> memref<80xi32, #tpu.memory_space<hbm>>
    %dma_start3A_31 = tpu.memref_slice %arg3[%add3A_27] : memref<320000xi32, #tpu.memory_space<hbm>> -> memref<80xi32, #tpu.memory_space<hbm>>
    tpu.enqueue_dma source(%dma_start3A_31 : memref<80xi32, #tpu.memory_space<hbm>>) target(%arg14 : memref<80xi32, #tpu.memory_space<vmem>>) target_semaphore(%arg23 : memref<!tpu.dma_semaphore, #tpu.memory_space<semaphore_mem>>)
    %scan3A = arith.constant 0 : i32
    %scan3A_32 = arith.constant 31 : i32
    %scan3A_33 = arith.addi %scan3A, %scan3A_32 : i32
    %scan3A_34 = arith.constant 1 : i32
    scf.for %scan3A_65 = %scan3A to %scan3A_33 step %scan3A_34  : i32 {
      %mul3A_66 = arith.constant 1 : i32
      %mul3A_67 = arith.muli %scan3A_65, %mul3A_66 : i32
      %add3A_68 = arith.constant 0 : i32
      %add3A_69 = arith.addi %add3A_68, %mul3A_67 : i32
      %dma_wait3A_70 = arith.constant 0 : i32
      %dma_wait3A_71 = tpu.memref_slice %arg4[%dma_wait3A_70] : memref<320000xi32, #tpu.memory_space<hbm>> -> memref<80xi32, #tpu.memory_space<hbm>>
      %dma_wait3A_72 = arith.constant 0 : i32
      %dma_wait3A_73 = tpu.memref_slice %arg4[%dma_wait3A_72] : memref<320000xi32, #tpu.memory_space<hbm>> -> memref<80xi32, #tpu.memory_space<hbm>>
      tpu.wait_dma2 semaphore(%arg20 : memref<!tpu.dma_semaphore, #tpu.memory_space<semaphore_mem>>) src(%dma_wait3A_73 : memref<80xi32, #tpu.memory_space<hbm>>) dst(%arg7 : memref<80xi32, #tpu.memory_space<vmem>>)
      %dma_wait3A_74 = arith.constant 0 : i32
      %dma_wait3A_75 = tpu.memref_slice %arg3[%dma_wait3A_74] : memref<320000xi32, #tpu.memory_space<hbm>> -> memref<80xi32, #tpu.memory_space<hbm>>
      %dma_wait3A_76 = arith.constant 0 : i32
      %dma_wait3A_77 = tpu.memref_slice %arg3[%dma_wait3A_76] : memref<320000xi32, #tpu.memory_space<hbm>> -> memref<80xi32, #tpu.memory_space<hbm>>
      tpu.wait_dma2 semaphore(%arg20 : memref<!tpu.dma_semaphore, #tpu.memory_space<semaphore_mem>>) src(%dma_wait3A_77 : memref<80xi32, #tpu.memory_space<hbm>>) dst(%arg11 : memref<80xi32, #tpu.memory_space<vmem>>)
      %dma_start3A_78 = arith.constant 0 : i32
      %dma_start3A_79 = arith.constant 0 : i32
      %dma_start3A_80 = tpu.memref_slice %arg2[%dma_start3A_78, %dma_start3A_79] : memref<10000x128xf32, #tpu.memory_space<hbm>> -> memref<10000x128xf32, #tpu.memory_space<hbm>>
      tpu.enqueue_indirect_dma source(%dma_start3A_80 : memref<10000x128xf32, #tpu.memory_space<hbm>>) target(%arg15 : memref<80x128xf32, #tpu.memory_space<vmem>>) offsets(%arg7 : memref<80xi32, #tpu.memory_space<vmem>>) semaphore(%arg24 : memref<!tpu.dma_semaphore, #tpu.memory_space<semaphore_mem>>)
      %dma_wait3A_81 = arith.constant 0 : i32
      %dma_wait3A_82 = tpu.memref_slice %arg4[%dma_wait3A_81] : memref<320000xi32, #tpu.memory_space<hbm>> -> memref<80xi32, #tpu.memory_space<hbm>>
      %dma_wait3A_83 = arith.constant 0 : i32
      %dma_wait3A_84 = tpu.memref_slice %arg4[%dma_wait3A_83] : memref<320000xi32, #tpu.memory_space<hbm>> -> memref<80xi32, #tpu.memory_space<hbm>>
      tpu.wait_dma2 semaphore(%arg21 : memref<!tpu.dma_semaphore, #tpu.memory_space<semaphore_mem>>) src(%dma_wait3A_84 : memref<80xi32, #tpu.memory_space<hbm>>) dst(%arg8 : memref<80xi32, #tpu.memory_space<vmem>>)
      %dma_wait3A_85 = arith.constant 0 : i32
      %dma_wait3A_86 = tpu.memref_slice %arg3[%dma_wait3A_85] : memref<320000xi32, #tpu.memory_space<hbm>> -> memref<80xi32, #tpu.memory_space<hbm>>
      %dma_wait3A_87 = arith.constant 0 : i32
      %dma_wait3A_88 = tpu.memref_slice %arg3[%dma_wait3A_87] : memref<320000xi32, #tpu.memory_space<hbm>> -> memref<80xi32, #tpu.memory_space<hbm>>
      tpu.wait_dma2 semaphore(%arg21 : memref<!tpu.dma_semaphore, #tpu.memory_space<semaphore_mem>>) src(%dma_wait3A_88 : memref<80xi32, #tpu.memory_space<hbm>>) dst(%arg12 : memref<80xi32, #tpu.memory_space<vmem>>)
      %dma_start3A_89 = arith.constant 0 : i32
      %dma_start3A_90 = arith.constant 0 : i32
      %dma_start3A_91 = tpu.memref_slice %arg2[%dma_start3A_89, %dma_start3A_90] : memref<10000x128xf32, #tpu.memory_space<hbm>> -> memref<10000x128xf32, #tpu.memory_space<hbm>>
      tpu.enqueue_indirect_dma source(%dma_start3A_91 : memref<10000x128xf32, #tpu.memory_space<hbm>>) target(%arg16 : memref<80x128xf32, #tpu.memory_space<vmem>>) offsets(%arg8 : memref<80xi32, #tpu.memory_space<vmem>>) semaphore(%arg25 : memref<!tpu.dma_semaphore, #tpu.memory_space<semaphore_mem>>)
      %dma_wait3A_92 = arith.constant 0 : i32
      %dma_wait3A_93 = tpu.memref_slice %arg4[%dma_wait3A_92] : memref<320000xi32, #tpu.memory_space<hbm>> -> memref<80xi32, #tpu.memory_space<hbm>>
      %dma_wait3A_94 = arith.constant 0 : i32
      %dma_wait3A_95 = tpu.memref_slice %arg4[%dma_wait3A_94] : memref<320000xi32, #tpu.memory_space<hbm>> -> memref<80xi32, #tpu.memory_space<hbm>>
      tpu.wait_dma2 semaphore(%arg22 : memref<!tpu.dma_semaphore, #tpu.memory_space<semaphore_mem>>) src(%dma_wait3A_95 : memref<80xi32, #tpu.memory_space<hbm>>) dst(%arg9 : memref<80xi32, #tpu.memory_space<vmem>>)
      %dma_wait3A_96 = arith.constant 0 : i32
      %dma_wait3A_97 = tpu.memref_slice %arg3[%dma_wait3A_96] : memref<320000xi32, #tpu.memory_space<hbm>> -> memref<80xi32, #tpu.memory_space<hbm>>
      %dma_wait3A_98 = arith.constant 0 : i32
      %dma_wait3A_99 = tpu.memref_slice %arg3[%dma_wait3A_98] : memref<320000xi32, #tpu.memory_space<hbm>> -> memref<80xi32, #tpu.memory_space<hbm>>
      tpu.wait_dma2 semaphore(%arg22 : memref<!tpu.dma_semaphore, #tpu.memory_space<semaphore_mem>>) src(%dma_wait3A_99 : memref<80xi32, #tpu.memory_space<hbm>>) dst(%arg13 : memref<80xi32, #tpu.memory_space<vmem>>)
      %dma_start3A_100 = arith.constant 0 : i32
      %dma_start3A_101 = arith.constant 0 : i32
      %dma_start3A_102 = tpu.memref_slice %arg2[%dma_start3A_100, %dma_start3A_101] : memref<10000x128xf32, #tpu.memory_space<hbm>> -> memref<10000x128xf32, #tpu.memory_space<hbm>>
      tpu.enqueue_indirect_dma source(%dma_start3A_102 : memref<10000x128xf32, #tpu.memory_space<hbm>>) target(%arg17 : memref<80x128xf32, #tpu.memory_space<vmem>>) offsets(%arg9 : memref<80xi32, #tpu.memory_space<vmem>>) semaphore(%arg26 : memref<!tpu.dma_semaphore, #tpu.memory_space<semaphore_mem>>)
      %dma_wait3A_103 = arith.constant 0 : i32
      %dma_wait3A_104 = tpu.memref_slice %arg4[%dma_wait3A_103] : memref<320000xi32, #tpu.memory_space<hbm>> -> memref<80xi32, #tpu.memory_space<hbm>>
      %dma_wait3A_105 = arith.constant 0 : i32
      %dma_wait3A_106 = tpu.memref_slice %arg4[%dma_wait3A_105] : memref<320000xi32, #tpu.memory_space<hbm>> -> memref<80xi32, #tpu.memory_space<hbm>>
      tpu.wait_dma2 semaphore(%arg23 : memref<!tpu.dma_semaphore, #tpu.memory_space<semaphore_mem>>) src(%dma_wait3A_106 : memref<80xi32, #tpu.memory_space<hbm>>) dst(%arg10 : memref<80xi32, #tpu.memory_space<vmem>>)
      %dma_wait3A_107 = arith.constant 0 : i32
      %dma_wait3A_108 = tpu.memref_slice %arg3[%dma_wait3A_107] : memref<320000xi32, #tpu.memory_space<hbm>> -> memref<80xi32, #tpu.memory_space<hbm>>
      %dma_wait3A_109 = arith.constant 0 : i32
      %dma_wait3A_110 = tpu.memref_slice %arg3[%dma_wait3A_109] : memref<320000xi32, #tpu.memory_space<hbm>> -> memref<80xi32, #tpu.memory_space<hbm>>
      tpu.wait_dma2 semaphore(%arg23 : memref<!tpu.dma_semaphore, #tpu.memory_space<semaphore_mem>>) src(%dma_wait3A_110 : memref<80xi32, #tpu.memory_space<hbm>>) dst(%arg14 : memref<80xi32, #tpu.memory_space<vmem>>)
      %dma_start3A_111 = arith.constant 0 : i32
      %dma_start3A_112 = arith.constant 0 : i32
      %dma_start3A_113 = tpu.memref_slice %arg2[%dma_start3A_111, %dma_start3A_112] : memref<10000x128xf32, #tpu.memory_space<hbm>> -> memref<10000x128xf32, #tpu.memory_space<hbm>>
      tpu.enqueue_indirect_dma source(%dma_start3A_113 : memref<10000x128xf32, #tpu.memory_space<hbm>>) target(%arg18 : memref<80x128xf32, #tpu.memory_space<vmem>>) offsets(%arg10 : memref<80xi32, #tpu.memory_space<vmem>>) semaphore(%arg27 : memref<!tpu.dma_semaphore, #tpu.memory_space<semaphore_mem>>)
      %dma_wait3A_114 = arith.constant 0 : i32
      %dma_wait3A_115 = arith.constant 0 : i32
      %dma_wait3A_116 = tpu.memref_slice %arg2[%dma_wait3A_114, %dma_wait3A_115] : memref<10000x128xf32, #tpu.memory_space<hbm>> -> memref<10000x128xf32, #tpu.memory_space<hbm>>
      tpu.wait_indirect_dma semaphore(%arg24 : memref<!tpu.dma_semaphore, #tpu.memory_space<semaphore_mem>>) src(%dma_wait3A_116 : memref<10000x128xf32, #tpu.memory_space<hbm>>) dst(%arg15 : memref<80x128xf32, #tpu.memory_space<vmem>>)
      "tpu.region"() ({
        %run_scoped3A = tpu.sem_alloc : memref<!tpu.dma_semaphore, #tpu.memory_space<semaphore_mem>>
        %dma_start3A_145 = arith.constant 0 : i32
        %dma_start3A_146 = arith.constant 0 : i32
        %dma_start3A_147 = tpu.memref_slice %arg19[%dma_start3A_145, %dma_start3A_146] : memref<10000x128xf32, #tpu.memory_space<vmem_shared>> -> memref<10000x128xf32, #tpu.memory_space<vmem_shared>>
        tpu.enqueue_indirect_dma source(%arg15 : memref<80x128xf32, #tpu.memory_space<vmem>>) target(%dma_start3A_147 : memref<10000x128xf32, #tpu.memory_space<vmem_shared>>) offsets(%arg11 : memref<80xi32, #tpu.memory_space<vmem>>) semaphore(%run_scoped3A : memref<!tpu.dma_semaphore, #tpu.memory_space<semaphore_mem>>) {add = true}
        %dma_wait3A_148 = arith.constant 0 : i32
        %dma_wait3A_149 = arith.constant 0 : i32
        %dma_wait3A_150 = tpu.memref_slice %arg19[%dma_wait3A_148, %dma_wait3A_149] : memref<10000x128xf32, #tpu.memory_space<vmem_shared>> -> memref<10000x128xf32, #tpu.memory_space<vmem_shared>>
        tpu.wait_indirect_dma semaphore(%run_scoped3A : memref<!tpu.dma_semaphore, #tpu.memory_space<semaphore_mem>>) src(%arg15 : memref<80x128xf32, #tpu.memory_space<vmem>>) dst(%dma_wait3A_150 : memref<10000x128xf32, #tpu.memory_space<vmem_shared>>)
        tpu.yield
      }) : () -> ()
      %lt3A = arith.constant 30 : i32
      %lt3A_117 = arith.cmpi slt, %add3A_69, %lt3A : i32
      %convert_element_type3A_118 = arith.extui %lt3A_117 : i1 to i32
      %cond3A_119 = arith.constant 0 : i32
      %cond3A_120 = arith.cmpi ne, %convert_element_type3A_118, %cond3A_119 : i32
      scf.if %cond3A_120 {
        %add3A_145 = arith.constant 1 : i32
        %add3A_146 = arith.addi %add3A_69, %add3A_145 : i32
        %mul3A_147 = arith.constant 4 : i32
        %mul3A_148 = arith.muli %add3A_146, %mul3A_147 : i32
        %add3A_149 = arith.constant 0 : i32
        %add3A_150 = arith.addi %mul3A_148, %add3A_149 : i32
        %mul3A_151 = arith.constant 80 : i32
        %mul3A_152 = arith.muli %add3A_150, %mul3A_151 : i32
        %add3A_153 = arith.addi %mul3A_8, %mul3A_152 : i32
        %dma_start3A_154 = tpu.memref_slice %arg4[%add3A_153] : memref<320000xi32, #tpu.memory_space<hbm>> -> memref<80xi32, #tpu.memory_space<hbm>>
        %dma_start3A_155 = tpu.memref_slice %arg4[%add3A_153] : memref<320000xi32, #tpu.memory_space<hbm>> -> memref<80xi32, #tpu.memory_space<hbm>>
        tpu.enqueue_dma source(%dma_start3A_155 : memref<80xi32, #tpu.memory_space<hbm>>) target(%arg7 : memref<80xi32, #tpu.memory_space<vmem>>) target_semaphore(%arg20 : memref<!tpu.dma_semaphore, #tpu.memory_space<semaphore_mem>>)
        %dma_start3A_156 = tpu.memref_slice %arg3[%add3A_153] : memref<320000xi32, #tpu.memory_space<hbm>> -> memref<80xi32, #tpu.memory_space<hbm>>
        %dma_start3A_157 = tpu.memref_slice %arg3[%add3A_153] : memref<320000xi32, #tpu.memory_space<hbm>> -> memref<80xi32, #tpu.memory_space<hbm>>
        tpu.enqueue_dma source(%dma_start3A_157 : memref<80xi32, #tpu.memory_space<hbm>>) target(%arg11 : memref<80xi32, #tpu.memory_space<vmem>>) target_semaphore(%arg20 : memref<!tpu.dma_semaphore, #tpu.memory_space<semaphore_mem>>)
      } else {
      }
      %dma_wait3A_121 = arith.constant 0 : i32
      %dma_wait3A_122 = arith.constant 0 : i32
      %dma_wait3A_123 = tpu.memref_slice %arg2[%dma_wait3A_121, %dma_wait3A_122] : memref<10000x128xf32, #tpu.memory_space<hbm>> -> memref<10000x128xf32, #tpu.memory_space<hbm>>
      tpu.wait_indirect_dma semaphore(%arg25 : memref<!tpu.dma_semaphore, #tpu.memory_space<semaphore_mem>>) src(%dma_wait3A_123 : memref<10000x128xf32, #tpu.memory_space<hbm>>) dst(%arg16 : memref<80x128xf32, #tpu.memory_space<vmem>>)
      "tpu.region"() ({
        %run_scoped3A = tpu.sem_alloc : memref<!tpu.dma_semaphore, #tpu.memory_space<semaphore_mem>>
        %dma_start3A_145 = arith.constant 0 : i32
        %dma_start3A_146 = arith.constant 0 : i32
        %dma_start3A_147 = tpu.memref_slice %arg19[%dma_start3A_145, %dma_start3A_146] : memref<10000x128xf32, #tpu.memory_space<vmem_shared>> -> memref<10000x128xf32, #tpu.memory_space<vmem_shared>>
        tpu.enqueue_indirect_dma source(%arg16 : memref<80x128xf32, #tpu.memory_space<vmem>>) target(%dma_start3A_147 : memref<10000x128xf32, #tpu.memory_space<vmem_shared>>) offsets(%arg12 : memref<80xi32, #tpu.memory_space<vmem>>) semaphore(%run_scoped3A : memref<!tpu.dma_semaphore, #tpu.memory_space<semaphore_mem>>) {add = true}
        %dma_wait3A_148 = arith.constant 0 : i32
        %dma_wait3A_149 = arith.constant 0 : i32
        %dma_wait3A_150 = tpu.memref_slice %arg19[%dma_wait3A_148, %dma_wait3A_149] : memref<10000x128xf32, #tpu.memory_space<vmem_shared>> -> memref<10000x128xf32, #tpu.memory_space<vmem_shared>>
        tpu.wait_indirect_dma semaphore(%run_scoped3A : memref<!tpu.dma_semaphore, #tpu.memory_space<semaphore_mem>>) src(%arg16 : memref<80x128xf32, #tpu.memory_space<vmem>>) dst(%dma_wait3A_150 : memref<10000x128xf32, #tpu.memory_space<vmem_shared>>)
        tpu.yield
      }) : () -> ()
      %lt3A_124 = arith.constant 30 : i32
      %lt3A_125 = arith.cmpi slt, %add3A_69, %lt3A_124 : i32
      %convert_element_type3A_126 = arith.extui %lt3A_125 : i1 to i32
      %cond3A_127 = arith.constant 0 : i32
      %cond3A_128 = arith.cmpi ne, %convert_element_type3A_126, %cond3A_127 : i32
      scf.if %cond3A_128 {
        %add3A_145 = arith.constant 1 : i32
        %add3A_146 = arith.addi %add3A_69, %add3A_145 : i32
        %mul3A_147 = arith.constant 4 : i32
        %mul3A_148 = arith.muli %add3A_146, %mul3A_147 : i32
        %add3A_149 = arith.constant 1 : i32
        %add3A_150 = arith.addi %mul3A_148, %add3A_149 : i32
        %mul3A_151 = arith.constant 80 : i32
        %mul3A_152 = arith.muli %add3A_150, %mul3A_151 : i32
        %add3A_153 = arith.addi %mul3A_8, %mul3A_152 : i32
        %dma_start3A_154 = tpu.memref_slice %arg4[%add3A_153] : memref<320000xi32, #tpu.memory_space<hbm>> -> memref<80xi32, #tpu.memory_space<hbm>>
        %dma_start3A_155 = tpu.memref_slice %arg4[%add3A_153] : memref<320000xi32, #tpu.memory_space<hbm>> -> memref<80xi32, #tpu.memory_space<hbm>>
        tpu.enqueue_dma source(%dma_start3A_155 : memref<80xi32, #tpu.memory_space<hbm>>) target(%arg8 : memref<80xi32, #tpu.memory_space<vmem>>) target_semaphore(%arg21 : memref<!tpu.dma_semaphore, #tpu.memory_space<semaphore_mem>>)
        %dma_start3A_156 = tpu.memref_slice %arg3[%add3A_153] : memref<320000xi32, #tpu.memory_space<hbm>> -> memref<80xi32, #tpu.memory_space<hbm>>
        %dma_start3A_157 = tpu.memref_slice %arg3[%add3A_153] : memref<320000xi32, #tpu.memory_space<hbm>> -> memref<80xi32, #tpu.memory_space<hbm>>
        tpu.enqueue_dma source(%dma_start3A_157 : memref<80xi32, #tpu.memory_space<hbm>>) target(%arg12 : memref<80xi32, #tpu.memory_space<vmem>>) target_semaphore(%arg21 : memref<!tpu.dma_semaphore, #tpu.memory_space<semaphore_mem>>)
      } else {
      }
      %dma_wait3A_129 = arith.constant 0 : i32
      %dma_wait3A_130 = arith.constant 0 : i32
      %dma_wait3A_131 = tpu.memref_slice %arg2[%dma_wait3A_129, %dma_wait3A_130] : memref<10000x128xf32, #tpu.memory_space<hbm>> -> memref<10000x128xf32, #tpu.memory_space<hbm>>
      tpu.wait_indirect_dma semaphore(%arg26 : memref<!tpu.dma_semaphore, #tpu.memory_space<semaphore_mem>>) src(%dma_wait3A_131 : memref<10000x128xf32, #tpu.memory_space<hbm>>) dst(%arg17 : memref<80x128xf32, #tpu.memory_space<vmem>>)
      "tpu.region"() ({
        %run_scoped3A = tpu.sem_alloc : memref<!tpu.dma_semaphore, #tpu.memory_space<semaphore_mem>>
        %dma_start3A_145 = arith.constant 0 : i32
        %dma_start3A_146 = arith.constant 0 : i32
        %dma_start3A_147 = tpu.memref_slice %arg19[%dma_start3A_145, %dma_start3A_146] : memref<10000x128xf32, #tpu.memory_space<vmem_shared>> -> memref<10000x128xf32, #tpu.memory_space<vmem_shared>>
        tpu.enqueue_indirect_dma source(%arg17 : memref<80x128xf32, #tpu.memory_space<vmem>>) target(%dma_start3A_147 : memref<10000x128xf32, #tpu.memory_space<vmem_shared>>) offsets(%arg13 : memref<80xi32, #tpu.memory_space<vmem>>) semaphore(%run_scoped3A : memref<!tpu.dma_semaphore, #tpu.memory_space<semaphore_mem>>) {add = true}
        %dma_wait3A_148 = arith.constant 0 : i32
        %dma_wait3A_149 = arith.constant 0 : i32
        %dma_wait3A_150 = tpu.memref_slice %arg19[%dma_wait3A_148, %dma_wait3A_149] : memref<10000x128xf32, #tpu.memory_space<vmem_shared>> -> memref<10000x128xf32, #tpu.memory_space<vmem_shared>>
        tpu.wait_indirect_dma semaphore(%run_scoped3A : memref<!tpu.dma_semaphore, #tpu.memory_space<semaphore_mem>>) src(%arg17 : memref<80x128xf32, #tpu.memory_space<vmem>>) dst(%dma_wait3A_150 : memref<10000x128xf32, #tpu.memory_space<vmem_shared>>)
        tpu.yield
      }) : () -> ()
      %lt3A_132 = arith.constant 30 : i32
      %lt3A_133 = arith.cmpi slt, %add3A_69, %lt3A_132 : i32
      %convert_element_type3A_134 = arith.extui %lt3A_133 : i1 to i32
      %cond3A_135 = arith.constant 0 : i32
      %cond3A_136 = arith.cmpi ne, %convert_element_type3A_134, %cond3A_135 : i32
      scf.if %cond3A_136 {
        %add3A_145 = arith.constant 1 : i32
        %add3A_146 = arith.addi %add3A_69, %add3A_145 : i32
        %mul3A_147 = arith.constant 4 : i32
        %mul3A_148 = arith.muli %add3A_146, %mul3A_147 : i32
        %add3A_149 = arith.constant 2 : i32
        %add3A_150 = arith.addi %mul3A_148, %add3A_149 : i32
        %mul3A_151 = arith.constant 80 : i32
        %mul3A_152 = arith.muli %add3A_150, %mul3A_151 : i32
        %add3A_153 = arith.addi %mul3A_8, %mul3A_152 : i32
        %dma_start3A_154 = tpu.memref_slice %arg4[%add3A_153] : memref<320000xi32, #tpu.memory_space<hbm>> -> memref<80xi32, #tpu.memory_space<hbm>>
        %dma_start3A_155 = tpu.memref_slice %arg4[%add3A_153] : memref<320000xi32, #tpu.memory_space<hbm>> -> memref<80xi32, #tpu.memory_space<hbm>>
        tpu.enqueue_dma source(%dma_start3A_155 : memref<80xi32, #tpu.memory_space<hbm>>) target(%arg9 : memref<80xi32, #tpu.memory_space<vmem>>) target_semaphore(%arg22 : memref<!tpu.dma_semaphore, #tpu.memory_space<semaphore_mem>>)
        %dma_start3A_156 = tpu.memref_slice %arg3[%add3A_153] : memref<320000xi32, #tpu.memory_space<hbm>> -> memref<80xi32, #tpu.memory_space<hbm>>
        %dma_start3A_157 = tpu.memref_slice %arg3[%add3A_153] : memref<320000xi32, #tpu.memory_space<hbm>> -> memref<80xi32, #tpu.memory_space<hbm>>
        tpu.enqueue_dma source(%dma_start3A_157 : memref<80xi32, #tpu.memory_space<hbm>>) target(%arg13 : memref<80xi32, #tpu.memory_space<vmem>>) target_semaphore(%arg22 : memref<!tpu.dma_semaphore, #tpu.memory_space<semaphore_mem>>)
      } else {
      }
      %dma_wait3A_137 = arith.constant 0 : i32
      %dma_wait3A_138 = arith.constant 0 : i32
      %dma_wait3A_139 = tpu.memref_slice %arg2[%dma_wait3A_137, %dma_wait3A_138] : memref<10000x128xf32, #tpu.memory_space<hbm>> -> memref<10000x128xf32, #tpu.memory_space<hbm>>
      tpu.wait_indirect_dma semaphore(%arg27 : memref<!tpu.dma_semaphore, #tpu.memory_space<semaphore_mem>>) src(%dma_wait3A_139 : memref<10000x128xf32, #tpu.memory_space<hbm>>) dst(%arg18 : memref<80x128xf32, #tpu.memory_space<vmem>>)
      "tpu.region"() ({
        %run_scoped3A = tpu.sem_alloc : memref<!tpu.dma_semaphore, #tpu.memory_space<semaphore_mem>>
        %dma_start3A_145 = arith.constant 0 : i32
        %dma_start3A_146 = arith.constant 0 : i32
        %dma_start3A_147 = tpu.memref_slice %arg19[%dma_start3A_145, %dma_start3A_146] : memref<10000x128xf32, #tpu.memory_space<vmem_shared>> -> memref<10000x128xf32, #tpu.memory_space<vmem_shared>>
        tpu.enqueue_indirect_dma source(%arg18 : memref<80x128xf32, #tpu.memory_space<vmem>>) target(%dma_start3A_147 : memref<10000x128xf32, #tpu.memory_space<vmem_shared>>) offsets(%arg14 : memref<80xi32, #tpu.memory_space<vmem>>) semaphore(%run_scoped3A : memref<!tpu.dma_semaphore, #tpu.memory_space<semaphore_mem>>) {add = true}
        %dma_wait3A_148 = arith.constant 0 : i32
        %dma_wait3A_149 = arith.constant 0 : i32
        %dma_wait3A_150 = tpu.memref_slice %arg19[%dma_wait3A_148, %dma_wait3A_149] : memref<10000x128xf32, #tpu.memory_space<vmem_shared>> -> memref<10000x128xf32, #tpu.memory_space<vmem_shared>>
        tpu.wait_indirect_dma semaphore(%run_scoped3A : memref<!tpu.dma_semaphore, #tpu.memory_space<semaphore_mem>>) src(%arg18 : memref<80x128xf32, #tpu.memory_space<vmem>>) dst(%dma_wait3A_150 : memref<10000x128xf32, #tpu.memory_space<vmem_shared>>)
        tpu.yield
      }) : () -> ()
      %lt3A_140 = arith.constant 30 : i32
      %lt3A_141 = arith.cmpi slt, %add3A_69, %lt3A_140 : i32
      %convert_element_type3A_142 = arith.extui %lt3A_141 : i1 to i32
      %cond3A_143 = arith.constant 0 : i32
      %cond3A_144 = arith.cmpi ne, %convert_element_type3A_142, %cond3A_143 : i32
      scf.if %cond3A_144 {
        %add3A_145 = arith.constant 1 : i32
        %add3A_146 = arith.addi %add3A_69, %add3A_145 : i32
        %mul3A_147 = arith.constant 4 : i32
        %mul3A_148 = arith.muli %add3A_146, %mul3A_147 : i32
        %add3A_149 = arith.constant 3 : i32
        %add3A_150 = arith.addi %mul3A_148, %add3A_149 : i32
        %mul3A_151 = arith.constant 80 : i32
        %mul3A_152 = arith.muli %add3A_150, %mul3A_151 : i32
        %add3A_153 = arith.addi %mul3A_8, %mul3A_152 : i32
        %dma_start3A_154 = tpu.memref_slice %arg4[%add3A_153] : memref<320000xi32, #tpu.memory_space<hbm>> -> memref<80xi32, #tpu.memory_space<hbm>>
        %dma_start3A_155 = tpu.memref_slice %arg4[%add3A_153] : memref<320000xi32, #tpu.memory_space<hbm>> -> memref<80xi32, #tpu.memory_space<hbm>>
        tpu.enqueue_dma source(%dma_start3A_155 : memref<80xi32, #tpu.memory_space<hbm>>) target(%arg10 : memref<80xi32, #tpu.memory_space<vmem>>) target_semaphore(%arg23 : memref<!tpu.dma_semaphore, #tpu.memory_space<semaphore_mem>>)
        %dma_start3A_156 = tpu.memref_slice %arg3[%add3A_153] : memref<320000xi32, #tpu.memory_space<hbm>> -> memref<80xi32, #tpu.memory_space<hbm>>
        %dma_start3A_157 = tpu.memref_slice %arg3[%add3A_153] : memref<320000xi32, #tpu.memory_space<hbm>> -> memref<80xi32, #tpu.memory_space<hbm>>
        tpu.enqueue_dma source(%dma_start3A_157 : memref<80xi32, #tpu.memory_space<hbm>>) target(%arg14 : memref<80xi32, #tpu.memory_space<vmem>>) target_semaphore(%arg23 : memref<!tpu.dma_semaphore, #tpu.memory_space<semaphore_mem>>)
      } else {
      }
    }
    %scan3A_35 = arith.constant 31 : i32
    %add3A_36 = arith.constant 9920 : i32
    %add3A_37 = arith.addi %mul3A_8, %add3A_36 : i32
    %dma_start3A_38 = tpu.memref_slice %arg4[%add3A_37] : memref<320000xi32, #tpu.memory_space<hbm>> -> memref<80xi32, #tpu.memory_space<hbm>>
    %dma_start3A_39 = tpu.memref_slice %arg4[%add3A_37] : memref<320000xi32, #tpu.memory_space<hbm>> -> memref<80xi32, #tpu.memory_space<hbm>>
    tpu.enqueue_dma source(%dma_start3A_39 : memref<80xi32, #tpu.memory_space<hbm>>) target(%arg7 : memref<80xi32, #tpu.memory_space<vmem>>) target_semaphore(%arg20 : memref<!tpu.dma_semaphore, #tpu.memory_space<semaphore_mem>>)
    %dma_start3A_40 = tpu.memref_slice %arg3[%add3A_37] : memref<320000xi32, #tpu.memory_space<hbm>> -> memref<80xi32, #tpu.memory_space<hbm>>
    %dma_start3A_41 = tpu.memref_slice %arg3[%add3A_37] : memref<320000xi32, #tpu.memory_space<hbm>> -> memref<80xi32, #tpu.memory_space<hbm>>
    tpu.enqueue_dma source(%dma_start3A_41 : memref<80xi32, #tpu.memory_space<hbm>>) target(%arg11 : memref<80xi32, #tpu.memory_space<vmem>>) target_semaphore(%arg20 : memref<!tpu.dma_semaphore, #tpu.memory_space<semaphore_mem>>)
    %dma_wait3A = arith.constant 0 : i32
    %dma_wait3A_42 = tpu.memref_slice %arg4[%dma_wait3A] : memref<320000xi32, #tpu.memory_space<hbm>> -> memref<80xi32, #tpu.memory_space<hbm>>
    %dma_wait3A_43 = arith.constant 0 : i32
    %dma_wait3A_44 = tpu.memref_slice %arg4[%dma_wait3A_43] : memref<320000xi32, #tpu.memory_space<hbm>> -> memref<80xi32, #tpu.memory_space<hbm>>
    tpu.wait_dma2 semaphore(%arg20 : memref<!tpu.dma_semaphore, #tpu.memory_space<semaphore_mem>>) src(%dma_wait3A_44 : memref<80xi32, #tpu.memory_space<hbm>>) dst(%arg7 : memref<80xi32, #tpu.memory_space<vmem>>)
    %dma_wait3A_45 = arith.constant 0 : i32
    %dma_wait3A_46 = tpu.memref_slice %arg3[%dma_wait3A_45] : memref<320000xi32, #tpu.memory_space<hbm>> -> memref<80xi32, #tpu.memory_space<hbm>>
    %dma_wait3A_47 = arith.constant 0 : i32
    %dma_wait3A_48 = tpu.memref_slice %arg3[%dma_wait3A_47] : memref<320000xi32, #tpu.memory_space<hbm>> -> memref<80xi32, #tpu.memory_space<hbm>>
    tpu.wait_dma2 semaphore(%arg20 : memref<!tpu.dma_semaphore, #tpu.memory_space<semaphore_mem>>) src(%dma_wait3A_48 : memref<80xi32, #tpu.memory_space<hbm>>) dst(%arg11 : memref<80xi32, #tpu.memory_space<vmem>>)
    %dma_start3A_49 = arith.constant 0 : i32
    %dma_start3A_50 = arith.constant 0 : i32
    %dma_start3A_51 = tpu.memref_slice %arg2[%dma_start3A_49, %dma_start3A_50] : memref<10000x128xf32, #tpu.memory_space<hbm>> -> memref<10000x128xf32, #tpu.memory_space<hbm>>
    tpu.enqueue_indirect_dma source(%dma_start3A_51 : memref<10000x128xf32, #tpu.memory_space<hbm>>) target(%arg15 : memref<80x128xf32, #tpu.memory_space<vmem>>) offsets(%arg7 : memref<80xi32, #tpu.memory_space<vmem>>) semaphore(%arg24 : memref<!tpu.dma_semaphore, #tpu.memory_space<semaphore_mem>>)
    %dma_wait3A_52 = arith.constant 0 : i32
    %dma_wait3A_53 = arith.constant 0 : i32
    %dma_wait3A_54 = tpu.memref_slice %arg2[%dma_wait3A_52, %dma_wait3A_53] : memref<10000x128xf32, #tpu.memory_space<hbm>> -> memref<10000x128xf32, #tpu.memory_space<hbm>>
    tpu.wait_indirect_dma semaphore(%arg24 : memref<!tpu.dma_semaphore, #tpu.memory_space<semaphore_mem>>) src(%dma_wait3A_54 : memref<10000x128xf32, #tpu.memory_space<hbm>>) dst(%arg15 : memref<80x128xf32, #tpu.memory_space<vmem>>)
    "tpu.region"() ({
      %run_scoped3A = tpu.sem_alloc : memref<!tpu.dma_semaphore, #tpu.memory_space<semaphore_mem>>
      %dma_start3A_65 = arith.constant 0 : i32
      %dma_start3A_66 = arith.constant 0 : i32
      %dma_start3A_67 = tpu.memref_slice %arg19[%dma_start3A_65, %dma_start3A_66] : memref<10000x128xf32, #tpu.memory_space<vmem_shared>> -> memref<10000x128xf32, #tpu.memory_space<vmem_shared>>
      tpu.enqueue_indirect_dma source(%arg15 : memref<80x128xf32, #tpu.memory_space<vmem>>) target(%dma_start3A_67 : memref<10000x128xf32, #tpu.memory_space<vmem_shared>>) offsets(%arg11 : memref<80xi32, #tpu.memory_space<vmem>>) semaphore(%run_scoped3A : memref<!tpu.dma_semaphore, #tpu.memory_space<semaphore_mem>>) {add = true}
      %dma_wait3A_68 = arith.constant 0 : i32
      %dma_wait3A_69 = arith.constant 0 : i32
      %dma_wait3A_70 = tpu.memref_slice %arg19[%dma_wait3A_68, %dma_wait3A_69] : memref<10000x128xf32, #tpu.memory_space<vmem_shared>> -> memref<10000x128xf32, #tpu.memory_space<vmem_shared>>
      tpu.wait_indirect_dma semaphore(%run_scoped3A : memref<!tpu.dma_semaphore, #tpu.memory_space<semaphore_mem>>) src(%arg15 : memref<80x128xf32, #tpu.memory_space<vmem>>) dst(%dma_wait3A_70 : memref<10000x128xf32, #tpu.memory_space<vmem_shared>>)
      tpu.yield
    }) : () -> ()
    %barrier3A_55 = arith.constant 0 : index
    tpu.barrier barrier_id(%barrier3A_55)
    %mul3A_56 = arith.constant 624 : i32
    %mul3A_57 = arith.muli %arg1, %mul3A_56 : i32
    %mul3A_58 = arith.constant 624 : i32
    %mul3A_59 = arith.muli %arg1, %mul3A_58 : i32
    "tpu.region"() ({
      %run_scoped3A = tpu.sem_alloc : memref<!tpu.dma_semaphore, #tpu.memory_space<semaphore_mem>>
      %dma_start3A_65 = arith.constant 0 : i32
      %dma_start3A_66 = arith.constant 0 : i32
      %dma_start3A_67 = tpu.memref_slice %arg6[%arg0, %dma_start3A_65, %dma_start3A_66] : memref<2x10112x128xf32, #tpu.memory_space<hbm>> -> memref<1x10112x128xf32, #tpu.memory_space<hbm>>
      %dma_start3A_68 = tpu.memref_squeeze %dma_start3A_67 : memref<1x10112x128xf32, #tpu.memory_space<hbm>> -> memref<10112x128xf32, #tpu.memory_space<hbm>>
      %dma_start3A_69 = arith.constant 0 : i32
      %dma_start3A_70 = tpu.memref_slice %dma_start3A_68[%mul3A_59, %dma_start3A_69] : memref<10112x128xf32, #tpu.memory_space<hbm>> -> memref<624x128xf32, #tpu.memory_space<hbm>>
      %dma_start3A_71 = arith.constant 0 : i32
      %dma_start3A_72 = tpu.memref_slice %arg19[%mul3A_57, %dma_start3A_71] : memref<10000x128xf32, #tpu.memory_space<vmem_shared>> -> memref<624x128xf32, #tpu.memory_space<vmem_shared>>
      tpu.enqueue_dma source(%dma_start3A_72 : memref<624x128xf32, #tpu.memory_space<vmem_shared>>) target(%dma_start3A_70 : memref<624x128xf32, #tpu.memory_space<hbm>>) target_semaphore(%run_scoped3A : memref<!tpu.dma_semaphore, #tpu.memory_space<semaphore_mem>>)
      %dma_wait3A_73 = arith.constant 0 : i32
      %dma_wait3A_74 = arith.constant 0 : i32
      %dma_wait3A_75 = tpu.memref_slice %arg6[%arg0, %dma_wait3A_73, %dma_wait3A_74] : memref<2x10112x128xf32, #tpu.memory_space<hbm>> -> memref<1x10112x128xf32, #tpu.memory_space<hbm>>
      %dma_wait3A_76 = tpu.memref_squeeze %dma_wait3A_75 : memref<1x10112x128xf32, #tpu.memory_space<hbm>> -> memref<10112x128xf32, #tpu.memory_space<hbm>>
      %dma_wait3A_77 = arith.constant 0 : i32
      %dma_wait3A_78 = tpu.memref_slice %dma_wait3A_76[%mul3A_59, %dma_wait3A_77] : memref<10112x128xf32, #tpu.memory_space<hbm>> -> memref<624x128xf32, #tpu.memory_space<hbm>>
      %dma_wait3A_79 = arith.constant 0 : i32
      %dma_wait3A_80 = tpu.memref_slice %arg19[%mul3A_57, %dma_wait3A_79] : memref<10000x128xf32, #tpu.memory_space<vmem_shared>> -> memref<624x128xf32, #tpu.memory_space<vmem_shared>>
      tpu.wait_dma2 semaphore(%run_scoped3A : memref<!tpu.dma_semaphore, #tpu.memory_space<semaphore_mem>>) src(%dma_wait3A_80 : memref<624x128xf32, #tpu.memory_space<vmem_shared>>) dst(%dma_wait3A_78 : memref<624x128xf32, #tpu.memory_space<hbm>>)
      tpu.yield
    }) : () -> ()
    %eq3A_60 = arith.constant 15 : i32
    %eq3A_61 = arith.cmpi eq, %arg1, %eq3A_60 : i32
    %convert_element_type3A_62 = arith.extui %eq3A_61 : i1 to i32
    %cond3A_63 = arith.constant 0 : i32
    %cond3A_64 = arith.cmpi ne, %convert_element_type3A_62, %cond3A_63 : i32
    scf.if %cond3A_64 {
      "tpu.region"() ({
        %run_scoped3A = tpu.sem_alloc : memref<!tpu.dma_semaphore, #tpu.memory_space<semaphore_mem>>
        %dma_start3A_65 = arith.constant 0 : i32
        %dma_start3A_66 = arith.constant 0 : i32
        %dma_start3A_67 = tpu.memref_slice %arg6[%arg0, %dma_start3A_65, %dma_start3A_66] : memref<2x10112x128xf32, #tpu.memory_space<hbm>> -> memref<1x10112x128xf32, #tpu.memory_space<hbm>>
        %dma_start3A_68 = tpu.memref_squeeze %dma_start3A_67 : memref<1x10112x128xf32, #tpu.memory_space<hbm>> -> memref<10112x128xf32, #tpu.memory_space<hbm>>
        %dma_start3A_69 = arith.constant 9984 : i32
        %dma_start3A_70 = arith.constant 0 : i32
        %dma_start3A_71 = tpu.memref_slice %dma_start3A_68[%dma_start3A_69, %dma_start3A_70] : memref<10112x128xf32, #tpu.memory_space<hbm>> -> memref<16x128xf32, #tpu.memory_space<hbm>>
        %dma_start3A_72 = arith.constant 9984 : i32
        %dma_start3A_73 = arith.constant 0 : i32
        %dma_start3A_74 = tpu.memref_slice %arg19[%dma_start3A_72, %dma_start3A_73] : memref<10000x128xf32, #tpu.memory_space<vmem_shared>> -> memref<16x128xf32, #tpu.memory_space<vmem_shared>>
        tpu.enqueue_dma source(%dma_start3A_74 : memref<16x128xf32, #tpu.memory_space<vmem_shared>>) target(%dma_start3A_71 : memref<16x128xf32, #tpu.memory_space<hbm>>) target_semaphore(%run_scoped3A : memref<!tpu.dma_semaphore, #tpu.memory_space<semaphore_mem>>)
        %dma_wait3A_75 = arith.constant 0 : i32
        %dma_wait3A_76 = arith.constant 0 : i32
        %dma_wait3A_77 = tpu.memref_slice %arg6[%arg0, %dma_wait3A_75, %dma_wait3A_76] : memref<2x10112x128xf32, #tpu.memory_space<hbm>> -> memref<1x10112x128xf32, #tpu.memory_space<hbm>>
        %dma_wait3A_78 = tpu.memref_squeeze %dma_wait3A_77 : memref<1x10112x128xf32, #tpu.memory_space<hbm>> -> memref<10112x128xf32, #tpu.memory_space<hbm>>
        %dma_wait3A_79 = arith.constant 9984 : i32
        %dma_wait3A_80 = arith.constant 0 : i32
        %dma_wait3A_81 = tpu.memref_slice %dma_wait3A_78[%dma_wait3A_79, %dma_wait3A_80] : memref<10112x128xf32, #tpu.memory_space<hbm>> -> memref<16x128xf32, #tpu.memory_space<hbm>>
        %dma_wait3A_82 = arith.constant 9984 : i32
        %dma_wait3A_83 = arith.constant 0 : i32
        %dma_wait3A_84 = tpu.memref_slice %arg19[%dma_wait3A_82, %dma_wait3A_83] : memref<10000x128xf32, #tpu.memory_space<vmem_shared>> -> memref<16x128xf32, #tpu.memory_space<vmem_shared>>
        tpu.wait_dma2 semaphore(%run_scoped3A : memref<!tpu.dma_semaphore, #tpu.memory_space<semaphore_mem>>) src(%dma_wait3A_84 : memref<16x128xf32, #tpu.memory_space<vmem_shared>>) dst(%dma_wait3A_81 : memref<16x128xf32, #tpu.memory_space<hbm>>)
        tpu.yield
      }) : () -> ()
      "tpu.region"() ({
        %run_scoped3A = tpu.sem_alloc : memref<!tpu.dma_semaphore, #tpu.memory_space<semaphore_mem>>
        %dma_start3A_65 = arith.constant 0 : i32
        %dma_start3A_66 = arith.constant 0 : i32
        %dma_start3A_67 = tpu.memref_slice %arg6[%arg0, %dma_start3A_65, %dma_start3A_66] : memref<2x10112x128xf32, #tpu.memory_space<hbm>> -> memref<1x10112x128xf32, #tpu.memory_space<hbm>>
        %dma_start3A_68 = tpu.memref_squeeze %dma_start3A_67 : memref<1x10112x128xf32, #tpu.memory_space<hbm>> -> memref<10112x128xf32, #tpu.memory_space<hbm>>
        %dma_start3A_69 = arith.constant 10000 : i32
        %dma_start3A_70 = arith.constant 0 : i32
        %dma_start3A_71 = tpu.memref_slice %dma_start3A_68[%dma_start3A_69, %dma_start3A_70] : memref<10112x128xf32, #tpu.memory_space<hbm>> -> memref<112x128xf32, #tpu.memory_space<hbm>>
        %dma_start3A_72 = arith.constant 0 : i32
        %dma_start3A_73 = arith.constant 0 : i32
        %dma_start3A_74 = tpu.memref_slice %arg5[%dma_start3A_72, %dma_start3A_73] : memref<10000x128xf32, #tpu.memory_space<hbm>> -> memref<112x128xf32, #tpu.memory_space<hbm>>
        tpu.enqueue_dma source(%dma_start3A_74 : memref<112x128xf32, #tpu.memory_space<hbm>>) target(%dma_start3A_71 : memref<112x128xf32, #tpu.memory_space<hbm>>) target_semaphore(%run_scoped3A : memref<!tpu.dma_semaphore, #tpu.memory_space<semaphore_mem>>)
        %dma_wait3A_75 = arith.constant 0 : i32
        %dma_wait3A_76 = arith.constant 0 : i32
        %dma_wait3A_77 = tpu.memref_slice %arg6[%arg0, %dma_wait3A_75, %dma_wait3A_76] : memref<2x10112x128xf32, #tpu.memory_space<hbm>> -> memref<1x10112x128xf32, #tpu.memory_space<hbm>>
        %dma_wait3A_78 = tpu.memref_squeeze %dma_wait3A_77 : memref<1x10112x128xf32, #tpu.memory_space<hbm>> -> memref<10112x128xf32, #tpu.memory_space<hbm>>
        %dma_wait3A_79 = arith.constant 10000 : i32
        %dma_wait3A_80 = arith.constant 0 : i32
        %dma_wait3A_81 = tpu.memref_slice %dma_wait3A_78[%dma_wait3A_79, %dma_wait3A_80] : memref<10112x128xf32, #tpu.memory_space<hbm>> -> memref<112x128xf32, #tpu.memory_space<hbm>>
        %dma_wait3A_82 = arith.constant 0 : i32
        %dma_wait3A_83 = arith.constant 0 : i32
        %dma_wait3A_84 = tpu.memref_slice %arg5[%dma_wait3A_82, %dma_wait3A_83] : memref<10000x128xf32, #tpu.memory_space<hbm>> -> memref<112x128xf32, #tpu.memory_space<hbm>>
        tpu.wait_dma2 semaphore(%run_scoped3A : memref<!tpu.dma_semaphore, #tpu.memory_space<semaphore_mem>>) src(%dma_wait3A_84 : memref<112x128xf32, #tpu.memory_space<hbm>>) dst(%dma_wait3A_81 : memref<112x128xf32, #tpu.memory_space<hbm>>)
        tpu.yield
      }) : () -> ()
    } else {
    }
    return
  }
}

module attributes {stable_mosaic.version = 14 : i64} {
  func.func @_dense0_body(%arg0: i32, %arg1: memref<1000x128xf32, #tpu.memory_space<vmem>>, %arg2: memref<128x128xbf16, #tpu.memory_space<vmem>>, %arg3: memref<128x128xbf16, #tpu.memory_space<vmem>>, %arg4: memref<1000x128xf32, #tpu.memory_space<vmem>>, %arg5: memref<1000x128xf32, #tpu.memory_space<vmem>>) attributes {dimension_semantics = [#tpu.dimension_semantics<arbitrary>], iteration_bounds = array<i64: 10>, scalar_prefetch = 0 : i64, scratch_operands = 0 : i64, tpu.core_type = #tpu.core_type<tc>, window_params = [{transform_indices = @transform_0, window_bounds = array<i64: 1000, 128>}, {pipeline_mode = #tpu.pipeline_mode<synchronous>, transform_indices = @transform_1, window_bounds = array<i64: 128, 128>}, {pipeline_mode = #tpu.pipeline_mode<synchronous>, transform_indices = @transform_2, window_bounds = array<i64: 128, 128>}, {transform_indices = @transform_3, window_bounds = array<i64: 1000, 128>}, {transform_indices = @transform_4, window_bounds = array<i64: 1000, 128>}]} {
    %get3A = arith.constant 0 : index
    %get3A_0 = arith.constant 0 : index
    %get3A_1 = vector.load %arg1[%get3A, %get3A_0] : memref<1000x128xf32, #tpu.memory_space<vmem>>, vector<1000x128xf32>
    %convert_element_type3A = arith.truncf %get3A_1 : vector<1000x128xf32> to vector<1000x128xbf16>
    %get3A_2 = arith.constant 0 : index
    %get3A_3 = arith.constant 0 : index
    %get3A_4 = vector.load %arg2[%get3A_2, %get3A_3] : memref<128x128xbf16, #tpu.memory_space<vmem>>, vector<128x128xbf16>
    %dot_general3A = arith.constant dense<0.000000e+00> : vector<1000x128xf32>
    %dot_general3A_5 = tpu.matmul %convert_element_type3A, %get3A_4, %dot_general3A {dimension_numbers = #tpu.dot_dimension_numbers<[1], [1], [0], [0], [0, 0, 1, 0], [], []>, transpose_lhs_hint = false} : vector<1000x128xbf16>, vector<128x128xbf16>, vector<1000x128xf32> -> vector<1000x128xf32>
    %swap3A = arith.constant 0 : index
    %swap3A_6 = arith.constant 0 : index
    %swap3A_7 = vector.load %arg4[%swap3A, %swap3A_6] : memref<1000x128xf32, #tpu.memory_space<vmem>>, vector<1000x128xf32>
    tpu.vector_store %arg4[%swap3A, %swap3A_6], %dot_general3A_5 {strides = array<i32>} : memref<1000x128xf32, #tpu.memory_space<vmem>>, vector<1000x128xf32>,
    %get3A_8 = arith.constant 0 : index
    %get3A_9 = arith.constant 0 : index
    %get3A_10 = vector.load %arg3[%get3A_8, %get3A_9] : memref<128x128xbf16, #tpu.memory_space<vmem>>, vector<128x128xbf16>
    %dot_general3A_11 = arith.constant dense<0.000000e+00> : vector<1000x128xf32>
    %dot_general3A_12 = tpu.matmul %convert_element_type3A, %get3A_10, %dot_general3A_11 {dimension_numbers = #tpu.dot_dimension_numbers<[1], [1], [0], [0], [0, 0, 1, 0], [], []>, transpose_lhs_hint = false} : vector<1000x128xbf16>, vector<128x128xbf16>, vector<1000x128xf32> -> vector<1000x128xf32>
    %swap3A_13 = arith.constant 0 : index
    %swap3A_14 = arith.constant 0 : index
    %swap3A_15 = vector.load %arg5[%swap3A_13, %swap3A_14] : memref<1000x128xf32, #tpu.memory_space<vmem>>, vector<1000x128xf32>
    tpu.vector_store %arg5[%swap3A_13, %swap3A_14], %dot_general3A_12 {strides = array<i32>} : memref<1000x128xf32, #tpu.memory_space<vmem>>, vector<1000x128xf32>,
    return
  }
  func.func @transform_0(%arg0: i32) -> (i32, i32) {
    %c0_i32 = arith.constant 0 : i32
    %c0_i32_0 = arith.constant 0 : i32
    return %arg0, %c0_i32 : i32, i32
  }
  func.func @transform_1(%arg0: i32) -> (i32, i32) {
    %c0_i32 = arith.constant 0 : i32
    %c0_i32_0 = arith.constant 0 : i32
    %c0_i32_1 = arith.constant 0 : i32
    return %c0_i32, %c0_i32_0 : i32, i32
  }
  func.func @transform_2(%arg0: i32) -> (i32, i32) {
    %c0_i32 = arith.constant 0 : i32
    %c0_i32_0 = arith.constant 0 : i32
    %c0_i32_1 = arith.constant 0 : i32
    return %c0_i32, %c0_i32_0 : i32, i32
  }
  func.func @transform_3(%arg0: i32) -> (i32, i32) {
    %c0_i32 = arith.constant 0 : i32
    %c0_i32_0 = arith.constant 0 : i32
    return %arg0, %c0_i32 : i32, i32
  }
  func.func @transform_4(%arg0: i32) -> (i32, i32) {
    %c0_i32 = arith.constant 0 : i32
    %c0_i32_0 = arith.constant 0 : i32
    return %arg0, %c0_i32 : i32, i32
  }
}

module attributes {stable_mosaic.version = 14 : i64} {
  func.func @_dense1_body(%arg0: i32, %arg1: memref<1264x128xf32, #tpu.memory_space<vmem>>, %arg2: memref<1264x128xf32, #tpu.memory_space<vmem>>, %arg3: memref<1264x128xf32, #tpu.memory_space<vmem>>, %arg4: memref<1264x128xf32, #tpu.memory_space<vmem>>, %arg5: memref<128x128xbf16, #tpu.memory_space<vmem>>, %arg6: memref<128x128xbf16, #tpu.memory_space<vmem>>, %arg7: memref<1264x128xf32, #tpu.memory_space<vmem>>) attributes {dimension_semantics = [#tpu.dimension_semantics<arbitrary>], iteration_bounds = array<i64: 8>, scalar_prefetch = 0 : i64, scratch_operands = 0 : i64, tpu.core_type = #tpu.core_type<tc>, window_params = [{transform_indices = @transform_0, window_bounds = array<i64: 1264, 128>}, {transform_indices = @transform_1, window_bounds = array<i64: 1264, 128>}, {transform_indices = @transform_2, window_bounds = array<i64: 1264, 128>}, {transform_indices = @transform_3, window_bounds = array<i64: 1264, 128>}, {pipeline_mode = #tpu.pipeline_mode<synchronous>, transform_indices = @transform_4, window_bounds = array<i64: 128, 128>}, {pipeline_mode = #tpu.pipeline_mode<synchronous>, transform_indices = @transform_5, window_bounds = array<i64: 128, 128>}, {transform_indices = @transform_6, window_bounds = array<i64: 1264, 128>}]} {
    %get3A = arith.constant 0 : index
    %get3A_0 = arith.constant 0 : index
    %get3A_1 = vector.load %arg1[%get3A, %get3A_0] : memref<1264x128xf32, #tpu.memory_space<vmem>>, vector<1264x128xf32>
    %get3A_2 = arith.constant 0 : index
    %get3A_3 = arith.constant 0 : index
    %get3A_4 = vector.load %arg2[%get3A_2, %get3A_3] : memref<1264x128xf32, #tpu.memory_space<vmem>>, vector<1264x128xf32>
    %add3A = arith.addf %get3A_1, %get3A_4 : vector<1264x128xf32>
    %gt3A = arith.constant 0.000000e+00 : f32
    %gt3A_5 = vector.broadcast %gt3A : f32 to vector<1264x128xf32>
    %gt3A_6 = arith.cmpf ogt, %add3A, %gt3A_5 : vector<1264x128xf32>
    %min3A = arith.constant 0.000000e+00 : f32
    %min3A_7 = vector.broadcast %min3A : f32 to vector<1264x128xf32>
    %min3A_8 = arith.minimumf %add3A, %min3A_7 : vector<1264x128xf32>
    %exp3A = math.exp %min3A_8 : vector<1264x128xf32>
    %sub3A = arith.constant 1.000000e+00 : f32
    %sub3A_9 = vector.broadcast %sub3A : f32 to vector<1264x128xf32>
    %sub3A_10 = arith.subf %exp3A, %sub3A_9 : vector<1264x128xf32>
    %select_n3A = arith.select %gt3A_6, %add3A, %sub3A_10 : vector<1264x128xi1>, vector<1264x128xf32>
    %convert_element_type3A = arith.truncf %select_n3A : vector<1264x128xf32> to vector<1264x128xbf16>
    %get3A_11 = arith.constant 0 : index
    %get3A_12 = arith.constant 0 : index
    %get3A_13 = vector.load %arg3[%get3A_11, %get3A_12] : memref<1264x128xf32, #tpu.memory_space<vmem>>, vector<1264x128xf32>
    %get3A_14 = arith.constant 0 : index
    %get3A_15 = arith.constant 0 : index
    %get3A_16 = vector.load %arg4[%get3A_14, %get3A_15] : memref<1264x128xf32, #tpu.memory_space<vmem>>, vector<1264x128xf32>
    %add3A_17 = arith.addf %get3A_13, %get3A_16 : vector<1264x128xf32>
    %gt3A_18 = arith.constant 0.000000e+00 : f32
    %gt3A_19 = vector.broadcast %gt3A_18 : f32 to vector<1264x128xf32>
    %gt3A_20 = arith.cmpf ogt, %add3A_17, %gt3A_19 : vector<1264x128xf32>
    %min3A_21 = arith.constant 0.000000e+00 : f32
    %min3A_22 = vector.broadcast %min3A_21 : f32 to vector<1264x128xf32>
    %min3A_23 = arith.minimumf %add3A_17, %min3A_22 : vector<1264x128xf32>
    %exp3A_24 = math.exp %min3A_23 : vector<1264x128xf32>
    %sub3A_25 = arith.constant 1.000000e+00 : f32
    %sub3A_26 = vector.broadcast %sub3A_25 : f32 to vector<1264x128xf32>
    %sub3A_27 = arith.subf %exp3A_24, %sub3A_26 : vector<1264x128xf32>
    %select_n3A_28 = arith.select %gt3A_20, %add3A_17, %sub3A_27 : vector<1264x128xi1>, vector<1264x128xf32>
    %convert_element_type3A_29 = arith.truncf %select_n3A_28 : vector<1264x128xf32> to vector<1264x128xbf16>
    %get3A_30 = arith.constant 0 : index
    %get3A_31 = arith.constant 0 : index
    %get3A_32 = vector.load %arg5[%get3A_30, %get3A_31] : memref<128x128xbf16, #tpu.memory_space<vmem>>, vector<128x128xbf16>
    %dot_general3A = arith.constant dense<0.000000e+00> : vector<1264x128xf32>
    %dot_general3A_33 = tpu.matmul %convert_element_type3A, %get3A_32, %dot_general3A {dimension_numbers = #tpu.dot_dimension_numbers<[1], [1], [0], [0], [0, 0, 1, 0], [], []>, transpose_lhs_hint = false} : vector<1264x128xbf16>, vector<128x128xbf16>, vector<1264x128xf32> -> vector<1264x128xf32>
    %get3A_34 = arith.constant 0 : index
    %get3A_35 = arith.constant 0 : index
    %get3A_36 = vector.load %arg6[%get3A_34, %get3A_35] : memref<128x128xbf16, #tpu.memory_space<vmem>>, vector<128x128xbf16>
    %dot_general3A_37 = arith.constant dense<0.000000e+00> : vector<1264x128xf32>
    %dot_general3A_38 = tpu.matmul %convert_element_type3A_29, %get3A_36, %dot_general3A_37 {dimension_numbers = #tpu.dot_dimension_numbers<[1], [1], [0], [0], [0, 0, 1, 0], [], []>, transpose_lhs_hint = false} : vector<1264x128xbf16>, vector<128x128xbf16>, vector<1264x128xf32> -> vector<1264x128xf32>
    %add3A_39 = arith.addf %dot_general3A_33, %dot_general3A_38 : vector<1264x128xf32>
    %swap3A = arith.constant 0 : index
    %swap3A_40 = arith.constant 0 : index
    %swap3A_41 = vector.load %arg7[%swap3A, %swap3A_40] : memref<1264x128xf32, #tpu.memory_space<vmem>>, vector<1264x128xf32>
    tpu.vector_store %arg7[%swap3A, %swap3A_40], %add3A_39 {strides = array<i32>} : memref<1264x128xf32, #tpu.memory_space<vmem>>, vector<1264x128xf32>,
    return
  }
  func.func @transform_0(%arg0: i32) -> (i32, i32) {
    %c0_i32 = arith.constant 0 : i32
    %c0_i32_0 = arith.constant 0 : i32
    return %arg0, %c0_i32 : i32, i32
  }
  func.func @transform_1(%arg0: i32) -> (i32, i32) {
    %c0_i32 = arith.constant 0 : i32
    %c0_i32_0 = arith.constant 0 : i32
    return %arg0, %c0_i32 : i32, i32
  }
  func.func @transform_2(%arg0: i32) -> (i32, i32) {
    %c0_i32 = arith.constant 0 : i32
    %c0_i32_0 = arith.constant 0 : i32
    return %arg0, %c0_i32 : i32, i32
  }
  func.func @transform_3(%arg0: i32) -> (i32, i32) {
    %c0_i32 = arith.constant 0 : i32
    %c0_i32_0 = arith.constant 0 : i32
    return %arg0, %c0_i32 : i32, i32
  }
  func.func @transform_4(%arg0: i32) -> (i32, i32) {
    %c0_i32 = arith.constant 0 : i32
    %c0_i32_0 = arith.constant 0 : i32
    %c0_i32_1 = arith.constant 0 : i32
    return %c0_i32, %c0_i32_0 : i32, i32
  }
  func.func @transform_5(%arg0: i32) -> (i32, i32) {
    %c0_i32 = arith.constant 0 : i32
    %c0_i32_0 = arith.constant 0 : i32
    %c0_i32_1 = arith.constant 0 : i32
    return %c0_i32, %c0_i32_0 : i32, i32
  }
  func.func @transform_6(%arg0: i32) -> (i32, i32) {
    %c0_i32 = arith.constant 0 : i32
    %c0_i32_0 = arith.constant 0 : i32
    return %arg0, %c0_i32 : i32, i32
  }
}

module attributes {stable_mosaic.version = 14 : i64} {
  func.func @_pool_mlp_body(%arg0: memref<64x10112xf32, #tpu.memory_space<vmem>>, %arg1: memref<64x10112xf32, #tpu.memory_space<vmem>>, %arg2: memref<10112x128xf32, #tpu.memory_space<vmem>>, %arg3: memref<1x10112xi32, #tpu.memory_space<vmem>>, %arg4: memref<1024x128xbf16, #tpu.memory_space<vmem>>, %arg5: memref<1x1024xf32, #tpu.memory_space<vmem>>, %arg6: memref<1024x1024xbf16, #tpu.memory_space<vmem>>, %arg7: memref<1x1024xf32, #tpu.memory_space<vmem>>, %arg8: memref<1024x1024xbf16, #tpu.memory_space<vmem>>, %arg9: memref<1x1024xf32, #tpu.memory_space<vmem>>, %arg10: memref<1024x1024xbf16, #tpu.memory_space<vmem>>, %arg11: memref<1x1024xf32, #tpu.memory_space<vmem>>, %arg12: memref<128x1024xbf16, #tpu.memory_space<vmem>>, %arg13: memref<1x128xf32, #tpu.memory_space<vmem>>, %arg14: memref<64x4xf32, #tpu.memory_space<vmem>>) attributes {dimension_semantics = [], scalar_prefetch = 0 : i64, scratch_operands = 0 : i64, tpu.core_type = #tpu.core_type<tc>} {
    %get3A = arith.constant 0 : index
    %get3A_0 = arith.constant 0 : index
    %get3A_1 = vector.load %arg0[%get3A, %get3A_0] : memref<64x10112xf32, #tpu.memory_space<vmem>>, vector<64x10112xf32>
    %get3A_2 = arith.constant 0 : index
    %get3A_3 = arith.constant 0 : index
    %get3A_4 = vector.load %arg1[%get3A_2, %get3A_3] : memref<64x10112xf32, #tpu.memory_space<vmem>>, vector<64x10112xf32>
    %add3A = arith.addf %get3A_1, %get3A_4 : vector<64x10112xf32>
    %get3A_5 = arith.constant 0 : index
    %get3A_6 = arith.constant 0 : index
    %get3A_7 = vector.load %arg2[%get3A_5, %get3A_6] : memref<10112x128xf32, #tpu.memory_space<vmem>>, vector<10112x128xf32>
    %dot_general3A = arith.constant dense<0.000000e+00> : vector<64x128xf32>
    %dot_general3A_8 = tpu.matmul %add3A, %get3A_7, %dot_general3A {dimension_numbers = #tpu.dot_dimension_numbers<[1], [0], [0], [1], [0, 0, 1, 1], [], []>, precision = #tpu.contract_precision<fp32>, transpose_lhs_hint = false} : vector<64x10112xf32>, vector<10112x128xf32>, vector<64x128xf32> -> vector<64x128xf32>
    %iota3A = tpu.iota {dimensions = array<i32: 0>} : vector<64x10112xi32>
    %get3A_9 = arith.constant 0 : index
    %get3A_10 = arith.constant 0 : index
    %get3A_11 = vector.load %arg3[%get3A_9, %get3A_10] : memref<1x10112xi32, #tpu.memory_space<vmem>>, vector<1x10112xi32>
    %eq3A = vector.broadcast %get3A_11 : vector<1x10112xi32> to vector<64x10112xi32>
    %eq3A_12 = arith.cmpi eq, %eq3A, %iota3A : vector<64x10112xi32>
    %convert_element_type3A = arith.extui %eq3A_12 : vector<64x10112xi1> to vector<64x10112xi32>
    %convert_element_type3A_13 = arith.sitofp %convert_element_type3A : vector<64x10112xi32> to vector<64x10112xf32>
    %reduce_sum3A = arith.constant dense<0.000000e+00> : vector<64xf32>
    %reduce_sum3A_14 = vector.multi_reduction <add>, %convert_element_type3A_13, %reduce_sum3A [1] : vector<64x10112xf32> to vector<64xf32>
    %broadcast_in_dim3A = vector.shape_cast %reduce_sum3A_14 : vector<64xf32> to vector<64x1xf32>
    %max3A = arith.constant 1.000000e+00 : f32
    %max3A_15 = vector.broadcast %max3A : f32 to vector<64x1xf32>
    %max3A_16 = arith.maximumf %broadcast_in_dim3A, %max3A_15 : vector<64x1xf32>
    %div3A = vector.broadcast %max3A_16 : vector<64x1xf32> to vector<64x128xf32>
    %div3A_17 = arith.divf %dot_general3A_8, %div3A : vector<64x128xf32>
    %convert_element_type3A_18 = arith.truncf %div3A_17 : vector<64x128xf32> to vector<64x128xbf16>
    %get3A_19 = arith.constant 0 : index
    %get3A_20 = arith.constant 0 : index
    %get3A_21 = vector.load %arg4[%get3A_19, %get3A_20] : memref<1024x128xbf16, #tpu.memory_space<vmem>>, vector<1024x128xbf16>
    %dot_general3A_22 = arith.constant dense<0.000000e+00> : vector<64x1024xf32>
    %dot_general3A_23 = tpu.matmul %convert_element_type3A_18, %get3A_21, %dot_general3A_22 {dimension_numbers = #tpu.dot_dimension_numbers<[1], [1], [0], [0], [0, 0, 1, 0], [], []>, transpose_lhs_hint = false} : vector<64x128xbf16>, vector<1024x128xbf16>, vector<64x1024xf32> -> vector<64x1024xf32>
    %get3A_24 = arith.constant 0 : index
    %get3A_25 = arith.constant 0 : index
    %get3A_26 = vector.load %arg5[%get3A_24, %get3A_25] : memref<1x1024xf32, #tpu.memory_space<vmem>>, vector<1x1024xf32>
    %add3A_27 = vector.broadcast %get3A_26 : vector<1x1024xf32> to vector<64x1024xf32>
    %add3A_28 = arith.addf %dot_general3A_23, %add3A_27 : vector<64x1024xf32>
    %max3A_29 = arith.constant 0.000000e+00 : f32
    %max3A_30 = vector.broadcast %max3A_29 : f32 to vector<64x1024xf32>
    %max3A_31 = arith.maximumf %add3A_28, %max3A_30 : vector<64x1024xf32>
    %convert_element_type3A_32 = arith.truncf %max3A_31 : vector<64x1024xf32> to vector<64x1024xbf16>
    %get3A_33 = arith.constant 0 : index
    %get3A_34 = arith.constant 0 : index
    %get3A_35 = vector.load %arg6[%get3A_33, %get3A_34] : memref<1024x1024xbf16, #tpu.memory_space<vmem>>, vector<1024x1024xbf16>
    %dot_general3A_36 = arith.constant dense<0.000000e+00> : vector<64x1024xf32>
    %dot_general3A_37 = tpu.matmul %convert_element_type3A_32, %get3A_35, %dot_general3A_36 {dimension_numbers = #tpu.dot_dimension_numbers<[1], [1], [0], [0], [0, 0, 1, 0], [], []>, transpose_lhs_hint = false} : vector<64x1024xbf16>, vector<1024x1024xbf16>, vector<64x1024xf32> -> vector<64x1024xf32>
    %get3A_38 = arith.constant 0 : index
    %get3A_39 = arith.constant 0 : index
    %get3A_40 = vector.load %arg7[%get3A_38, %get3A_39] : memref<1x1024xf32, #tpu.memory_space<vmem>>, vector<1x1024xf32>
    %add3A_41 = vector.broadcast %get3A_40 : vector<1x1024xf32> to vector<64x1024xf32>
    %add3A_42 = arith.addf %dot_general3A_37, %add3A_41 : vector<64x1024xf32>
    %max3A_43 = arith.constant 0.000000e+00 : f32
    %max3A_44 = vector.broadcast %max3A_43 : f32 to vector<64x1024xf32>
    %max3A_45 = arith.maximumf %add3A_42, %max3A_44 : vector<64x1024xf32>
    %convert_element_type3A_46 = arith.truncf %max3A_45 : vector<64x1024xf32> to vector<64x1024xbf16>
    %get3A_47 = arith.constant 0 : index
    %get3A_48 = arith.constant 0 : index
    %get3A_49 = vector.load %arg8[%get3A_47, %get3A_48] : memref<1024x1024xbf16, #tpu.memory_space<vmem>>, vector<1024x1024xbf16>
    %dot_general3A_50 = arith.constant dense<0.000000e+00> : vector<64x1024xf32>
    %dot_general3A_51 = tpu.matmul %convert_element_type3A_46, %get3A_49, %dot_general3A_50 {dimension_numbers = #tpu.dot_dimension_numbers<[1], [1], [0], [0], [0, 0, 1, 0], [], []>, transpose_lhs_hint = false} : vector<64x1024xbf16>, vector<1024x1024xbf16>, vector<64x1024xf32> -> vector<64x1024xf32>
    %get3A_52 = arith.constant 0 : index
    %get3A_53 = arith.constant 0 : index
    %get3A_54 = vector.load %arg9[%get3A_52, %get3A_53] : memref<1x1024xf32, #tpu.memory_space<vmem>>, vector<1x1024xf32>
    %add3A_55 = vector.broadcast %get3A_54 : vector<1x1024xf32> to vector<64x1024xf32>
    %add3A_56 = arith.addf %dot_general3A_51, %add3A_55 : vector<64x1024xf32>
    %max3A_57 = arith.constant 0.000000e+00 : f32
    %max3A_58 = vector.broadcast %max3A_57 : f32 to vector<64x1024xf32>
    %max3A_59 = arith.maximumf %add3A_56, %max3A_58 : vector<64x1024xf32>
    %convert_element_type3A_60 = arith.truncf %max3A_59 : vector<64x1024xf32> to vector<64x1024xbf16>
    %get3A_61 = arith.constant 0 : index
    %get3A_62 = arith.constant 0 : index
    %get3A_63 = vector.load %arg10[%get3A_61, %get3A_62] : memref<1024x1024xbf16, #tpu.memory_space<vmem>>, vector<1024x1024xbf16>
    %dot_general3A_64 = arith.constant dense<0.000000e+00> : vector<64x1024xf32>
    %dot_general3A_65 = tpu.matmul %convert_element_type3A_60, %get3A_63, %dot_general3A_64 {dimension_numbers = #tpu.dot_dimension_numbers<[1], [1], [0], [0], [0, 0, 1, 0], [], []>, transpose_lhs_hint = false} : vector<64x1024xbf16>, vector<1024x1024xbf16>, vector<64x1024xf32> -> vector<64x1024xf32>
    %get3A_66 = arith.constant 0 : index
    %get3A_67 = arith.constant 0 : index
    %get3A_68 = vector.load %arg11[%get3A_66, %get3A_67] : memref<1x1024xf32, #tpu.memory_space<vmem>>, vector<1x1024xf32>
    %add3A_69 = vector.broadcast %get3A_68 : vector<1x1024xf32> to vector<64x1024xf32>
    %add3A_70 = arith.addf %dot_general3A_65, %add3A_69 : vector<64x1024xf32>
    %max3A_71 = arith.constant 0.000000e+00 : f32
    %max3A_72 = vector.broadcast %max3A_71 : f32 to vector<64x1024xf32>
    %max3A_73 = arith.maximumf %add3A_70, %max3A_72 : vector<64x1024xf32>
    %convert_element_type3A_74 = arith.truncf %max3A_73 : vector<64x1024xf32> to vector<64x1024xbf16>
    %get3A_75 = arith.constant 0 : index
    %get3A_76 = arith.constant 0 : index
    %get3A_77 = vector.load %arg12[%get3A_75, %get3A_76] : memref<128x1024xbf16, #tpu.memory_space<vmem>>, vector<128x1024xbf16>
    %dot_general3A_78 = arith.constant dense<0.000000e+00> : vector<64x128xf32>
    %dot_general3A_79 = tpu.matmul %convert_element_type3A_74, %get3A_77, %dot_general3A_78 {dimension_numbers = #tpu.dot_dimension_numbers<[1], [1], [0], [0], [0, 0, 1, 0], [], []>, transpose_lhs_hint = false} : vector<64x1024xbf16>, vector<128x1024xbf16>, vector<64x128xf32> -> vector<64x128xf32>
    %get3A_80 = arith.constant 0 : index
    %get3A_81 = arith.constant 0 : index
    %get3A_82 = vector.load %arg13[%get3A_80, %get3A_81] : memref<1x128xf32, #tpu.memory_space<vmem>>, vector<1x128xf32>
    %add3A_83 = vector.broadcast %get3A_82 : vector<1x128xf32> to vector<64x128xf32>
    %add3A_84 = arith.addf %dot_general3A_79, %add3A_83 : vector<64x128xf32>
    %reduce_max3A = arith.constant dense<0xFF800000> : vector<64xf32>
    %reduce_max3A_85 = vector.multi_reduction <maximumf>, %add3A_84, %reduce_max3A [1] : vector<64x128xf32> to vector<64xf32>
    %broadcast_in_dim3A_86 = vector.shape_cast %reduce_max3A_85 : vector<64xf32> to vector<64x1xf32>
    %sub3A = vector.broadcast %broadcast_in_dim3A_86 : vector<64x1xf32> to vector<64x128xf32>
    %sub3A_87 = arith.subf %add3A_84, %sub3A : vector<64x128xf32>
    %exp3A = math.exp %sub3A_87 : vector<64x128xf32>
    %reduce_sum3A_88 = arith.constant dense<0.000000e+00> : vector<64xf32>
    %reduce_sum3A_89 = vector.multi_reduction <add>, %exp3A, %reduce_sum3A_88 [1] : vector<64x128xf32> to vector<64xf32>
    %broadcast_in_dim3A_90 = vector.shape_cast %reduce_sum3A_89 : vector<64xf32> to vector<64x1xf32>
    %div3A_91 = vector.broadcast %broadcast_in_dim3A_90 : vector<64x1xf32> to vector<64x128xf32>
    %div3A_92 = arith.divf %exp3A, %div3A_91 : vector<64x128xf32>
    %slice3A = vector.extract_strided_slice %div3A_92 {offsets = [0, 0], sizes = [64, 4], strides = [1, 1]} : vector<64x128xf32> to vector<64x4xf32>
    %swap3A = arith.constant 0 : index
    %swap3A_93 = arith.constant 0 : index
    %swap3A_94 = vector.load %arg14[%swap3A, %swap3A_93] : memref<64x4xf32, #tpu.memory_space<vmem>>, vector<64x4xf32>
    tpu.vector_store %arg14[%swap3A, %swap3A_93], %slice3A {strides = array<i32>} : memref<64x4xf32, #tpu.memory_space<vmem>>, vector<64x4xf32>,
    return
  }
}

</mosaic_0001>

<sc_bundles>
// kernel: kernel.11.cloned.1.call-start
scs
__scs_entry_jumppad:
0x0: {  	(pc) =	sbr.rel $0x88, $3  }
0x1: {  	(tag) =	ssettag $0x0;
	lr =	simm.s32 $0x1  }
0x2: {  	[smem:$0x3F92] =	sst lr;
	_ =	strace $0xD0000000  }
0x3: {  	_ = 	snop  }
0x4: {  	_ = 	snop  }
0x5: {  	_ = 	snop  }
0x6: {  	_ = 	snop  }
0x7: {  	_ = 	snop  }
__scs_overlays_trampoline_lowered:
0x8: {  	[smem:$0x3FA1] =	sst s0  }
0x9: {  	[smem:$0x3FA2] =	sst s1  }
0xa: {  	[smem:$0x3FA3] =	sst s2  }
0xb: {  	[smem:$0x3FA4] =	sst s3  }
0xc: {  	[smem:$0x3FA5] =	sst s4  }
0xd: {  	[smem:$0x3FA6] =	sst s5  }
0xe: {  	[smem:$0x3FA7] =	sst s6  }
0xf: {  	[smem:$0x3FA8] =	sst s7  }
0x10: {  	[smem:$0x3FA9] =	sst s8  }
0x11: {  	[smem:$0x3FAA] =	sst s9;
	s0 =	simm.s32 @!p0 $0x0  }
0x12: {  	s1 =	sld [smem:$0x3F90];
	s0 =	simm.s32 @p0 $0x1  }
0x13: {  	[smem:$0x3FAB] =	sst s0;
	s0 =	simm.s32 @!p1 $0x0  }
0x14: {  	s2 =	sld [smem:$0x3F8F];
	s0 =	simm.s32 @p1 $0x1  }
0x15: {  	[smem:$0x3FAC] =	sst s0;
	s0 =	simm.s32 @!p2 $0x0  }
0x16: {  	s3 =	sld [smem:$0x3FDB];
	s0 =	simm.s32 @p2 $0x1  }
0x17: {  	s4 =	simm.s32 $0x1BF5;
	[smem:$0x3FAE] =	sst s0  }
0x18: {  	s0 =	sld [smem:$0x3F91];
	_ =	swait.ge [sflag:s4], $0x0  }
0x19: {  	s7 =	sld [smem:$0x3F92]  }
0x1a: {  	s8 =	sadd.s32 $0xFFFFE003, lr  }
0x1b: {  	s9 =	sadd.s32 $0xFFFFFEF7, lr;
	s5 =	simm.s32 $0xFFFFFFFF;
	p2 =	slt.u32 s8, $0xFFFFF086  }
0x1c: {  	p1 =	slt.u32 s9, $0xF7A;
	s5 =	simm.s32 @!p2 $0x0  }
0x1d: {  	s5 =	simm.s32 @p1 $0x1;
	p0 =	seq.s32 s7, s2  }
0x1e: {  	s7 =	smul.u32 @!p0 $0xF7A, s2;
	p2 =	seq.s32 @!p0 s5, $0x0  }
0x1f: {  	s9 =	smul.u32 $0xF7A, s1;
	s8 =	simm.s32 @!p0 $0x1BF5;
	p2 =	por !p2, p0  }
0x20: {  	[sflag:s8] =	ssyncset.s32 @!p0 $0xFFFFF086;
	s6 =	sadd.s32 @!p0 s3, s7;
	s7 =	simm.s32 @!p0 $0x108  }
0x21: {  	s3 =	sadd.s32 s3, s9;
	s6 =	sadd.s32 @!p0 $0x88, s6;
	s7 =	simm.s32 @p2 $0x1082  }
0x22: {  	[simem:s7], [sflag:s8] =	dma.local @!p0 [hbm:s6], $0xF7A  }
0x23: {  	s9 =	sor.u32 $0xD0000000, s2;
	s6 =	simm.s32 $0x108;
	_ =	swait.ge @!p0 [sflag:s8], $0x0  }
0x24: {  	s3 =	sadd.s32 $0x88, s3;
	s6 =	simm.s32 @!p1 $0x1082;
	[sflag:s4] =	ssyncset.s32 $0xFFFFF086  }
0x25: {  	[simem:s6], [sflag:s4] =	dma.local [hbm:s3], $0xF7A  }
0x26: {  	[smem:$0x3F92] =	sst s1;
	(tag) =	ssettag s2;
	_ =	strace s9  }
0x27: {  	s1 =	sld [smem:$0x3FA2]  }
0x28: {  	s2 =	sld [smem:$0x3FA3]  }
0x29: {  	s4 =	sld [smem:$0x3FA5]  }
0x2a: {  	p0 =	seq.s32 s5, $0x0;
	s5 =	sld [smem:$0x3FA6]  }
0x2b: {  	s6 =	sld [smem:$0x3FA7]  }
0x2c: {  	s7 =	sld [smem:$0x3FA8]  }
0x2d: {  	s3 =	simm.s32 $0x108;
	s8 =	sld [smem:$0x3FA9]  }
0x2e: {  	s3 =	simm.s32 @!p0 $0x1082;
	s9 =	sld [smem:$0x3FAA]  }
0x2f: {  	lr =	sadd.s32 s0, s3;
	s0 =	sld [smem:$0x3FA1]  }
0x30: {  	s3 =	sld [smem:$0x3FA4]  }
0x31: {  	[smem:$0x3FAD] =	sst s10  }
0x32: {  	s10 =	sld [smem:$0x3FAB];
	_ =	sdelay $0x3  }
0x33: {  	p0 =	seq.s32 s10, $0x1;
	s10 =	sld [smem:$0x3FAD];
	_ =	sdelay $0x3  }
0x34: {  	[smem:$0x3FAD] =	sst s10  }
0x35: {  	s10 =	sld [smem:$0x3FAC];
	_ =	sdelay $0x3  }
0x36: {  	p1 =	seq.s32 s10, $0x1;
	s10 =	sld [smem:$0x3FAD];
	_ =	sdelay $0x3  }
0x37: {  	[smem:$0x3FAD] =	sst s10  }
0x38: {  	s10 =	sld [smem:$0x3FAE]  }
0x39: {  	_ = 	snop;
	(pc) =	sbr.ind lr, $3  }
0x3a: {  	_ = 	snop  }
0x3b: {  	_ = 	snop  }
0x3c: {  	p2 =	seq.s32 s10, $0x1;
	s10 =	sld [smem:$0x3FAD]  }
0x3d: {  	_ =	shalt  }
0x3e: {  	_ =	shalt  }
0x3f: {  	_ =	shalt  }
0x40: {  	_ =	shalt  }
0x41: {  	_ =	shalt  }
0x42: {  	_ =	shalt  }
0x43: {  	_ =	shalt  }
0x44: {  	_ =	shalt  }
0x45: {  	_ =	shalt  }
0x46: {  	_ =	shalt  }
0x47: {  	_ =	shalt  }
0x48: {  	_ =	shalt  }
0x49: {  	_ =	shalt  }
0x4a: {  	_ =	shalt  }
0x4b: {  	_ =	shalt  }
0x4c: {  	_ =	shalt  }
0x4d: {  	_ =	shalt  }
0x4e: {  	_ =	shalt  }
0x4f: {  	_ =	shalt  }
0x50: {  	_ =	shalt  }
0x51: {  	_ =	shalt  }
0x52: {  	_ =	shalt  }
0x53: {  	_ =	shalt  }
0x54: {  	_ =	shalt  }
0x55: {  	_ =	shalt  }
0x56: {  	_ =	shalt  }
0x57: {  	_ =	shalt  }
0x58: {  	_ =	shalt  }
0x59: {  	_ =	shalt  }
0x5a: {  	_ =	shalt  }
0x5b: {  	_ =	shalt  }
0x5c: {  	_ =	shalt  }
0x5d: {  	_ =	shalt  }
0x5e: {  	_ =	shalt  }
0x5f: {  	_ =	shalt  }
0x60: {  	_ =	shalt  }
0x61: {  	_ =	shalt  }
0x62: {  	_ =	shalt  }
0x63: {  	_ =	shalt  }
0x64: {  	_ =	shalt  }
0x65: {  	_ =	shalt  }
0x66: {  	_ =	shalt  }
0x67: {  	_ =	shalt  }
0x68: {  	_ =	shalt  }
0x69: {  	_ =	shalt  }
0x6a: {  	_ =	shalt  }
0x6b: {  	_ =	shalt  }
0x6c: {  	_ =	shalt  }
0x6d: {  	_ =	shalt  }
0x6e: {  	_ =	shalt  }
0x6f: {  	_ =	shalt  }
0x70: {  	_ =	shalt  }
0x71: {  	_ =	shalt  }
0x72: {  	_ =	shalt  }
0x73: {  	_ =	shalt  }
0x74: {  	_ =	shalt  }
0x75: {  	_ =	shalt  }
0x76: {  	_ =	shalt  }
0x77: {  	_ =	shalt  }
0x78: {  	_ =	shalt  }
0x79: {  	_ =	shalt  }
0x7a: {  	_ =	shalt  }
0x7b: {  	_ =	shalt  }
0x7c: {  	_ =	shalt  }
0x7d: {  	_ =	shalt  }
0x7e: {  	_ =	shalt  }
0x7f: {  	_ =	shalt  }
0x80: {  	_ =	shalt  }
0x81: {  	_ =	shalt  }
0x82: {  	_ =	shalt  }
0x83: {  	_ =	shalt  }
0x84: {  	_ =	shalt  }
0x85: {  	_ =	shalt  }
0x86: {  	_ =	shalt  }
0x87: {  	_ =	shalt  }
.Lfunc_end0:
.L_simem_size_0:
called_computation.1_lowered:
.L_overlay_start_0:
0x88: {  	s2 =	sld [smem:$0x3FD9]  }
0x89: {  	s3 =	sld [smem:$0x3FFE];
	_ =	sdelay $0x1  }
0x8a: {  	s1 =	srdreg.scid  }
0x8b: {  	s0 =	sand.u32 $0x1, s1  }
0x8c: {  	s17 =	sshll.u32 s0, $0xA;
	s2 =	sadd.s32 s3, s2  }
0x8d: {  	s2 =	sadd.s32 s2, s17  }
0x8e: {  	[smem:$0x3FB9] =	sst s2  }
0x8f: {  	_ = 	snop  }
0x90: {  	(tm) =	ssettm $0x1  }
0x91: {  	s18 =	sld [smem:$0x3FFB];
	_ =	sdelay $0x3  }
0x92: {  	_ =	strace s18  }
0x93: {  	s2 =	sld [smem:$0x3FFC];
	_ =	sdelay $0x3  }
0x94: {  	_ =	strace s2  }
0x95: {  	s2 =	sld [smem:$0x3FFD];
	_ =	sdelay $0x3  }
0x96: {  	_ =	strace s2  }
0x97: {  	_ =	strace $0x8FFFFFFF  }
0x98: {  	s19 =	sld [smem:$0x3FDB];
	_ =	sdelay $0x1  }
0x99: {  	s20 =	simm.s32 $_scs_section_size  }
0x9a: {  	s4 =	simm.s32 $_size__tile_overlayer_lowered;
	s5 =	simm.s32 $_tile_overlayer_lowered  }
0x9b: {  	s6 =	simm.s32 $0x1BFF;
	s21 =	sshll.u32 s5, $0x1;
	s3 =	sadd.s32 s20, s19  }
0x9c: {  	s22 =	simm.s32 $0x0;
	s4 =	sshll.u32 s4, $0x1;
	s5 =	sadd.s32 s21, s3  }
0x9d: {  	[timem:s22], [sflag:s6] =	dma.local [hbm:s5], s4  }
0x9e: {  	_ =	swait.ge [sflag:s6], s4  }
0x9f: {  	s4 =	ssub.s32 $0x0, s4;
	[sflag:s6] =	ssyncset.done $0x0  }
0xa0: {  	[sflag:s6] =	ssyncadd.s32 s4;
	_ =	sdelay $0x1  }
0xa1: {  	s23 =	simm.s32 $0x1B8B  }
0xa2: {  	_ =	swait.ge [sflag:s23], $0x1  }
0xa3: {  	[sflag:s23] =	ssyncset.done $0x0  }
0xa4: {  	[sflag:s23] =	ssyncadd.s32 $0xFFFFFFFF  }
0xa5: {  	s4 =	sld [smem:$0x0]  }
0xa6: {  	s5 =	sand.u32 $0xFFFFFFFE, s1  }
0xa7: {  	p0 =	sne.s32 s1, s5  }
0xa8: {  	s5 =	sshll.u32 @p0 s5, $0xE  }
0xa9: {  	s5 =	sadd.s32 @p0 $0x11B8D, s5;
	s6 =	sshll.u32 @p0 s4, $0x11  }
0xaa: {  	s5 =	sor.u32 @p0 s6, s5  }
0xab: {  	[sflag:s5] =	ssyncadd.remote.s32 @p0 $0x1;
	_ =	sdelay $0x1  }
0xac: {  	s5 =	simm.s32 @p0 $0x1B8D  }
0xad: {  	_ =	swait.eq @p0 [sflag:s5], $0x1  }
0xae: {  	[sflag:s5] =	ssyncadd.s32 @p0 $0xFFFFFFFF  }
0xaf: {  	s6 =	sshll.u32 @!p0 s1, $0xE  }
0xb0: {  	s6 =	sor.u32 @!p0 $0x4000, s6;
	s5 =	simm.s32 @!p0 $0x1B8D  }
0xb1: {  	s4 =	sshll.u32 @!p0 s4, $0x11;
	s6 =	sadd.s32 @!p0 $0x11B8D, s6;
	_ =	swait.eq @!p0 [sflag:s5], $0x1  }
0xb2: {  	s4 =	sor.u32 @!p0 s4, s6;
	[sflag:s5] =	ssyncadd.s32 @!p0 $0xFFFFFFFF  }
0xb3: {  	s25 =	simm.s32 $0x1B8E;
	s24 =	sld [smem:$0x3FFE];
	[sflag:s4] =	ssyncadd.remote.s32 @!p0 $0x1  }
0xb4: {  	s26 =	simm.s32 $execute0_lowered;
	[smem:$0x3FD2] =	sst s25  }
0xb5: {  	s5 =	sshll.u32 s26, $0x1;
	_ =	strace $0x80000049;
	[dreg:$0x1] =	wrdreg $0xFFFFFFFF  }
0xb6: {  	s28 =	simm.s32 $_size_execute0_lowered;
	s3 =	sadd.s32 s3, s5;
	[dreg:$0x0] =	wrdreg $0x0  }
0xb7: {  	s5 =	sshll.u32 s28, $0x1;
	[dreg:$0x2] =	wrdreg s3  }
0xb8: {  	[dreg:$0x3] =	wrdreg s5  }
0xb9: {  	[dreg:$0x4] =	wrdreg $0xC0  }
0xba: {  	_ =	task [dreg:s22], $0x5FFFF  }
0xbb: {  	[dreg:$0x1] =	wrdreg $0xFFFFFFFF  }
0xbc: {  	[dreg:$0x0] =	wrdreg $0x60  }
0xbd: {  	[dreg:$0x2] =	wrdreg s24  }
0xbe: {  	[dreg:$0x3] =	wrdreg $0xA4000  }
0xbf: {  	[dreg:$0x4] =	wrdreg $0xA  }
0xc0: {  	_ =	task.clear_ibuf [dreg:s22], $0x5FFFF;
	_ =	strace $0x90000049  }
0xc1: {  	s29 =	simm.s32 $0xA;
	_ =	strace $0x8000004B  }
0xc2: {  	_ =	swait.ge [sflag:s29], $0x1  }
0xc3: {  	[sflag:s29] =	ssyncadd.s32 $0xFFFFFFFF  }
0xc4: {  	_ =	strace $0x9000004B  }
0xc5: {  	_ =	sfence  }
0xc6: {  	s30 =	sld [smem:$0x0];
	_ =	sdelay $0x2  }
0xc7: {  	s31 =	sshll.u32 s1, $0xD;
	s1 =	sshrl.u32 s1, $0x2  }
0xc8: {  	s4 =	sand.u32 $0x4000, s31;
	s1 =	sadd.s32 s1, s30  }
0xc9: {  	s0 =	sor.u32 s4, s0;
	s1 =	sshll.u32 s1, $0x11  }
0xca: {  	s0 =	sor.u32 s1, s0  }
0xcb: {  	s0 =	sadd.s32 $0x8F2B, s0  }
0xcc: {  	[sflag:s0] =	ssyncadd.remote.s32 $0x1  }
0xcd: {  	_ =	sfence.sel $0xFFFF  }
0xce: {  	[dreg:$0x0] =	wrdreg $0xFFFFFFFF;
	(pc) =	sbr.abs _section_cstart, $3  }
0xcf: {  	[dreg:$0x1] =	wrdreg $0xFFFFFFFF  }
0xd0: {  	_ =	task.clear_ibuf [dreg:s22], $0x2FFFF;
	_ =	strace $0x9FFFFFFF  }
0xd1: {  	(tm) =	ssettm $0x7FFFFFFF  }
tec
execute0_lowered:
.L_overlay_start_1:
0x0: {  	(tag) =	ssettag $0x1  }
0x1: {  	s0 =	rddreg [dreg:$0x0]  }
0x2: {  	s1 =	rddreg [dreg:$0x1];
	s2 =	simm.s32 $0x0;
	s4 =	srdreg.scid  }
0x3: {  	s5 =	stileid.u32;
	s31 =	simm.s32 $0x7C00;
	s28 =	simm.s32 $0x7  }
0x4: {  	[smem:$0x7FF] =	sst s2;
	s3 =	sadd.s32 $0x50C00, s0;
	s6 =	sadd.s32 $0xBA00, s0  }
0x5: {  	s4 =	sand.u32 $0x1, s4;
	s12 =	sadd.s32 $0x1C00, s0;
	s13 =	sadd.s32 $0x9F000, s0  }
0x6: {  	s8 =	sshll.u32 s5, $0x1;
	s9 =	smul.u32 $0x4E000, s5;
	s16 =	sshll.u32 s5, $0x6  }
0x7: {  	s22 =	smul.u32 $0x4E20, s5;
	p0 =	sne.s32 s5, $0xF;
	_ =	strace $0x8000004A  }
0x8: {  	s7 =	smul.u32 $0x27800, s4;
	s10 =	ssub.s32 $0x2, s4;
	s8 =	sor.u32 s4, s8  }
0x9: {  	s19 =	sor.u32 $0x1C09, s16;
	s4 =	smul.u32 $0x2710, s4;
	[dreg:$0x3] =	wrdreg s13  }
0xa: {  	s11 =	sshrl.u32 s10, $0x1;
	s9 =	sshrl.u32 s9, $0x2;
	s8 =	smul.u32 $0x2710, s8  }
0xb: {  	[dreg:$0x5] =	wrdreg s19;
	s7 =	sadd.s32 s7, s0;
	s9 =	sadd.s32 s9, s1  }
0xc: {  	s10 =	ssub.s32 s10, s11;
	s0 =	sadd.s32 $0xC6000, s0;
	[dreg:$0x4] =	wrdreg s9  }
0xd: {  	s4 =	sadd.s32 s4, s22;
	s22 =	sadd.s32 $0x138000, s1;
	[dreg:$0x6] =	wrdreg s0  }
0xe: {  	s17 =	sshrl.u32 s8, $0x3;
	s11 =	sadd.s32 $0x230, s4;
	s7 =	sadd.s32 $0xC6200, s7  }
0xf: {  	s15 =	smax.u32 s10, $0x1;
	[dreg:$0x18] =	wrdreg s22;
	s22 =	simm.s32 $0x5400  }
0x10: {  	s8 =	sadd.s32 s12, s17;
	s18 =	sadd.s32 s6, s17;
	[dreg:$0x11] =	wrdreg s7  }
0x11: {  	s20 =	sadd.s32 $0xA, s17;
	s23 =	sadd.s32 $0x14, s17;
	[dreg:$0x12] =	wrdreg s15  }
0x12: {  	s24 =	sadd.s32 $0x1E, s17;
	s0 =	sadd.s32 $0x4D8, s17;
	[dreg:$0x7] =	wrdreg s8  }
0x13: {  	s17 =	sadd.s32 $0x190, s4;
	[dreg:$0x8] =	wrdreg s18;
	s21 =	sadd.s32 s12, s20  }
0x14: {  	s15 =	simm.s32 $0x1;
	s8 =	sadd.s32 s6, s20;
	[dreg:$0x9] =	wrdreg s21  }
0x15: {  	s14 =	sadd.s32 s12, s23;
	s9 =	sadd.s32 s6, s23;
	[dreg:$0xa] =	wrdreg s8  }
0x16: {  	s25 =	sadd.s32 s12, s24;
	s26 =	sadd.s32 s6, s24;
	[dreg:$0xb] =	wrdreg s14  }
0x17: {  	s18 =	smul.u32 $0x2700, s5;
	s23 =	smov.u32 s6;
	[dreg:$0xc] =	wrdreg s9  }
0x18: {  	s24 =	smov.u32 s12;
	s20 =	sadd.s32 $0x140, s4;
	[dreg:$0xd] =	wrdreg s25  }
0x19: {  	[dreg:$0xe] =	wrdreg s26;
	s9 =	sadd.s32 s12, s0;
	s0 =	sadd.s32 s6, s0  }
0x1a: {  	s14 =	sadd.s32 $0x1E0, s4;
	[dreg:$0x16] =	wrdreg s20;
	s20 =	simm.s32 $0x3  }
0x1b: {  	s4 =	simm.s32 $0x5;
	s8 =	simm.s32 $0x0;
	[dreg:$0xf] =	wrdreg s9  }
0x1c: {  	[dreg:$0x10] =	wrdreg s0;
	s0 =	sshrl.u32 s11, $0x3;
	s7 =	sshrl.u32 s14, $0x3  }
0x1d: {  	[dreg:$0x15] =	wrdreg s18;
	s21 =	sadd.s32 s13, s18;
	s11 =	simm.s32 $0x100  }
0x1e: {  	s13 =	simm.s32 $0x180;
	s14 =	simm.s32 $0x380;
	s18 =	simm.s32 $0x2  }
0x1f: {  	s16 =	sadd.s32 s0, s6;
	s0 =	sadd.s32 s0, s12;
	s25 =	sadd.s32 s7, s6  }
.Ltmp0:
0x20: {  	s26 =	sadd.s32 s7, s12;
	[dreg:$0x17] =	wrdreg s21;
	(pc) =	sbr.rel .LBB2_1-.Ltmp0, $4  }
0x21: {  	s7 =	simm.s32 $0x9;
	s21 =	simm.s32 $0x8;
	[dreg:$0x13] =	wrdreg s16  }
0x22: {  	[dreg:$0x14] =	wrdreg s0;
	s0 =	sshrl.u32 s17, $0x3;
	s16 =	simm.s32 $0x50  }
0x23: {  	s17 =	simm.s32 $0x400;
	s29 =	sadd.s32 s0, s6;
	s30 =	sadd.s32 s0, s12  }
0x24: {  	s6 =	simm.s32 $0x200;
	s12 =	simm.s32 $0x300;
	s0 =	simm.s32 $0x4  }
.LBB2_4:
0x25: {  	_ =	swait.ge [sflag:s21], $0x2800  }
0x26: {  	[sflag:s21] =	ssyncset.done $0x0  }
0x27: {  	[sflag:s21] =	ssyncadd.s32 $0xFFFFD800  }
0x28: {  	[spmem:s1] =	stream.indirect.scatter.add.f32 [tilespmem:s31], [sflag:$0x9], $0x80, s14, s16, $0xb8;
	[tilespmem:$0x1DC80] =	vst v63  }
0x29: {  	_ =	swait.ge [sflag:s7], $0x2800  }
0x2a: {  	[sflag:s7] =	ssyncset.done $0x0  }
0x2b: {  	s5 =	rddreg [dreg:$0xf];
	[sflag:s7] =	ssyncadd.s32 $0xFFFFD800  }
0x2c: {  	[tilespmem:s2], [sflag:$0x1] =	stream.linear.gather [hbm4b:s5+s2], $0x50, $0x38;
	[tilespmem:$0x1DC80] =	vst v63  }
0x2d: {  	s6 =	simm.s32 $0x200;
	s19 =	rddreg [dreg:$0x10]  }
0x2e: {  	[tilespmem:s6], [sflag:$0x1] =	stream.linear.gather [hbm4b:s19+s2], $0x50, $0x38;
	[tilespmem:$0x1DC80] =	vst v63  }
0x2f: {  	_ =	swait.ge [sflag:s15], $0x50  }
0x30: {  	[sflag:s15] =	ssyncset.done $0x0  }
0x31: {  	[sflag:s15] =	ssyncadd.s32 $0xFFFFFFB0  }
0x32: {  	_ =	swait.ge [sflag:s15], $0x50  }
0x33: {  	[sflag:s15] =	ssyncset.done $0x0  }
0x34: {  	[sflag:s15] =	ssyncadd.s32 $0xFFFFFFB0  }
0x35: {  	[tilespmem:s17], [sflag:$0x5] =	stream.indirect.gather [hbm4b:s3+s16], $0x80, s2, s16, $0xb8;
	[tilespmem:$0x1DC80] =	vst v63  }
0x36: {  	_ =	swait.ge [sflag:s4], $0x2800  }
0x37: {  	[sflag:s4] =	ssyncset.done $0x0  }
0x38: {  	[sflag:s4] =	ssyncadd.s32 $0xFFFFD800  }
0x39: {  	[spmem:s1] =	stream.indirect.scatter.add.f32 [tilespmem:s17], [sflag:$0x9], $0x80, s6, s16, $0xb8;
	[tilespmem:$0x1DC80] =	vst v63  }
0x3a: {  	_ =	swait.ge [sflag:s7], $0x2800  }
0x3b: {  	[sflag:s7] =	ssyncset.done $0x0  }
0x3c: {  	[sflag:s7] =	ssyncadd.s32 $0xFFFFD800  }
0x3d: {  	[bflag:$0x0] =	sbarrier.arrive $0xFFFF  }
0x3e: {  	s6 =	rddreg [dreg:$0x11]  }
0x3f: {  	s8 =	rddreg [dreg:$0x15]  }
0x40: {  	s19 =	rddreg [dreg:$0x5]  }
0x41: {  	s5 =	sadd.s32 s8, s6;
	s8 =	rddreg [dreg:$0x1a]  }
0x42: {  	[hbm:s5], [sflag:s19] =	dma.local [spmem:s8], $0x2700  }
0x43: {  	_ =	swait.ge [sflag:s7], $0x2700  }
0x44: {  	[sflag:s7] =	ssyncset.done $0x0  }
0x45: {  	s5 =	sadd.s32 @!p0 $0x27000, s6;
	s8 =	rddreg [dreg:$0x1b];
	[sflag:s7] =	ssyncadd.s32 $0xFFFFD900  }
0x46: {  	[hbm:s5], [sflag:s19] =	dma.local @!p0 [spmem:s8], $0x100  }
0x47: {  	s5 =	simm.s32 @!p0 $0x9  }
0x48: {  	_ =	swait.ge @!p0 [sflag:s5], $0x100  }
0x49: {  	[sflag:s5] =	ssyncset.done @!p0 $0x0  }
0x4a: {  	s6 =	sadd.s32 @!p0 $0x27100, s6;
	s8 =	rddreg [dreg:$0x3];
	[sflag:s5] =	ssyncadd.s32 @!p0 $0xFFFFFF00  }
0x4b: {  	[hbm:s6], [sflag:s19] =	dma.local @!p0 [hbm:s8], $0x700  }
0x4c: {  	_ =	swait.ge @!p0 [sflag:s5], $0x700  }
0x4d: {  	s9 =	rddreg [dreg:$0x19]  }
0x4e: {  	s10 =	rddreg [dreg:$0x12];
	s8 =	sadd.s32 $0x1, s9  }
0x4f: {  	p1 =	sne.s32 s8, s10  }
.Ltmp1:
0x50: {  	_ = 	snop;
	(pc) =	sbr.rel @!p1 .LBB2_5-.Ltmp1, $3  }
0x51: {  	_ =	sdelay $0x1  }
0x52: {  	[sflag:s5] =	ssyncset.done @!p0 $0x0  }
0x53: {  	s6 =	simm.s32 $0x200;
	[sflag:s5] =	ssyncadd.s32 @!p0 $0xFFFFF900  }
.LBB2_1:
0x54: {  	[dreg:$0x19] =	wrdreg s8  }
0x55: {  	s5 =	rddreg [dreg:$0x4]  }
0x56: {  	s9 =	rddreg [dreg:$0x17];
	s5 =	sshrl.u32 s5, $0x3  }
0x57: {  	[dreg:$0x1a] =	wrdreg s5  }
0x58: {  	[spmem:s5], [sflag:s19] =	dma.local [hbm:s9], $0x2700  }
0x59: {  	_ =	swait.ge [sflag:s7], $0x2700  }
0x5a: {  	s5 =	rddreg [dreg:$0x18]  }
0x5b: {  	[sflag:s7] =	ssyncset.done $0x0;
	s8 =	sshrl.u32 @!p0 s5, $0x3;
	s5 =	rddreg [dreg:$0x6]  }
0x5c: {  	s9 =	simm.s32 @!p0 $0x9;
	[sflag:s7] =	ssyncadd.s32 $0xFFFFD900;
	[dreg:$0x1b] =	wrdreg s8  }
0x5d: {  	[spmem:s8], [sflag:s19] =	dma.local @!p0 [hbm:s5], $0x100  }
0x5e: {  	_ =	swait.ge @!p0 [sflag:s9], $0x100  }
0x5f: {  	[sflag:s9] =	ssyncset.done @!p0 $0x0  }
0x60: {  	[sflag:s9] =	ssyncadd.s32 @!p0 $0xFFFFFF00  }
0x61: {  	[bflag:$0x0] =	sbarrier.arrive $0xFFFF  }
0x62: {  	s10 =	rddreg [dreg:$0x7]  }
0x63: {  	s19 =	rddreg [dreg:$0x8]  }
0x64: {  	[tilespmem:s2], [sflag:$0x1] =	stream.linear.gather [hbm4b:s10+s2], $0x50, $0x38;
	[tilespmem:$0x1DC80] =	vst v63  }
0x65: {  	s8 =	rddreg [dreg:$0x9]  }
0x66: {  	[tilespmem:s6], [sflag:$0x1] =	stream.linear.gather [hbm4b:s19+s2], $0x50, $0x38;
	[tilespmem:$0x1DC80] =	vst v63  }
0x67: {  	s9 =	simm.s32 $0x80;
	s10 =	rddreg [dreg:$0xa]  }
0x68: {  	[tilespmem:s9], [sflag:$0x2] =	stream.linear.gather [hbm4b:s8+s2], $0x50, $0x38;
	[tilespmem:$0x1DC80] =	vst v63  }
0x69: {  	s19 =	simm.s32 $0x280;
	s8 =	rddreg [dreg:$0xb]  }
0x6a: {  	[tilespmem:s19], [sflag:$0x2] =	stream.linear.gather [hbm4b:s10+s2], $0x50, $0x38;
	[tilespmem:$0x1DC80] =	vst v63  }
0x6b: {  	s9 =	rddreg [dreg:$0xc]  }
0x6c: {  	[tilespmem:s11], [sflag:$0x3] =	stream.linear.gather [hbm4b:s8+s2], $0x50, $0x38;
	[tilespmem:$0x1DC80] =	vst v63  }
0x6d: {  	s10 =	rddreg [dreg:$0xd]  }
0x6e: {  	[tilespmem:s12], [sflag:$0x3] =	stream.linear.gather [hbm4b:s9+s2], $0x50, $0x38;
	[tilespmem:$0x1DC80] =	vst v63  }
0x6f: {  	s19 =	rddreg [dreg:$0xe]  }
0x70: {  	[tilespmem:s13], [sflag:$0x4] =	stream.linear.gather [hbm4b:s10+s2], $0x50, $0x38;
	[tilespmem:$0x1DC80] =	vst v63  }
0x71: {  	s9 =	rddreg [dreg:$0x16];
	s10 =	simm.s32 $0x0  }
0x72: {  	[tilespmem:s14], [sflag:$0x4] =	stream.linear.gather [hbm4b:s19+s2], $0x50, $0x38;
	[tilespmem:$0x1DC80] =	vst v63  }
.LBB2_2:
0x73: {  	_ =	swait.ge [sflag:s15], $0x50  }
0x74: {  	[sflag:s15] =	ssyncset.done $0x0  }
0x75: {  	[sflag:s15] =	ssyncadd.s32 $0xFFFFFFB0  }
0x76: {  	_ =	swait.ge [sflag:s15], $0x50  }
0x77: {  	[sflag:s15] =	ssyncset.done $0x0  }
0x78: {  	[sflag:s15] =	ssyncadd.s32 $0xFFFFFFB0  }
0x79: {  	[tilespmem:s17], [sflag:$0x5] =	stream.indirect.gather [hbm4b:s3+s16], $0x80, s2, s16, $0xb8;
	[tilespmem:$0x1DC80] =	vst v63  }
0x7a: {  	_ =	swait.ge [sflag:s18], $0x50  }
0x7b: {  	[sflag:s18] =	ssyncset.done $0x0  }
0x7c: {  	[sflag:s18] =	ssyncadd.s32 $0xFFFFFFB0  }
0x7d: {  	_ =	swait.ge [sflag:s18], $0x50  }
0x7e: {  	[sflag:s18] =	ssyncset.done $0x0  }
0x7f: {  	s5 =	simm.s32 $0x80;
	s8 =	simm.s32 $0x2C00;
	[sflag:s18] =	ssyncadd.s32 $0xFFFFFFB0  }
0x80: {  	[tilespmem:s8], [sflag:$0x6] =	stream.indirect.gather [hbm4b:s3+s16], $0x80, s5, s16, $0xb8;
	[tilespmem:$0x1DC80] =	vst v63  }
0x81: {  	_ =	swait.ge [sflag:s20], $0x50  }
0x82: {  	[sflag:s20] =	ssyncset.done $0x0  }
0x83: {  	[sflag:s20] =	ssyncadd.s32 $0xFFFFFFB0  }
0x84: {  	_ =	swait.ge [sflag:s20], $0x50  }
0x85: {  	[sflag:s20] =	ssyncset.done $0x0  }
0x86: {  	[sflag:s20] =	ssyncadd.s32 $0xFFFFFFB0  }
0x87: {  	[tilespmem:s22], [sflag:$0x7] =	stream.indirect.gather [hbm4b:s3+s16], $0x80, s11, s16, $0xb8;
	[tilespmem:$0x1DC80] =	vst v63  }
0x88: {  	_ =	swait.ge [sflag:s0], $0x50  }
0x89: {  	[sflag:s0] =	ssyncset.done $0x0  }
0x8a: {  	[sflag:s0] =	ssyncadd.s32 $0xFFFFFFB0  }
0x8b: {  	_ =	swait.ge [sflag:s0], $0x50  }
0x8c: {  	[sflag:s0] =	ssyncset.done $0x0  }
0x8d: {  	[sflag:s0] =	ssyncadd.s32 $0xFFFFFFB0  }
0x8e: {  	[tilespmem:s31], [sflag:$0x8] =	stream.indirect.gather [hbm4b:s3+s16], $0x80, s13, s16, $0xb8;
	[tilespmem:$0x1DC80] =	vst v63  }
0x8f: {  	_ =	swait.ge [sflag:s4], $0x2800  }
0x90: {  	[sflag:s4] =	ssyncset.done $0x0  }
0x91: {  	[sflag:s4] =	ssyncadd.s32 $0xFFFFD800  }
0x92: {  	[spmem:s1] =	stream.indirect.scatter.add.f32 [tilespmem:s17], [sflag:$0x9], $0x80, s6, s16, $0xb8;
	[tilespmem:$0x1DC80] =	vst v63  }
0x93: {  	_ =	swait.ge [sflag:s7], $0x2800  }
0x94: {  	p1 =	seq.s32 s10, $0x4B0;
	[sflag:s7] =	ssyncset.done $0x0  }
0x95: {  	s19 =	simm.s32 @p1 $0x6;
	[sflag:s7] =	ssyncadd.s32 $0xFFFFD800  }
0x96: {  	_ =	swait.ge @p1 [sflag:s19], $0x2800  }
0x97: {  	s8 =	simm.s32 @p1 $0x280;
	[sflag:s19] =	ssyncset.done @p1 $0x0  }
0x98: {  	s5 =	simm.s32 @p1 $0x2C00;
	[sflag:s19] =	ssyncadd.s32 @p1 $0xFFFFD800;
	s19 =	simm.s32 @p1 $0x50  }
0x99: {  	[spmem:s1] =	stream.indirect.scatter.add.f32 @p1 [tilespmem:s5], [sflag:$0x9], $0x80, s8, s19, $0xb8;
	[tilespmem:$0x1DC80] =	vst v63  }
0x9a: {  	s5 =	simm.s32 @p1 $0x9  }
0x9b: {  	_ =	swait.ge @p1 [sflag:s5], $0x2800  }
0x9c: {  	s8 =	sshrl.u32 @!p1 s9, $0x3;
	[sflag:s5] =	ssyncset.done @p1 $0x0  }
0x9d: {  	s19 =	simm.s32 @!p1 $0x0;
	[sflag:s5] =	ssyncadd.s32 @p1 $0xFFFFD800;
	s5 =	sadd.s32 @!p1 s24, s8  }
0x9e: {  	[tilespmem:s19], [sflag:$0x1] =	stream.linear.gather @!p1 [hbm4b:s5+s19], $0x50, $0x38;
	[tilespmem:$0x1DC80] =	vst v63  }
0x9f: {  	s5 =	sadd.s32 @!p1 s23, s8;
	s8 =	simm.s32 @!p1 $0x200  }
0xa0: {  	[tilespmem:s8], [sflag:$0x1] =	stream.linear.gather @!p1 [hbm4b:s5+s19], $0x50, $0x38;
	[tilespmem:$0x1DC80] =	vst v63  }
0xa1: {  	s5 =	simm.s32 @!p1 $0x6  }
0xa2: {  	_ =	swait.ge @!p1 [sflag:s5], $0x2800  }
0xa3: {  	s6 =	simm.s32 @!p1 $0x2C00;
	[sflag:s5] =	ssyncset.done @!p1 $0x0  }
0xa4: {  	s8 =	simm.s32 @!p1 $0x280;
	[sflag:s5] =	ssyncadd.s32 @!p1 $0xFFFFD800;
	s5 =	simm.s32 @!p1 $0x50  }
0xa5: {  	[spmem:s1] =	stream.indirect.scatter.add.f32 @!p1 [tilespmem:s6], [sflag:$0x9], $0x80, s8, s5, $0xb8;
	[tilespmem:$0x1DC80] =	vst v63  }
0xa6: {  	s5 =	simm.s32 @!p1 $0x9  }
0xa7: {  	_ =	swait.ge @!p1 [sflag:s5], $0x2800  }
0xa8: {  	[sflag:s5] =	ssyncset.done @!p1 $0x0  }
0xa9: {  	s6 =	simm.s32 @!p1 $0x80;
	[sflag:s5] =	ssyncadd.s32 @!p1 $0xFFFFD800;
	s5 =	sadd.s32 @!p1 s10, s30  }
0xaa: {  	[tilespmem:s6], [sflag:$0x2] =	stream.linear.gather @!p1 [hbm4b:s5+s19], $0x50, $0x38;
	[tilespmem:$0x1DC80] =	vst v63  }
0xab: {  	s5 =	sadd.s32 @!p1 s10, s29  }
0xac: {  	[tilespmem:s8], [sflag:$0x2] =	stream.linear.gather @!p1 [hbm4b:s5+s19], $0x50, $0x38;
	[tilespmem:$0x1DC80] =	vst v63  }
0xad: {  	_ =	swait.ge [sflag:s28], $0x2800  }
0xae: {  	[sflag:s28] =	ssyncset.done $0x0  }
.Ltmp2:
0xaf: {  	[sflag:s28] =	ssyncadd.s32 $0xFFFFD800;
	(pc) =	sbr.rel @p1 .LBB2_4-.Ltmp2, $4  }
0xb0: {  	[spmem:s1] =	stream.indirect.scatter.add.f32 [tilespmem:s22], [sflag:$0x9], $0x80, s12, s16, $0xb8;
	[tilespmem:$0x1DC80] =	vst v63  }
0xb1: {  	_ =	swait.ge [sflag:s7], $0x2800  }
0xb2: {  	[sflag:s7] =	ssyncset.done $0x0  }
0xb3: {  	[sflag:s7] =	ssyncadd.s32 $0xFFFFD800  }
0xb4: {  	s5 =	sadd.s32 s10, s26  }
0xb5: {  	[tilespmem:s11], [sflag:$0x3] =	stream.linear.gather [hbm4b:s5+s2], $0x50, $0x38;
	[tilespmem:$0x1DC80] =	vst v63  }
0xb6: {  	s6 =	sadd.s32 s10, s25  }
0xb7: {  	[tilespmem:s12], [sflag:$0x3] =	stream.linear.gather [hbm4b:s6+s2], $0x50, $0x38;
	[tilespmem:$0x1DC80] =	vst v63  }
0xb8: {  	_ =	swait.ge [sflag:s21], $0x2800  }
0xb9: {  	[sflag:s21] =	ssyncset.done $0x0  }
0xba: {  	[sflag:s21] =	ssyncadd.s32 $0xFFFFD800  }
0xbb: {  	[spmem:s1] =	stream.indirect.scatter.add.f32 [tilespmem:s31], [sflag:$0x9], $0x80, s14, s16, $0xb8;
	[tilespmem:$0x1DC80] =	vst v63  }
0xbc: {  	s9 =	sadd.s32 $0x140, s9;
	_ =	swait.ge [sflag:s7], $0x2800  }
.Ltmp3:
0xbd: {  	[sflag:s7] =	ssyncset.done $0x0;
	s8 =	rddreg [dreg:$0x14];
	(pc) =	sbr.rel .LBB2_2-.Ltmp3, $4  }
0xbe: {  	s19 =	rddreg [dreg:$0x13];
	[sflag:s7] =	ssyncadd.s32 $0xFFFFD800;
	s5 =	sadd.s32 s10, s8  }
0xbf: {  	[tilespmem:s13], [sflag:$0x4] =	stream.linear.gather [hbm4b:s5+s2], $0x50, $0x38;
	[tilespmem:$0x1DC80] =	vst v63  }
0xc0: {  	s6 =	simm.s32 $0x200;
	s5 =	sadd.s32 s10, s19;
	s10 =	sadd.s32 $0x28, s10  }
0xc1: {  	[tilespmem:s14], [sflag:$0x4] =	stream.linear.gather [hbm4b:s5+s2], $0x50, $0x38;
	[tilespmem:$0x1DC80] =	vst v63  }
.LBB2_5:
0xc2: {  	_ =	sfence.sel $0x180000  }
0xc3: {  	[bflag:$0x0] =	sbarrier.arrive $0xFFFF  }
0xc4: {  	_ =	strace $0x9000004A  }
0xc5: {  	s0 =	stileid.u32;
	[bflag:$0x2] =	sbarrier.arrive $0xFFFF  }
0xc6: {  	p0 =	sne.s32 s0, $0x0;
	s0 =	rddreg [dreg:$0x2]  }
0xc7: {  	s0 =	sadd.s32 @!p0 $0x100000, s0  }
0xc8: {  	[sflag:s0] =	ssyncadd.tile.s32 @!p0 $0x1;
	_ =	shalt  }
.Lfunc_end2:
_tile_overlayer_lowered:
.L_overlay_start_2:
0xc9: {  	(tag) =	ssettag $0x2  }
0xca: {  	s0 =	rddreg [dreg:$0x0];
	s2 =	stileid.u32  }
0xcb: {  	s1 =	rddreg [dreg:$0x1];
	p0 =	sne.s32 s2, $0x0  }
0xcc: {  	s3 =	rddreg [dreg:$0x2];
	[bflag:$0x3] =	sbarrier.arrive $0xFFFF;
	s2 =	simm.s32 @!p0 $0x1C09  }
0xcd: {  	[timem:s3], [sflag:s2] =	dma.local @!p0 [hbm:s0], s1  }
0xce: {  	s0 =	simm.s32 @!p0 $0x9  }
0xcf: {  	_ =	swait.ge @!p0 [sflag:s0], s1  }
0xd0: {  	s1 =	ssub.s32 @!p0 $0x0, s1;
	[sflag:s0] =	ssyncset.done @!p0 $0x0  }
0xd1: {  	[sflag:s0] =	ssyncadd.s32 @!p0 s1  }
0xd2: {  	[bflag:$0x3] =	sbarrier.arrive $0xFFFF  }
0xd3: {  	_ =	shalt  }

// kernel: kernel.14.cloned.1.call-start
scs
__scs_entry_jumppad:
0x0: {  	(pc) =	sbr.rel $0x88, $3  }
0x1: {  	(tag) =	ssettag $0x0;
	lr =	simm.s32 $0x1  }
0x2: {  	[smem:$0x3F92] =	sst lr;
	_ =	strace $0xD0000000  }
0x3: {  	_ = 	snop  }
0x4: {  	_ = 	snop  }
0x5: {  	_ = 	snop  }
0x6: {  	_ = 	snop  }
0x7: {  	_ = 	snop  }
__scs_overlays_trampoline_lowered:
0x8: {  	[smem:$0x3FA1] =	sst s0  }
0x9: {  	[smem:$0x3FA2] =	sst s1  }
0xa: {  	[smem:$0x3FA3] =	sst s2  }
0xb: {  	[smem:$0x3FA4] =	sst s3  }
0xc: {  	[smem:$0x3FA5] =	sst s4  }
0xd: {  	[smem:$0x3FA6] =	sst s5  }
0xe: {  	[smem:$0x3FA7] =	sst s6  }
0xf: {  	[smem:$0x3FA8] =	sst s7  }
0x10: {  	[smem:$0x3FA9] =	sst s8  }
0x11: {  	[smem:$0x3FAA] =	sst s9;
	s0 =	simm.s32 @!p0 $0x0  }
0x12: {  	s1 =	sld [smem:$0x3F90];
	s0 =	simm.s32 @p0 $0x1  }
0x13: {  	[smem:$0x3FAB] =	sst s0;
	s0 =	simm.s32 @!p1 $0x0  }
0x14: {  	s2 =	sld [smem:$0x3F8F];
	s0 =	simm.s32 @p1 $0x1  }
0x15: {  	[smem:$0x3FAC] =	sst s0;
	s0 =	simm.s32 @!p2 $0x0  }
0x16: {  	s3 =	sld [smem:$0x3FDB];
	s0 =	simm.s32 @p2 $0x1  }
0x17: {  	s4 =	simm.s32 $0x1BF5;
	[smem:$0x3FAE] =	sst s0  }
0x18: {  	s0 =	sld [smem:$0x3F91];
	_ =	swait.ge [sflag:s4], $0x0  }
0x19: {  	s7 =	sld [smem:$0x3F92]  }
0x1a: {  	s8 =	sadd.s32 $0xFFFFE003, lr  }
0x1b: {  	s9 =	sadd.s32 $0xFFFFFEF7, lr;
	s5 =	simm.s32 $0xFFFFFFFF;
	p2 =	slt.u32 s8, $0xFFFFF086  }
0x1c: {  	p1 =	slt.u32 s9, $0xF7A;
	s5 =	simm.s32 @!p2 $0x0  }
0x1d: {  	s5 =	simm.s32 @p1 $0x1;
	p0 =	seq.s32 s7, s2  }
0x1e: {  	s7 =	smul.u32 @!p0 $0xF7A, s2;
	p2 =	seq.s32 @!p0 s5, $0x0  }
0x1f: {  	s9 =	smul.u32 $0xF7A, s1;
	s8 =	simm.s32 @!p0 $0x1BF5;
	p2 =	por !p2, p0  }
0x20: {  	[sflag:s8] =	ssyncset.s32 @!p0 $0xFFFFF086;
	s6 =	sadd.s32 @!p0 s3, s7;
	s7 =	simm.s32 @!p0 $0x108  }
0x21: {  	s3 =	sadd.s32 s3, s9;
	s6 =	sadd.s32 @!p0 $0x88, s6;
	s7 =	simm.s32 @p2 $0x1082  }
0x22: {  	[simem:s7], [sflag:s8] =	dma.local @!p0 [hbm:s6], $0xF7A  }
0x23: {  	s9 =	sor.u32 $0xD0000000, s2;
	s6 =	simm.s32 $0x108;
	_ =	swait.ge @!p0 [sflag:s8], $0x0  }
0x24: {  	s3 =	sadd.s32 $0x88, s3;
	s6 =	simm.s32 @!p1 $0x1082;
	[sflag:s4] =	ssyncset.s32 $0xFFFFF086  }
0x25: {  	[simem:s6], [sflag:s4] =	dma.local [hbm:s3], $0xF7A  }
0x26: {  	[smem:$0x3F92] =	sst s1;
	(tag) =	ssettag s2;
	_ =	strace s9  }
0x27: {  	s1 =	sld [smem:$0x3FA2]  }
0x28: {  	s2 =	sld [smem:$0x3FA3]  }
0x29: {  	s4 =	sld [smem:$0x3FA5]  }
0x2a: {  	p0 =	seq.s32 s5, $0x0;
	s5 =	sld [smem:$0x3FA6]  }
0x2b: {  	s6 =	sld [smem:$0x3FA7]  }
0x2c: {  	s7 =	sld [smem:$0x3FA8]  }
0x2d: {  	s3 =	simm.s32 $0x108;
	s8 =	sld [smem:$0x3FA9]  }
0x2e: {  	s3 =	simm.s32 @!p0 $0x1082;
	s9 =	sld [smem:$0x3FAA]  }
0x2f: {  	lr =	sadd.s32 s0, s3;
	s0 =	sld [smem:$0x3FA1]  }
0x30: {  	s3 =	sld [smem:$0x3FA4]  }
0x31: {  	[smem:$0x3FAD] =	sst s10  }
0x32: {  	s10 =	sld [smem:$0x3FAB];
	_ =	sdelay $0x3  }
0x33: {  	p0 =	seq.s32 s10, $0x1;
	s10 =	sld [smem:$0x3FAD];
	_ =	sdelay $0x3  }
0x34: {  	[smem:$0x3FAD] =	sst s10  }
0x35: {  	s10 =	sld [smem:$0x3FAC];
	_ =	sdelay $0x3  }
0x36: {  	p1 =	seq.s32 s10, $0x1;
	s10 =	sld [smem:$0x3FAD];
	_ =	sdelay $0x3  }
0x37: {  	[smem:$0x3FAD] =	sst s10  }
0x38: {  	s10 =	sld [smem:$0x3FAE]  }
0x39: {  	_ = 	snop;
	(pc) =	sbr.ind lr, $3  }
0x3a: {  	_ = 	snop  }
0x3b: {  	_ = 	snop  }
0x3c: {  	p2 =	seq.s32 s10, $0x1;
	s10 =	sld [smem:$0x3FAD]  }
0x3d: {  	_ =	shalt  }
0x3e: {  	_ =	shalt  }
0x3f: {  	_ =	shalt  }
0x40: {  	_ =	shalt  }
0x41: {  	_ =	shalt  }
0x42: {  	_ =	shalt  }
0x43: {  	_ =	shalt  }
0x44: {  	_ =	shalt  }
0x45: {  	_ =	shalt  }
0x46: {  	_ =	shalt  }
0x47: {  	_ =	shalt  }
0x48: {  	_ =	shalt  }
0x49: {  	_ =	shalt  }
0x4a: {  	_ =	shalt  }
0x4b: {  	_ =	shalt  }
0x4c: {  	_ =	shalt  }
0x4d: {  	_ =	shalt  }
0x4e: {  	_ =	shalt  }
0x4f: {  	_ =	shalt  }
0x50: {  	_ =	shalt  }
0x51: {  	_ =	shalt  }
0x52: {  	_ =	shalt  }
0x53: {  	_ =	shalt  }
0x54: {  	_ =	shalt  }
0x55: {  	_ =	shalt  }
0x56: {  	_ =	shalt  }
0x57: {  	_ =	shalt  }
0x58: {  	_ =	shalt  }
0x59: {  	_ =	shalt  }
0x5a: {  	_ =	shalt  }
0x5b: {  	_ =	shalt  }
0x5c: {  	_ =	shalt  }
0x5d: {  	_ =	shalt  }
0x5e: {  	_ =	shalt  }
0x5f: {  	_ =	shalt  }
0x60: {  	_ =	shalt  }
0x61: {  	_ =	shalt  }
0x62: {  	_ =	shalt  }
0x63: {  	_ =	shalt  }
0x64: {  	_ =	shalt  }
0x65: {  	_ =	shalt  }
0x66: {  	_ =	shalt  }
0x67: {  	_ =	shalt  }
0x68: {  	_ =	shalt  }
0x69: {  	_ =	shalt  }
0x6a: {  	_ =	shalt  }
0x6b: {  	_ =	shalt  }
0x6c: {  	_ =	shalt  }
0x6d: {  	_ =	shalt  }
0x6e: {  	_ =	shalt  }
0x6f: {  	_ =	shalt  }
0x70: {  	_ =	shalt  }
0x71: {  	_ =	shalt  }
0x72: {  	_ =	shalt  }
0x73: {  	_ =	shalt  }
0x74: {  	_ =	shalt  }
0x75: {  	_ =	shalt  }
0x76: {  	_ =	shalt  }
0x77: {  	_ =	shalt  }
0x78: {  	_ =	shalt  }
0x79: {  	_ =	shalt  }
0x7a: {  	_ =	shalt  }
0x7b: {  	_ =	shalt  }
0x7c: {  	_ =	shalt  }
0x7d: {  	_ =	shalt  }
0x7e: {  	_ =	shalt  }
0x7f: {  	_ =	shalt  }
0x80: {  	_ =	shalt  }
0x81: {  	_ =	shalt  }
0x82: {  	_ =	shalt  }
0x83: {  	_ =	shalt  }
0x84: {  	_ =	shalt  }
0x85: {  	_ =	shalt  }
0x86: {  	_ =	shalt  }
0x87: {  	_ =	shalt  }
.Lfunc_end0:
.L_simem_size_0:
called_computation.2_lowered:
.L_overlay_start_0:
0x88: {  	s2 =	sld [smem:$0x3FD9]  }
0x89: {  	s3 =	sld [smem:$0x3FFE];
	_ =	sdelay $0x1  }
0x8a: {  	s1 =	srdreg.scid  }
0x8b: {  	s0 =	sand.u32 $0x1, s1  }
0x8c: {  	s17 =	sshll.u32 s0, $0xA;
	s2 =	sadd.s32 s3, s2  }
0x8d: {  	s2 =	sadd.s32 s2, s17  }
0x8e: {  	[smem:$0x3FB9] =	sst s2  }
0x8f: {  	_ = 	snop  }
0x90: {  	s2 =	sld [smem:$0x3FC7];
	(tm) =	ssettm $0x1  }
0x91: {  	s18 =	sld [smem:$0x3FFB];
	_ =	sdelay $0x3  }
0x92: {  	_ =	strace s18  }
0x93: {  	s3 =	sld [smem:$0x3FFC];
	_ =	sdelay $0x3  }
0x94: {  	_ =	strace s3  }
0x95: {  	s3 =	sld [smem:$0x3FFD];
	_ =	sdelay $0x3  }
0x96: {  	_ =	strace s3  }
0x97: {  	_ =	strace $0x8FFFFFFF  }
0x98: {  	s19 =	sld [smem:$0x3FDB];
	_ =	sdelay $0x1  }
0x99: {  	s4 =	simm.s32 $_scs_section_size  }
0x9a: {  	s5 =	simm.s32 $_size__tile_overlayer_lowered;
	s6 =	simm.s32 $_tile_overlayer_lowered  }
0x9b: {  	s22 =	simm.s32 $0x1BFF;
	s21 =	sshll.u32 s6, $0x1;
	s3 =	sadd.s32 s4, s19  }
0x9c: {  	s7 =	simm.s32 $0x0;
	s20 =	sshll.u32 s5, $0x1;
	s5 =	sadd.s32 s21, s3  }
0x9d: {  	[timem:s7], [sflag:s22] =	dma.local [hbm:s5], s20  }
0x9e: {  	_ =	swait.ge [sflag:s22], s20  }
0x9f: {  	s4 =	ssub.s32 $0x0, s20;
	[sflag:s22] =	ssyncset.done $0x0  }
0xa0: {  	[sflag:s22] =	ssyncadd.s32 s4;
	_ =	sdelay $0x1  }
0xa1: {  	s23 =	simm.s32 $0x1B8B  }
0xa2: {  	_ =	swait.ge [sflag:s23], $0x1  }
0xa3: {  	[sflag:s23] =	ssyncset.done $0x0  }
0xa4: {  	s25 =	simm.s32 $0x1B8E;
	s24 =	sld [smem:$0x3FFE];
	[sflag:s23] =	ssyncadd.s32 $0xFFFFFFFF  }
0xa5: {  	s26 =	simm.s32 $execute0_lowered;
	[smem:$0x3FD2] =	sst s25  }
0xa6: {  	s5 =	sshll.u32 s26, $0x1;
	_ =	strace $0x80000046;
	[dreg:$0x1] =	wrdreg $0xFFFFFFFF  }
0xa7: {  	s28 =	simm.s32 $_size_execute0_lowered;
	s3 =	sadd.s32 s3, s5;
	[dreg:$0x0] =	wrdreg $0x0  }
0xa8: {  	s5 =	sshll.u32 s28, $0x1;
	[dreg:$0x2] =	wrdreg s3  }
0xa9: {  	[dreg:$0x3] =	wrdreg s5  }
0xaa: {  	[dreg:$0x4] =	wrdreg $0xC0  }
0xab: {  	_ =	task [dreg:s7], $0x5FFFF  }
0xac: {  	[dreg:$0x1] =	wrdreg $0xFFFFFFFF  }
0xad: {  	[dreg:$0x0] =	wrdreg $0x60  }
0xae: {  	[dreg:$0x2] =	wrdreg s24  }
0xaf: {  	[dreg:$0x3] =	wrdreg s2  }
0xb0: {  	[dreg:$0x4] =	wrdreg $0x6800  }
0xb1: {  	[dreg:$0x5] =	wrdreg $0xB  }
0xb2: {  	_ =	task.clear_ibuf [dreg:s7], $0x6FFFF;
	_ =	strace $0x90000046  }
0xb3: {  	s29 =	simm.s32 $0xB;
	_ =	strace $0x80000048  }
0xb4: {  	_ =	swait.ge [sflag:s29], $0x1  }
0xb5: {  	[sflag:s29] =	ssyncadd.s32 $0xFFFFFFFF  }
0xb6: {  	_ =	strace $0x90000048  }
0xb7: {  	_ =	sfence  }
0xb8: {  	s30 =	sld [smem:$0x0];
	_ =	sdelay $0x2  }
0xb9: {  	s31 =	sshll.u32 s1, $0xD;
	s1 =	sshrl.u32 s1, $0x2  }
0xba: {  	s3 =	sand.u32 $0x4000, s31;
	s1 =	sadd.s32 s1, s30  }
0xbb: {  	s0 =	sor.u32 s3, s0;
	s1 =	sshll.u32 s1, $0x11  }
0xbc: {  	s0 =	sor.u32 s1, s0  }
0xbd: {  	s0 =	sadd.s32 $0x8F2B, s0  }
0xbe: {  	[sflag:s0] =	ssyncadd.remote.s32 $0x1  }
0xbf: {  	_ =	sfence.sel $0xFFFF  }
0xc0: {  	[dreg:$0x0] =	wrdreg $0xFFFFFFFF;
	(pc) =	sbr.abs _section_cstart, $3  }
0xc1: {  	[dreg:$0x1] =	wrdreg $0xFFFFFFFF  }
0xc2: {  	_ =	task.clear_ibuf [dreg:s7], $0x2FFFF;
	_ =	strace $0x9FFFFFFF  }
0xc3: {  	(tm) =	ssettm $0x7FFFFFFF  }
tec
execute0_lowered:
.L_overlay_start_1:
0x0: {  	(tag) =	ssettag $0x1  }
0x1: {  	s0 =	rddreg [dreg:$0x0]  }
0x2: {  	s1 =	rddreg [dreg:$0x1]  }
0x3: {  	s3 =	rddreg [dreg:$0x2];
	s4 =	simm.s32 $0x0  }
0x4: {  	s13 =	stileid.u32;
	s7 =	srdreg.scid;
	s30 =	simm.s32 $0x9  }
0x5: {  	s31 =	simm.s32 $0x200;
	s29 =	simm.s32 $0x600;
	[smem:$0x7FF] =	sst s4  }
0x6: {  	s2 =	smul.u32 $0x9E00, s13;
	s5 =	sadd.s32 $0xBA00, s0;
	s6 =	sadd.s32 $0x1C00, s0  }
0x7: {  	s7 =	sand.u32 $0x1, s7;
	s9 =	sshll.u32 s13, $0x1;
	s16 =	sshll.u32 s13, $0x6  }
0x8: {  	s22 =	smul.u32 $0x4E20, s13;
	_ =	strace $0x80000047;
	s10 =	ssub.s32 $0x2, s7  }
0x9: {  	s9 =	sor.u32 s7, s9;
	s11 =	sshll.u32 s7, $0x4;
	s18 =	sor.u32 $0x1C09, s16  }
0xa: {  	s7 =	smul.u32 $0x2710, s7;
	s8 =	sshrl.u32 s2, $0x3;
	s12 =	sshrl.u32 s10, $0x1  }
0xb: {  	s9 =	smul.u32 $0x2710, s9;
	s2 =	sadd.s32 s2, s3;
	[dreg:$0x6] =	wrdreg s18  }
0xc: {  	s8 =	sadd.s32 s8, s0;
	s0 =	sadd.s32 s11, s0;
	s10 =	ssub.s32 s10, s12  }
0xd: {  	[dreg:$0x4] =	wrdreg s2;
	s7 =	sadd.s32 s7, s22;
	s11 =	simm.s32 $0x380  }
0xe: {  	s15 =	sadd.s32 $0x15800, s8;
	s17 =	sshrl.u32 s9, $0x3;
	s14 =	sadd.s32 $0x230, s7  }
0xf: {  	s0 =	sadd.s32 $0x29400, s0;
	s16 =	smax.u32 s10, $0x1;
	s22 =	sadd.s32 $0x140, s7  }
0x10: {  	s10 =	simm.s32 $0x180;
	[dreg:$0x5] =	wrdreg s15;
	s19 =	sadd.s32 s6, s17  }
0x11: {  	s20 =	sadd.s32 $0xA, s17;
	s9 =	sadd.s32 s5, s17;
	[dreg:$0x11] =	wrdreg s16  }
0x12: {  	s23 =	sadd.s32 $0x14, s17;
	s25 =	sadd.s32 $0x1E, s17;
	[dreg:$0x13] =	wrdreg s22  }
0x13: {  	s8 =	sadd.s32 $0x4D8, s17;
	s15 =	smul.u32 $0x2780, s13;
	[dreg:$0x7] =	wrdreg s19  }
0x14: {  	s17 =	sadd.s32 $0x1E0, s7;
	[dreg:$0x8] =	wrdreg s9;
	s21 =	sadd.s32 s6, s20  }
0x15: {  	s13 =	simm.s32 $0x50;
	s2 =	sadd.s32 s5, s20;
	[dreg:$0x9] =	wrdreg s21  }
0x16: {  	s22 =	simm.s32 $0x5;
	s24 =	sadd.s32 s6, s23;
	[dreg:$0xa] =	wrdreg s2  }
0x17: {  	s16 =	simm.s32 $0x8;
	s26 =	sadd.s32 s6, s25;
	[dreg:$0xb] =	wrdreg s24  }
0x18: {  	s12 =	sadd.s32 s6, s8;
	s8 =	sadd.s32 s5, s8;
	[dreg:$0xd] =	wrdreg s26  }
0x19: {  	s19 =	sadd.s32 $0x190, s7;
	s9 =	simm.s32 $0x6;
	[dreg:$0xf] =	wrdreg s12  }
0x1a: {  	s7 =	simm.s32 $0x0;
	s2 =	sadd.s32 s5, s23;
	[dreg:$0x10] =	wrdreg s8  }
0x1b: {  	s0 =	sadd.s32 s15, s0;
	s20 =	sshrl.u32 s19, $0x3;
	s12 =	simm.s32 $0x1  }
0x1c: {  	s15 =	simm.s32 $0x2;
	s19 =	simm.s32 $0x4;
	[dreg:$0xc] =	wrdreg s2  }
.Ltmp0:
0x1d: {  	s2 =	sadd.s32 s5, s25;
	[dreg:$0x12] =	wrdreg s0;
	(pc) =	sbr.rel .LBB2_1-.Ltmp0, $4  }
0x1e: {  	s0 =	sshrl.u32 s17, $0x3;
	s26 =	sadd.s32 s20, s5;
	s28 =	sadd.s32 s20, s6  }
0x1f: {  	s17 =	simm.s32 $0x3;
	[dreg:$0xe] =	wrdreg s2;
	s2 =	sshrl.u32 s14, $0x3  }
0x20: {  	s24 =	sadd.s32 s0, s5;
	s25 =	sadd.s32 s0, s6;
	s14 =	simm.s32 $0x400  }
0x21: {  	v0 =	vimm.f32 $1.000000000e+00;
	s0 =	simm.s32 $0x7;
	s21 =	sadd.s32 s2, s5;
	s23 =	sadd.s32 s2, s6  }
.LBB2_4:
0x22: {  	s2 =	rddreg [dreg:$0xf]  }
0x23: {  	[tilespmem:s4], [sflag:$0x1] =	stream.linear.gather [hbm4b:s2+s4], $0x50, $0x38;
	[tilespmem:$0xA480] =	vst v63  }
0x24: {  	s7 =	rddreg [dreg:$0x10]  }
0x25: {  	[tilespmem:s31], [sflag:$0x1] =	stream.linear.gather [hbm4b:s7+s4], $0x50, $0x38;
	[tilespmem:$0xA480] =	vst v63  }
0x26: {  	_ =	swait.ge [sflag:s12], $0x50  }
0x27: {  	[sflag:s12] =	ssyncset.done $0x0  }
0x28: {  	[sflag:s12] =	ssyncadd.s32 $0xFFFFFFB0  }
0x29: {  	_ =	swait.ge [sflag:s12], $0x50  }
0x2a: {  	[sflag:s12] =	ssyncset.done $0x0  }
0x2b: {  	[sflag:s12] =	ssyncadd.s32 $0xFFFFFFB0  }
0x2c: {  	[tilespmem:s14], [sflag:$0x5] =	stream.indirect.gather [hbm4b:s1+s13], $0x1, s31, s13, $0xb8;
	[tilespmem:$0xA480] =	vst v63  }
0x2d: {  	_ =	swait.ge [sflag:s22], $0x50  }
0x2e: {  	[sflag:s22] =	ssyncset.done $0x0  }
0x2f: {  	[sflag:s22] =	ssyncadd.s32 $0xFFFFFFB0  }
0x30: {  	v1 =	vld [tilespmem:$0x400]  }
0x31: {  	v2 =	vld [tilespmem:$0x0]  }
0x32: {  	v3 =	vld [tilespmem:$0x410]  }
0x33: {  	v4 =	vld [tilespmem:$0x10]  }
0x34: {  	v5 =	vld [tilespmem:$0x420]  }
0x35: {  	v6 =	vld [tilespmem:$0x20]  }
0x36: {  	v7 =	vld [tilespmem:$0x430]  }
0x37: {  	v8 =	vld [tilespmem:$0x440]  }
0x38: {  	v9 =	vld [tilespmem:$0x30];
	v1 =	vmul.u32 $0x2780, v1  }
0x39: {  	v10 =	vld [tilespmem:$0x40];
	v3 =	vmul.u32 $0x2780, v3  }
0x3a: {  	v1 =	vadd.s32 v2, v1;
	v2 =	vmul.u32 $0x2780, v5  }
0x3b: {  	[tilespmem:$0x0] =	vst v1;
	v1 =	vadd.s32 v4, v3;
	v3 =	vmul.u32 $0x2780, v7  }
0x3c: {  	[tilespmem:$0x10] =	vst v1;
	v1 =	vadd.s32 v6, v2;
	v2 =	vmul.u32 $0x2780, v8  }
0x3d: {  	[tilespmem:$0x20] =	vst v1;
	v1 =	vadd.s32 v9, v3  }
0x3e: {  	[tilespmem:$0x30] =	vst v1;
	v1 =	vadd.s32 v10, v2  }
0x3f: {  	[tilespmem:$0x40] =	vst v1  }
0x40: {  	[spmem:s3] =	stream.indirect.scatter.add.f32 [tilespmem:s29], [sflag:$0x9], $0x1, s4, s13, $0xb8;
	[tilespmem:$0xA480] =	vst v63  }
0x41: {  	_ =	swait.ge [sflag:s30], $0x50  }
0x42: {  	[sflag:s30] =	ssyncset.done $0x0  }
0x43: {  	[sflag:s30] =	ssyncadd.s32 $0xFFFFFFB0  }
0x44: {  	[bflag:$0x0] =	sbarrier.arrive $0xFFFF  }
0x45: {  	s18 =	rddreg [dreg:$0x6]  }
0x46: {  	s2 =	rddreg [dreg:$0x12]  }
0x47: {  	s8 =	simm.s32 $0x10;
	s7 =	simm.s32 $0x20;
	s20 =	rddreg [dreg:$0x15]  }
0x48: {  	[hbm:s2@s7], [sflag:s18] =	dma.strided [spmem:s20@s8], $0x13C0, s12, $0x10   }
0x49: {  	_ =	swait.ge [sflag:s30], $0x13C0  }
0x4a: {  	s8 =	rddreg [dreg:$0x14]  }
0x4b: {  	s20 =	rddreg [dreg:$0x11];
	s7 =	sadd.s32 $0x1, s8  }
0x4c: {  	p0 =	sne.s32 s7, s20  }
.Ltmp1:
0x4d: {  	_ = 	snop;
	(pc) =	sbr.rel @!p0 .LBB2_5-.Ltmp1, $3  }
0x4e: {  	_ =	sdelay $0x1  }
0x4f: {  	[sflag:s30] =	ssyncset.done $0x0  }
0x50: {  	[sflag:s30] =	ssyncadd.s32 $0xFFFFEC40  }
.LBB2_1:
0x51: {  	[tilespmem:$0x600] =	vst v0  }
0x52: {  	[dreg:$0x14] =	wrdreg s7;
	[tilespmem:$0x610] =	vst v0  }
0x53: {  	[tilespmem:$0x620] =	vst v0;
	s2 =	rddreg [dreg:$0x4]  }
0x54: {  	[tilespmem:$0x630] =	vst v0;
	s20 =	rddreg [dreg:$0x5];
	s8 =	sshrl.u32 s2, $0x3  }
0x55: {  	[tilespmem:$0x640] =	vst v0;
	[dreg:$0x15] =	wrdreg s8  }
0x56: {  	[spmem:s8], [sflag:s18] =	dma.local [hbm:s20], $0x13C0  }
0x57: {  	_ =	swait.ge [sflag:s30], $0x13C0  }
0x58: {  	[sflag:s30] =	ssyncset.done $0x0  }
0x59: {  	[sflag:s30] =	ssyncadd.s32 $0xFFFFEC40  }
0x5a: {  	[bflag:$0x0] =	sbarrier.arrive $0xFFFF  }
0x5b: {  	s7 =	rddreg [dreg:$0x7]  }
0x5c: {  	s8 =	rddreg [dreg:$0x8]  }
0x5d: {  	[tilespmem:s4], [sflag:$0x1] =	stream.linear.gather [hbm4b:s7+s4], $0x50, $0x38;
	[tilespmem:$0xA480] =	vst v63  }
0x5e: {  	s18 =	rddreg [dreg:$0x9]  }
0x5f: {  	[tilespmem:s31], [sflag:$0x1] =	stream.linear.gather [hbm4b:s8+s4], $0x50, $0x38;
	[tilespmem:$0xA480] =	vst v63  }
0x60: {  	s20 =	simm.s32 $0x80;
	s2 =	rddreg [dreg:$0x13]  }
0x61: {  	[tilespmem:s20], [sflag:$0x2] =	stream.linear.gather [hbm4b:s18+s4], $0x50, $0x38;
	[tilespmem:$0xA480] =	vst v63  }
0x62: {  	s7 =	rddreg [dreg:$0xa];
	s8 =	simm.s32 $0x280  }
0x63: {  	[tilespmem:s8], [sflag:$0x2] =	stream.linear.gather [hbm4b:s7+s4], $0x50, $0x38;
	[tilespmem:$0xA480] =	vst v63  }
0x64: {  	s18 =	rddreg [dreg:$0xb];
	s20 =	simm.s32 $0x100  }
0x65: {  	[tilespmem:s20], [sflag:$0x3] =	stream.linear.gather [hbm4b:s18+s4], $0x50, $0x38;
	[tilespmem:$0xA480] =	vst v63  }
0x66: {  	s7 =	rddreg [dreg:$0xc];
	s8 =	simm.s32 $0x300  }
0x67: {  	[tilespmem:s8], [sflag:$0x3] =	stream.linear.gather [hbm4b:s7+s4], $0x50, $0x38;
	[tilespmem:$0xA480] =	vst v63  }
0x68: {  	s18 =	rddreg [dreg:$0xd]  }
0x69: {  	[tilespmem:s10], [sflag:$0x4] =	stream.linear.gather [hbm4b:s18+s4], $0x50, $0x38;
	[tilespmem:$0xA480] =	vst v63  }
0x6a: {  	s20 =	rddreg [dreg:$0xe];
	s7 =	simm.s32 $0x0  }
0x6b: {  	[tilespmem:s11], [sflag:$0x4] =	stream.linear.gather [hbm4b:s20+s4], $0x50, $0x38;
	[tilespmem:$0xA480] =	vst v63  }
.LBB2_2:
0x6c: {  	_ =	swait.ge [sflag:s12], $0x50  }
0x6d: {  	[sflag:s12] =	ssyncset.done $0x0  }
0x6e: {  	[sflag:s12] =	ssyncadd.s32 $0xFFFFFFB0  }
0x6f: {  	_ =	swait.ge [sflag:s12], $0x50  }
0x70: {  	[sflag:s12] =	ssyncset.done $0x0  }
0x71: {  	[sflag:s12] =	ssyncadd.s32 $0xFFFFFFB0  }
0x72: {  	[tilespmem:s14], [sflag:$0x5] =	stream.indirect.gather [hbm4b:s1+s13], $0x1, s31, s13, $0xb8;
	[tilespmem:$0xA480] =	vst v63  }
0x73: {  	_ =	swait.ge [sflag:s15], $0x50  }
0x74: {  	[sflag:s15] =	ssyncset.done $0x0  }
0x75: {  	[sflag:s15] =	ssyncadd.s32 $0xFFFFFFB0  }
0x76: {  	_ =	swait.ge [sflag:s15], $0x50  }
0x77: {  	[sflag:s15] =	ssyncset.done $0x0  }
0x78: {  	s8 =	simm.s32 $0x280;
	s18 =	simm.s32 $0x480;
	[sflag:s15] =	ssyncadd.s32 $0xFFFFFFB0  }
0x79: {  	[tilespmem:s18], [sflag:$0x6] =	stream.indirect.gather [hbm4b:s1+s13], $0x1, s8, s13, $0xb8;
	[tilespmem:$0xA480] =	vst v63  }
0x7a: {  	_ =	swait.ge [sflag:s17], $0x50  }
0x7b: {  	[sflag:s17] =	ssyncset.done $0x0  }
0x7c: {  	[sflag:s17] =	ssyncadd.s32 $0xFFFFFFB0  }
0x7d: {  	_ =	swait.ge [sflag:s17], $0x50  }
0x7e: {  	[sflag:s17] =	ssyncset.done $0x0  }
0x7f: {  	s20 =	simm.s32 $0x500;
	s18 =	simm.s32 $0x300;
	[sflag:s17] =	ssyncadd.s32 $0xFFFFFFB0  }
0x80: {  	[tilespmem:s20], [sflag:$0x7] =	stream.indirect.gather [hbm4b:s1+s13], $0x1, s18, s13, $0xb8;
	[tilespmem:$0xA480] =	vst v63  }
0x81: {  	_ =	swait.ge [sflag:s19], $0x50  }
0x82: {  	[sflag:s19] =	ssyncset.done $0x0  }
0x83: {  	[sflag:s19] =	ssyncadd.s32 $0xFFFFFFB0  }
0x84: {  	_ =	swait.ge [sflag:s19], $0x50  }
0x85: {  	[sflag:s19] =	ssyncset.done $0x0  }
0x86: {  	s18 =	simm.s32 $0x580;
	[sflag:s19] =	ssyncadd.s32 $0xFFFFFFB0  }
0x87: {  	[tilespmem:s18], [sflag:$0x8] =	stream.indirect.gather [hbm4b:s1+s13], $0x1, s11, s13, $0xb8;
	[tilespmem:$0xA480] =	vst v63  }
0x88: {  	_ =	swait.ge [sflag:s22], $0x50  }
0x89: {  	[sflag:s22] =	ssyncset.done $0x0  }
0x8a: {  	[sflag:s22] =	ssyncadd.s32 $0xFFFFFFB0  }
0x8b: {  	v1 =	vld [tilespmem:$0x400]  }
0x8c: {  	v2 =	vld [tilespmem:$0x0]  }
0x8d: {  	v3 =	vld [tilespmem:$0x410]  }
0x8e: {  	v4 =	vld [tilespmem:$0x10]  }
0x8f: {  	v5 =	vld [tilespmem:$0x420]  }
0x90: {  	v6 =	vld [tilespmem:$0x20]  }
0x91: {  	v7 =	vld [tilespmem:$0x430]  }
0x92: {  	v8 =	vld [tilespmem:$0x440]  }
0x93: {  	v9 =	vld [tilespmem:$0x30];
	v1 =	vmul.u32 $0x2780, v1  }
0x94: {  	v10 =	vld [tilespmem:$0x40];
	v3 =	vmul.u32 $0x2780, v3  }
0x95: {  	v1 =	vadd.s32 v2, v1;
	v2 =	vmul.u32 $0x2780, v5  }
0x96: {  	[tilespmem:$0x0] =	vst v1;
	v1 =	vadd.s32 v4, v3;
	v3 =	vmul.u32 $0x2780, v7  }
0x97: {  	[tilespmem:$0x10] =	vst v1;
	v1 =	vadd.s32 v6, v2;
	v2 =	vmul.u32 $0x2780, v8  }
0x98: {  	[tilespmem:$0x20] =	vst v1;
	v1 =	vadd.s32 v9, v3  }
0x99: {  	[tilespmem:$0x30] =	vst v1;
	v1 =	vadd.s32 v10, v2  }
0x9a: {  	[tilespmem:$0x40] =	vst v1  }
0x9b: {  	[spmem:s3] =	stream.indirect.scatter.add.f32 [tilespmem:s29], [sflag:$0x9], $0x1, s4, s13, $0xb8;
	[tilespmem:$0xA480] =	vst v63  }
0x9c: {  	p0 =	seq.s32 s7, $0x4B0;
	_ =	swait.ge [sflag:s30], $0x50  }
0x9d: {  	s8 =	sshrl.u32 @!p0 s2, $0x3;
	[sflag:s30] =	ssyncset.done $0x0  }
0x9e: {  	s20 =	sadd.s32 @!p0 s6, s8;
	s18 =	simm.s32 @!p0 $0x0;
	[sflag:s30] =	ssyncadd.s32 $0xFFFFFFB0  }
0x9f: {  	[tilespmem:s18], [sflag:$0x1] =	stream.linear.gather @!p0 [hbm4b:s20+s18], $0x50, $0x38;
	[tilespmem:$0xA480] =	vst v63  }
0xa0: {  	s8 =	sadd.s32 @!p0 s5, s8;
	s20 =	simm.s32 @!p0 $0x200  }
0xa1: {  	[tilespmem:s20], [sflag:$0x1] =	stream.linear.gather @!p0 [hbm4b:s8+s18], $0x50, $0x38;
	[tilespmem:$0xA480] =	vst v63  }
0xa2: {  	_ =	swait.ge [sflag:s9], $0x50  }
0xa3: {  	[sflag:s9] =	ssyncset.done $0x0  }
0xa4: {  	[sflag:s9] =	ssyncadd.s32 $0xFFFFFFB0  }
0xa5: {  	v1 =	vld [tilespmem:$0x480]  }
0xa6: {  	v2 =	vld [tilespmem:$0x80]  }
0xa7: {  	v3 =	vld [tilespmem:$0x490]  }
0xa8: {  	v43 =	vld [tilespmem:$0x90]  }
0xa9: {  	v44 =	vld [tilespmem:$0x4A0]  }
0xaa: {  	v45 =	vld [tilespmem:$0xA0]  }
0xab: {  	v46 =	vld [tilespmem:$0x4B0]  }
0xac: {  	v47 =	vld [tilespmem:$0x4C0]  }
0xad: {  	v48 =	vld [tilespmem:$0xB0];
	v1 =	vmul.u32 $0x2780, v1  }
0xae: {  	v49 =	vld [tilespmem:$0xC0];
	v3 =	vmul.u32 $0x2780, v3  }
0xaf: {  	v1 =	vadd.s32 v2, v1;
	v2 =	vmul.u32 $0x2780, v44  }
0xb0: {  	[tilespmem:$0x80] =	vst v1;
	v1 =	vadd.s32 v43, v3;
	v3 =	vmul.u32 $0x2780, v46  }
0xb1: {  	[tilespmem:$0x90] =	vst v1;
	v1 =	vadd.s32 v45, v2;
	v2 =	vmul.u32 $0x2780, v47  }
0xb2: {  	[tilespmem:$0xA0] =	vst v1;
	v1 =	vadd.s32 v48, v3  }
0xb3: {  	[tilespmem:$0xB0] =	vst v1;
	v1 =	vadd.s32 v49, v2  }
0xb4: {  	s20 =	simm.s32 $0x80;
	[tilespmem:$0xC0] =	vst v1  }
0xb5: {  	[spmem:s3] =	stream.indirect.scatter.add.f32 [tilespmem:s29], [sflag:$0x9], $0x1, s20, s13, $0xb8;
	[tilespmem:$0xA480] =	vst v63  }
0xb6: {  	_ =	swait.ge [sflag:s30], $0x50  }
0xb7: {  	[sflag:s30] =	ssyncset.done $0x0  }
0xb8: {  	s8 =	sadd.s32 @!p0 s7, s28;
	s20 =	simm.s32 @!p0 $0x80;
	[sflag:s30] =	ssyncadd.s32 $0xFFFFFFB0  }
0xb9: {  	[tilespmem:s20], [sflag:$0x2] =	stream.linear.gather @!p0 [hbm4b:s8+s18], $0x50, $0x38;
	[tilespmem:$0xA480] =	vst v63  }
0xba: {  	s8 =	sadd.s32 @!p0 s7, s26;
	s20 =	simm.s32 @!p0 $0x280  }
0xbb: {  	[tilespmem:s20], [sflag:$0x2] =	stream.linear.gather @!p0 [hbm4b:s8+s18], $0x50, $0x38;
	[tilespmem:$0xA480] =	vst v63  }
0xbc: {  	_ =	swait.ge [sflag:s0], $0x50  }
0xbd: {  	[sflag:s0] =	ssyncset.done $0x0  }
0xbe: {  	[sflag:s0] =	ssyncadd.s32 $0xFFFFFFB0  }
0xbf: {  	v1 =	vld [tilespmem:$0x500]  }
0xc0: {  	v2 =	vld [tilespmem:$0x100]  }
0xc1: {  	v3 =	vld [tilespmem:$0x510]  }
0xc2: {  	v50 =	vld [tilespmem:$0x110]  }
0xc3: {  	v51 =	vld [tilespmem:$0x520]  }
0xc4: {  	v52 =	vld [tilespmem:$0x120]  }
0xc5: {  	v53 =	vld [tilespmem:$0x530]  }
0xc6: {  	v54 =	vld [tilespmem:$0x540]  }
0xc7: {  	v55 =	vld [tilespmem:$0x130];
	v1 =	vmul.u32 $0x2780, v1  }
0xc8: {  	v56 =	vld [tilespmem:$0x140];
	v3 =	vmul.u32 $0x2780, v3  }
0xc9: {  	v1 =	vadd.s32 v2, v1;
	v2 =	vmul.u32 $0x2780, v51  }
0xca: {  	[tilespmem:$0x100] =	vst v1;
	v1 =	vadd.s32 v50, v3;
	v3 =	vmul.u32 $0x2780, v53  }
0xcb: {  	[tilespmem:$0x110] =	vst v1;
	v1 =	vadd.s32 v52, v2;
	v2 =	vmul.u32 $0x2780, v54  }
0xcc: {  	[tilespmem:$0x120] =	vst v1;
	v1 =	vadd.s32 v55, v3  }
0xcd: {  	[tilespmem:$0x130] =	vst v1;
	v1 =	vadd.s32 v56, v2  }
0xce: {  	s20 =	simm.s32 $0x100;
	[tilespmem:$0x140] =	vst v1  }
0xcf: {  	[spmem:s3] =	stream.indirect.scatter.add.f32 [tilespmem:s29], [sflag:$0x9], $0x1, s20, s13, $0xb8;
	[tilespmem:$0xA480] =	vst v63  }
0xd0: {  	_ =	swait.ge [sflag:s30], $0x50  }
0xd1: {  	[sflag:s30] =	ssyncset.done $0x0  }
0xd2: {  	s8 =	sadd.s32 @!p0 s7, s25;
	s20 =	simm.s32 @!p0 $0x100;
	[sflag:s30] =	ssyncadd.s32 $0xFFFFFFB0  }
0xd3: {  	[tilespmem:s20], [sflag:$0x3] =	stream.linear.gather @!p0 [hbm4b:s8+s18], $0x50, $0x38;
	[tilespmem:$0xA480] =	vst v63  }
0xd4: {  	s8 =	sadd.s32 @!p0 s7, s24;
	s20 =	simm.s32 @!p0 $0x300  }
0xd5: {  	[tilespmem:s20], [sflag:$0x3] =	stream.linear.gather @!p0 [hbm4b:s8+s18], $0x50, $0x38;
	[tilespmem:$0xA480] =	vst v63  }
0xd6: {  	_ =	swait.ge [sflag:s16], $0x50  }
0xd7: {  	[sflag:s16] =	ssyncset.done $0x0  }
0xd8: {  	[sflag:s16] =	ssyncadd.s32 $0xFFFFFFB0  }
0xd9: {  	v1 =	vld [tilespmem:$0x580]  }
0xda: {  	v2 =	vld [tilespmem:$0x180]  }
0xdb: {  	v3 =	vld [tilespmem:$0x590]  }
0xdc: {  	v57 =	vld [tilespmem:$0x190]  }
0xdd: {  	v58 =	vld [tilespmem:$0x5A0]  }
0xde: {  	v59 =	vld [tilespmem:$0x1A0]  }
0xdf: {  	v60 =	vld [tilespmem:$0x5B0]  }
0xe0: {  	v61 =	vld [tilespmem:$0x5C0]  }
0xe1: {  	v62 =	vld [tilespmem:$0x1B0];
	v1 =	vmul.u32 $0x2780, v1  }
0xe2: {  	v63 =	vld [tilespmem:$0x1C0];
	v3 =	vmul.u32 $0x2780, v3  }
0xe3: {  	v1 =	vadd.s32 v2, v1;
	v2 =	vmul.u32 $0x2780, v58  }
0xe4: {  	[tilespmem:$0x180] =	vst v1;
	v1 =	vadd.s32 v57, v3;
	v3 =	vmul.u32 $0x2780, v60  }
0xe5: {  	[tilespmem:$0x190] =	vst v1;
	v1 =	vadd.s32 v59, v2;
	v2 =	vmul.u32 $0x2780, v61  }
0xe6: {  	[tilespmem:$0x1A0] =	vst v1;
	v1 =	vadd.s32 v62, v3  }
0xe7: {  	[tilespmem:$0x1B0] =	vst v1;
	v1 =	vadd.s32 v63, v2  }
.Ltmp2:
0xe8: {  	[tilespmem:$0x1C0] =	vst v1;
	(pc) =	sbr.rel @p0 .LBB2_4-.Ltmp2, $4  }
0xe9: {  	[spmem:s3] =	stream.indirect.scatter.add.f32 [tilespmem:s29], [sflag:$0x9], $0x1, s10, s13, $0xb8;
	[tilespmem:$0xA480] =	vst v63  }
0xea: {  	_ =	swait.ge [sflag:s30], $0x50  }
0xeb: {  	[sflag:s30] =	ssyncset.done $0x0  }
0xec: {  	[sflag:s30] =	ssyncadd.s32 $0xFFFFFFB0  }
.Ltmp3:
0xed: {  	(pc) =	sbr.rel .LBB2_2-.Ltmp3, $4  }
0xee: {  	s8 =	sadd.s32 s7, s23  }
0xef: {  	[tilespmem:s10], [sflag:$0x4] =	stream.linear.gather [hbm4b:s8+s4], $0x50, $0x38;
	[tilespmem:$0xA480] =	vst v63  }
0xf0: {  	s20 =	sadd.s32 s7, s21;
	s7 =	sadd.s32 $0x28, s7;
	s2 =	sadd.s32 $0x140, s2  }
0xf1: {  	[tilespmem:s11], [sflag:$0x4] =	stream.linear.gather [hbm4b:s20+s4], $0x50, $0x38;
	[tilespmem:$0xA480] =	vst v63  }
.LBB2_5:
0xf2: {  	_ =	sfence.sel $0x180000  }
0xf3: {  	[bflag:$0x0] =	sbarrier.arrive $0xFFFF  }
0xf4: {  	_ =	strace $0x90000047  }
0xf5: {  	s0 =	stileid.u32;
	[bflag:$0x2] =	sbarrier.arrive $0xFFFF  }
0xf6: {  	p0 =	sne.s32 s0, $0x0;
	s0 =	rddreg [dreg:$0x3]  }
0xf7: {  	s0 =	sadd.s32 @!p0 $0x100000, s0  }
0xf8: {  	[sflag:s0] =	ssyncadd.tile.s32 @!p0 $0x1;
	_ =	shalt  }
.Lfunc_end2:
_tile_overlayer_lowered:
.L_overlay_start_2:
0xf9: {  	(tag) =	ssettag $0x2  }
0xfa: {  	s0 =	rddreg [dreg:$0x0];
	s2 =	stileid.u32  }
0xfb: {  	s1 =	rddreg [dreg:$0x1];
	p0 =	sne.s32 s2, $0x0  }
0xfc: {  	s3 =	rddreg [dreg:$0x2];
	[bflag:$0x3] =	sbarrier.arrive $0xFFFF;
	s2 =	simm.s32 @!p0 $0x1C09  }
0xfd: {  	[timem:s3], [sflag:s2] =	dma.local @!p0 [hbm:s0], s1  }
0xfe: {  	s0 =	simm.s32 @!p0 $0x9  }
0xff: {  	_ =	swait.ge @!p0 [sflag:s0], s1  }
0x100: {  	s1 =	ssub.s32 @!p0 $0x0, s1;
	[sflag:s0] =	ssyncset.done @!p0 $0x0  }
0x101: {  	[sflag:s0] =	ssyncadd.s32 @!p0 s1  }
0x102: {  	[bflag:$0x3] =	sbarrier.arrive $0xFFFF  }
0x103: {  	_ =	shalt  }

// kernel: kernel.8.cloned.1.call-start
scs
__scs_entry_jumppad:
0x0: {  	(pc) =	sbr.rel $0x88, $3  }
0x1: {  	(tag) =	ssettag $0x0;
	lr =	simm.s32 $0x1  }
0x2: {  	[smem:$0x3F92] =	sst lr;
	_ =	strace $0xD0000000  }
0x3: {  	_ = 	snop  }
0x4: {  	_ = 	snop  }
0x5: {  	_ = 	snop  }
0x6: {  	_ = 	snop  }
0x7: {  	_ = 	snop  }
__scs_overlays_trampoline_lowered:
0x8: {  	[smem:$0x3FA1] =	sst s0  }
0x9: {  	[smem:$0x3FA2] =	sst s1  }
0xa: {  	[smem:$0x3FA3] =	sst s2  }
0xb: {  	[smem:$0x3FA4] =	sst s3  }
0xc: {  	[smem:$0x3FA5] =	sst s4  }
0xd: {  	[smem:$0x3FA6] =	sst s5  }
0xe: {  	[smem:$0x3FA7] =	sst s6  }
0xf: {  	[smem:$0x3FA8] =	sst s7  }
0x10: {  	[smem:$0x3FA9] =	sst s8  }
0x11: {  	[smem:$0x3FAA] =	sst s9;
	s0 =	simm.s32 @!p0 $0x0  }
0x12: {  	s1 =	sld [smem:$0x3F90];
	s0 =	simm.s32 @p0 $0x1  }
0x13: {  	[smem:$0x3FAB] =	sst s0;
	s0 =	simm.s32 @!p1 $0x0  }
0x14: {  	s2 =	sld [smem:$0x3F8F];
	s0 =	simm.s32 @p1 $0x1  }
0x15: {  	[smem:$0x3FAC] =	sst s0;
	s0 =	simm.s32 @!p2 $0x0  }
0x16: {  	s3 =	sld [smem:$0x3FDB];
	s0 =	simm.s32 @p2 $0x1  }
0x17: {  	s4 =	simm.s32 $0x1BF5;
	[smem:$0x3FAE] =	sst s0  }
0x18: {  	s0 =	sld [smem:$0x3F91];
	_ =	swait.ge [sflag:s4], $0x0  }
0x19: {  	s7 =	sld [smem:$0x3F92]  }
0x1a: {  	s8 =	sadd.s32 $0xFFFFE003, lr  }
0x1b: {  	s9 =	sadd.s32 $0xFFFFFEF7, lr;
	s5 =	simm.s32 $0xFFFFFFFF;
	p2 =	slt.u32 s8, $0xFFFFF086  }
0x1c: {  	p1 =	slt.u32 s9, $0xF7A;
	s5 =	simm.s32 @!p2 $0x0  }
0x1d: {  	s5 =	simm.s32 @p1 $0x1;
	p0 =	seq.s32 s7, s2  }
0x1e: {  	s7 =	smul.u32 @!p0 $0xF7A, s2;
	p2 =	seq.s32 @!p0 s5, $0x0  }
0x1f: {  	s9 =	smul.u32 $0xF7A, s1;
	s8 =	simm.s32 @!p0 $0x1BF5;
	p2 =	por !p2, p0  }
0x20: {  	[sflag:s8] =	ssyncset.s32 @!p0 $0xFFFFF086;
	s6 =	sadd.s32 @!p0 s3, s7;
	s7 =	simm.s32 @!p0 $0x108  }
0x21: {  	s3 =	sadd.s32 s3, s9;
	s6 =	sadd.s32 @!p0 $0x88, s6;
	s7 =	simm.s32 @p2 $0x1082  }
0x22: {  	[simem:s7], [sflag:s8] =	dma.local @!p0 [hbm:s6], $0xF7A  }
0x23: {  	s9 =	sor.u32 $0xD0000000, s2;
	s6 =	simm.s32 $0x108;
	_ =	swait.ge @!p0 [sflag:s8], $0x0  }
0x24: {  	s3 =	sadd.s32 $0x88, s3;
	s6 =	simm.s32 @!p1 $0x1082;
	[sflag:s4] =	ssyncset.s32 $0xFFFFF086  }
0x25: {  	[simem:s6], [sflag:s4] =	dma.local [hbm:s3], $0xF7A  }
0x26: {  	[smem:$0x3F92] =	sst s1;
	(tag) =	ssettag s2;
	_ =	strace s9  }
0x27: {  	s1 =	sld [smem:$0x3FA2]  }
0x28: {  	s2 =	sld [smem:$0x3FA3]  }
0x29: {  	s4 =	sld [smem:$0x3FA5]  }
0x2a: {  	p0 =	seq.s32 s5, $0x0;
	s5 =	sld [smem:$0x3FA6]  }
0x2b: {  	s6 =	sld [smem:$0x3FA7]  }
0x2c: {  	s7 =	sld [smem:$0x3FA8]  }
0x2d: {  	s3 =	simm.s32 $0x108;
	s8 =	sld [smem:$0x3FA9]  }
0x2e: {  	s3 =	simm.s32 @!p0 $0x1082;
	s9 =	sld [smem:$0x3FAA]  }
0x2f: {  	lr =	sadd.s32 s0, s3;
	s0 =	sld [smem:$0x3FA1]  }
0x30: {  	s3 =	sld [smem:$0x3FA4]  }
0x31: {  	[smem:$0x3FAD] =	sst s10  }
0x32: {  	s10 =	sld [smem:$0x3FAB];
	_ =	sdelay $0x3  }
0x33: {  	p0 =	seq.s32 s10, $0x1;
	s10 =	sld [smem:$0x3FAD];
	_ =	sdelay $0x3  }
0x34: {  	[smem:$0x3FAD] =	sst s10  }
0x35: {  	s10 =	sld [smem:$0x3FAC];
	_ =	sdelay $0x3  }
0x36: {  	p1 =	seq.s32 s10, $0x1;
	s10 =	sld [smem:$0x3FAD];
	_ =	sdelay $0x3  }
0x37: {  	[smem:$0x3FAD] =	sst s10  }
0x38: {  	s10 =	sld [smem:$0x3FAE]  }
0x39: {  	_ = 	snop;
	(pc) =	sbr.ind lr, $3  }
0x3a: {  	_ = 	snop  }
0x3b: {  	_ = 	snop  }
0x3c: {  	p2 =	seq.s32 s10, $0x1;
	s10 =	sld [smem:$0x3FAD]  }
0x3d: {  	_ =	shalt  }
0x3e: {  	_ =	shalt  }
0x3f: {  	_ =	shalt  }
0x40: {  	_ =	shalt  }
0x41: {  	_ =	shalt  }
0x42: {  	_ =	shalt  }
0x43: {  	_ =	shalt  }
0x44: {  	_ =	shalt  }
0x45: {  	_ =	shalt  }
0x46: {  	_ =	shalt  }
0x47: {  	_ =	shalt  }
0x48: {  	_ =	shalt  }
0x49: {  	_ =	shalt  }
0x4a: {  	_ =	shalt  }
0x4b: {  	_ =	shalt  }
0x4c: {  	_ =	shalt  }
0x4d: {  	_ =	shalt  }
0x4e: {  	_ =	shalt  }
0x4f: {  	_ =	shalt  }
0x50: {  	_ =	shalt  }
0x51: {  	_ =	shalt  }
0x52: {  	_ =	shalt  }
0x53: {  	_ =	shalt  }
0x54: {  	_ =	shalt  }
0x55: {  	_ =	shalt  }
0x56: {  	_ =	shalt  }
0x57: {  	_ =	shalt  }
0x58: {  	_ =	shalt  }
0x59: {  	_ =	shalt  }
0x5a: {  	_ =	shalt  }
0x5b: {  	_ =	shalt  }
0x5c: {  	_ =	shalt  }
0x5d: {  	_ =	shalt  }
0x5e: {  	_ =	shalt  }
0x5f: {  	_ =	shalt  }
0x60: {  	_ =	shalt  }
0x61: {  	_ =	shalt  }
0x62: {  	_ =	shalt  }
0x63: {  	_ =	shalt  }
0x64: {  	_ =	shalt  }
0x65: {  	_ =	shalt  }
0x66: {  	_ =	shalt  }
0x67: {  	_ =	shalt  }
0x68: {  	_ =	shalt  }
0x69: {  	_ =	shalt  }
0x6a: {  	_ =	shalt  }
0x6b: {  	_ =	shalt  }
0x6c: {  	_ =	shalt  }
0x6d: {  	_ =	shalt  }
0x6e: {  	_ =	shalt  }
0x6f: {  	_ =	shalt  }
0x70: {  	_ =	shalt  }
0x71: {  	_ =	shalt  }
0x72: {  	_ =	shalt  }
0x73: {  	_ =	shalt  }
0x74: {  	_ =	shalt  }
0x75: {  	_ =	shalt  }
0x76: {  	_ =	shalt  }
0x77: {  	_ =	shalt  }
0x78: {  	_ =	shalt  }
0x79: {  	_ =	shalt  }
0x7a: {  	_ =	shalt  }
0x7b: {  	_ =	shalt  }
0x7c: {  	_ =	shalt  }
0x7d: {  	_ =	shalt  }
0x7e: {  	_ =	shalt  }
0x7f: {  	_ =	shalt  }
0x80: {  	_ =	shalt  }
0x81: {  	_ =	shalt  }
0x82: {  	_ =	shalt  }
0x83: {  	_ =	shalt  }
0x84: {  	_ =	shalt  }
0x85: {  	_ =	shalt  }
0x86: {  	_ =	shalt  }
0x87: {  	_ =	shalt  }
.Lfunc_end0:
.L_simem_size_0:
called_computation_lowered:
.L_overlay_start_0:
0x88: {  	s2 =	sld [smem:$0x3FD9]  }
0x89: {  	s3 =	sld [smem:$0x3FFE];
	_ =	sdelay $0x1  }
0x8a: {  	s1 =	srdreg.scid  }
0x8b: {  	s0 =	sand.u32 $0x1, s1  }
0x8c: {  	s17 =	sshll.u32 s0, $0xA;
	s2 =	sadd.s32 s3, s2  }
0x8d: {  	s2 =	sadd.s32 s2, s17  }
0x8e: {  	[smem:$0x3FB9] =	sst s2  }
0x8f: {  	_ = 	snop  }
0x90: {  	(tm) =	ssettm $0x1  }
0x91: {  	s18 =	sld [smem:$0x3FFB];
	_ =	sdelay $0x3  }
0x92: {  	_ =	strace s18  }
0x93: {  	s2 =	sld [smem:$0x3FFC];
	_ =	sdelay $0x3  }
0x94: {  	_ =	strace s2  }
0x95: {  	s2 =	sld [smem:$0x3FFD];
	_ =	sdelay $0x3  }
0x96: {  	_ =	strace s2  }
0x97: {  	_ =	strace $0x8FFFFFFF  }
0x98: {  	s19 =	sld [smem:$0x3FDB];
	_ =	sdelay $0x1  }
0x99: {  	s20 =	simm.s32 $_scs_section_size  }
0x9a: {  	s4 =	simm.s32 $_size__tile_overlayer_lowered;
	s5 =	simm.s32 $_tile_overlayer_lowered  }
0x9b: {  	s6 =	simm.s32 $0x1BFF;
	s21 =	sshll.u32 s5, $0x1;
	s3 =	sadd.s32 s20, s19  }
0x9c: {  	s22 =	simm.s32 $0x0;
	s4 =	sshll.u32 s4, $0x1;
	s5 =	sadd.s32 s21, s3  }
0x9d: {  	[timem:s22], [sflag:s6] =	dma.local [hbm:s5], s4  }
0x9e: {  	_ =	swait.ge [sflag:s6], s4  }
0x9f: {  	s4 =	ssub.s32 $0x0, s4;
	[sflag:s6] =	ssyncset.done $0x0  }
0xa0: {  	[sflag:s6] =	ssyncadd.s32 s4;
	_ =	sdelay $0x1  }
0xa1: {  	s23 =	simm.s32 $0x1B8B  }
0xa2: {  	_ =	swait.ge [sflag:s23], $0x1  }
0xa3: {  	[sflag:s23] =	ssyncset.done $0x0  }
0xa4: {  	[sflag:s23] =	ssyncadd.s32 $0xFFFFFFFF  }
0xa5: {  	s4 =	sld [smem:$0x0]  }
0xa6: {  	s5 =	sand.u32 $0xFFFFFFFE, s1  }
0xa7: {  	p0 =	sne.s32 s1, s5  }
0xa8: {  	s5 =	sshll.u32 @p0 s5, $0xE  }
0xa9: {  	s5 =	sadd.s32 @p0 $0x11B8D, s5;
	s6 =	sshll.u32 @p0 s4, $0x11  }
0xaa: {  	s5 =	sor.u32 @p0 s6, s5  }
0xab: {  	[sflag:s5] =	ssyncadd.remote.s32 @p0 $0x1;
	_ =	sdelay $0x1  }
0xac: {  	s5 =	simm.s32 @p0 $0x1B8D  }
0xad: {  	_ =	swait.eq @p0 [sflag:s5], $0x1  }
0xae: {  	[sflag:s5] =	ssyncadd.s32 @p0 $0xFFFFFFFF  }
0xaf: {  	s6 =	sshll.u32 @!p0 s1, $0xE  }
0xb0: {  	s6 =	sor.u32 @!p0 $0x4000, s6;
	s5 =	simm.s32 @!p0 $0x1B8D  }
0xb1: {  	s4 =	sshll.u32 @!p0 s4, $0x11;
	s6 =	sadd.s32 @!p0 $0x11B8D, s6;
	_ =	swait.eq @!p0 [sflag:s5], $0x1  }
0xb2: {  	s4 =	sor.u32 @!p0 s4, s6;
	[sflag:s5] =	ssyncadd.s32 @!p0 $0xFFFFFFFF  }
0xb3: {  	s25 =	simm.s32 $0x1B8E;
	s24 =	sld [smem:$0x3FFE];
	[sflag:s4] =	ssyncadd.remote.s32 @!p0 $0x1  }
0xb4: {  	s26 =	simm.s32 $execute0_lowered;
	[smem:$0x3FD2] =	sst s25  }
0xb5: {  	s5 =	sshll.u32 s26, $0x1;
	_ =	strace $0x8000004C;
	[dreg:$0x1] =	wrdreg $0xFFFFFFFF  }
0xb6: {  	s28 =	simm.s32 $_size_execute0_lowered;
	s3 =	sadd.s32 s3, s5;
	[dreg:$0x0] =	wrdreg $0x0  }
0xb7: {  	s5 =	sshll.u32 s28, $0x1;
	[dreg:$0x2] =	wrdreg s3  }
0xb8: {  	[dreg:$0x3] =	wrdreg s5  }
0xb9: {  	[dreg:$0x4] =	wrdreg $0xC0  }
0xba: {  	_ =	task [dreg:s22], $0x5FFFF  }
0xbb: {  	[dreg:$0x1] =	wrdreg $0xFFFFFFFF  }
0xbc: {  	[dreg:$0x0] =	wrdreg $0x60  }
0xbd: {  	[dreg:$0x2] =	wrdreg s24  }
0xbe: {  	[dreg:$0x3] =	wrdreg $0xA4000  }
0xbf: {  	[dreg:$0x4] =	wrdreg $0x9  }
0xc0: {  	_ =	task.clear_ibuf [dreg:s22], $0x5FFFF;
	_ =	strace $0x9000004C  }
0xc1: {  	s29 =	simm.s32 $0x9;
	_ =	strace $0x8000004E  }
0xc2: {  	_ =	swait.ge [sflag:s29], $0x1  }
0xc3: {  	[sflag:s29] =	ssyncadd.s32 $0xFFFFFFFF  }
0xc4: {  	_ =	strace $0x9000004E  }
0xc5: {  	_ =	sfence  }
0xc6: {  	s30 =	sld [smem:$0x0];
	_ =	sdelay $0x2  }
0xc7: {  	s31 =	sshll.u32 s1, $0xD;
	s1 =	sshrl.u32 s1, $0x2  }
0xc8: {  	s4 =	sand.u32 $0x4000, s31;
	s1 =	sadd.s32 s1, s30  }
0xc9: {  	s0 =	sor.u32 s4, s0;
	s1 =	sshll.u32 s1, $0x11  }
0xca: {  	s0 =	sor.u32 s1, s0  }
0xcb: {  	s0 =	sadd.s32 $0x8F2B, s0  }
0xcc: {  	[sflag:s0] =	ssyncadd.remote.s32 $0x1  }
0xcd: {  	_ =	sfence.sel $0xFFFF  }
0xce: {  	[dreg:$0x0] =	wrdreg $0xFFFFFFFF;
	(pc) =	sbr.abs _section_cstart, $3  }
0xcf: {  	[dreg:$0x1] =	wrdreg $0xFFFFFFFF  }
0xd0: {  	_ =	task.clear_ibuf [dreg:s22], $0x2FFFF;
	_ =	strace $0x9FFFFFFF  }
0xd1: {  	(tm) =	ssettm $0x7FFFFFFF  }
tec
execute0_lowered:
.L_overlay_start_1:
0x0: {  	(tag) =	ssettag $0x1  }
0x1: {  	s0 =	rddreg [dreg:$0x0]  }
0x2: {  	s1 =	rddreg [dreg:$0x1];
	s2 =	simm.s32 $0x0;
	s4 =	srdreg.scid  }
0x3: {  	s5 =	stileid.u32;
	s31 =	simm.s32 $0x7C00;
	s28 =	simm.s32 $0x7  }
0x4: {  	[smem:$0x7FF] =	sst s2;
	s3 =	sadd.s32 $0x77E00, s0;
	s6 =	sadd.s32 $0xBA00, s0  }
0x5: {  	s4 =	sand.u32 $0x1, s4;
	s12 =	sadd.s32 $0x1C00, s0;
	s13 =	sadd.s32 $0x9F000, s0  }
0x6: {  	s8 =	sshll.u32 s5, $0x1;
	s9 =	smul.u32 $0x4E000, s5;
	s16 =	sshll.u32 s5, $0x6  }
0x7: {  	s22 =	smul.u32 $0x4E20, s5;
	p0 =	sne.s32 s5, $0xF;
	_ =	strace $0x8000004D  }
0x8: {  	s7 =	smul.u32 $0x27800, s4;
	s10 =	ssub.s32 $0x2, s4;
	s8 =	sor.u32 s4, s8  }
0x9: {  	s19 =	sor.u32 $0x1C09, s16;
	s4 =	smul.u32 $0x2710, s4;
	[dreg:$0x3] =	wrdreg s13  }
0xa: {  	s11 =	sshrl.u32 s10, $0x1;
	s9 =	sshrl.u32 s9, $0x2;
	s8 =	smul.u32 $0x2710, s8  }
0xb: {  	[dreg:$0x5] =	wrdreg s19;
	s7 =	sadd.s32 s7, s0;
	s9 =	sadd.s32 s9, s1  }
0xc: {  	s10 =	ssub.s32 s10, s11;
	s0 =	sadd.s32 $0xC6000, s0;
	[dreg:$0x4] =	wrdreg s9  }
0xd: {  	s4 =	sadd.s32 s4, s22;
	s22 =	sadd.s32 $0x138000, s1;
	[dreg:$0x6] =	wrdreg s0  }
0xe: {  	s17 =	sshrl.u32 s8, $0x3;
	s11 =	sadd.s32 $0x230, s4;
	s7 =	sadd.s32 $0x115200, s7  }
0xf: {  	s15 =	smax.u32 s10, $0x1;
	[dreg:$0x18] =	wrdreg s22;
	s22 =	simm.s32 $0x5400  }
0x10: {  	s8 =	sadd.s32 s12, s17;
	s18 =	sadd.s32 s6, s17;
	[dreg:$0x11] =	wrdreg s7  }
0x11: {  	s20 =	sadd.s32 $0xA, s17;
	s23 =	sadd.s32 $0x14, s17;
	[dreg:$0x12] =	wrdreg s15  }
0x12: {  	s24 =	sadd.s32 $0x1E, s17;
	s0 =	sadd.s32 $0x4D8, s17;
	[dreg:$0x7] =	wrdreg s8  }
0x13: {  	s17 =	sadd.s32 $0x190, s4;
	[dreg:$0x8] =	wrdreg s18;
	s21 =	sadd.s32 s12, s20  }
0x14: {  	s15 =	simm.s32 $0x1;
	s8 =	sadd.s32 s6, s20;
	[dreg:$0x9] =	wrdreg s21  }
0x15: {  	s14 =	sadd.s32 s12, s23;
	s9 =	sadd.s32 s6, s23;
	[dreg:$0xa] =	wrdreg s8  }
0x16: {  	s25 =	sadd.s32 s12, s24;
	s26 =	sadd.s32 s6, s24;
	[dreg:$0xb] =	wrdreg s14  }
0x17: {  	s18 =	smul.u32 $0x2700, s5;
	s23 =	smov.u32 s6;
	[dreg:$0xc] =	wrdreg s9  }
0x18: {  	s24 =	smov.u32 s12;
	s20 =	sadd.s32 $0x140, s4;
	[dreg:$0xd] =	wrdreg s25  }
0x19: {  	[dreg:$0xe] =	wrdreg s26;
	s9 =	sadd.s32 s12, s0;
	s0 =	sadd.s32 s6, s0  }
0x1a: {  	s14 =	sadd.s32 $0x1E0, s4;
	[dreg:$0x16] =	wrdreg s20;
	s20 =	simm.s32 $0x3  }
0x1b: {  	s4 =	simm.s32 $0x5;
	s8 =	simm.s32 $0x0;
	[dreg:$0xf] =	wrdreg s9  }
0x1c: {  	[dreg:$0x10] =	wrdreg s0;
	s0 =	sshrl.u32 s11, $0x3;
	s7 =	sshrl.u32 s14, $0x3  }
0x1d: {  	[dreg:$0x15] =	wrdreg s18;
	s21 =	sadd.s32 s13, s18;
	s11 =	simm.s32 $0x100  }
0x1e: {  	s13 =	simm.s32 $0x180;
	s14 =	simm.s32 $0x380;
	s18 =	simm.s32 $0x2  }
0x1f: {  	s16 =	sadd.s32 s0, s6;
	s0 =	sadd.s32 s0, s12;
	s25 =	sadd.s32 s7, s6  }
.Ltmp0:
0x20: {  	s26 =	sadd.s32 s7, s12;
	[dreg:$0x17] =	wrdreg s21;
	(pc) =	sbr.rel .LBB2_1-.Ltmp0, $4  }
0x21: {  	s7 =	simm.s32 $0x9;
	s21 =	simm.s32 $0x8;
	[dreg:$0x13] =	wrdreg s16  }
0x22: {  	[dreg:$0x14] =	wrdreg s0;
	s0 =	sshrl.u32 s17, $0x3;
	s16 =	simm.s32 $0x50  }
0x23: {  	s17 =	simm.s32 $0x400;
	s29 =	sadd.s32 s0, s6;
	s30 =	sadd.s32 s0, s12  }
0x24: {  	s6 =	simm.s32 $0x200;
	s12 =	simm.s32 $0x300;
	s0 =	simm.s32 $0x4  }
.LBB2_4:
0x25: {  	_ =	swait.ge [sflag:s21], $0x2800  }
0x26: {  	[sflag:s21] =	ssyncset.done $0x0  }
0x27: {  	[sflag:s21] =	ssyncadd.s32 $0xFFFFD800  }
0x28: {  	[spmem:s1] =	stream.indirect.scatter.add.f32 [tilespmem:s31], [sflag:$0x9], $0x80, s14, s16, $0xb8;
	[tilespmem:$0x1DC80] =	vst v63  }
0x29: {  	_ =	swait.ge [sflag:s7], $0x2800  }
0x2a: {  	[sflag:s7] =	ssyncset.done $0x0  }
0x2b: {  	s5 =	rddreg [dreg:$0xf];
	[sflag:s7] =	ssyncadd.s32 $0xFFFFD800  }
0x2c: {  	[tilespmem:s2], [sflag:$0x1] =	stream.linear.gather [hbm4b:s5+s2], $0x50, $0x38;
	[tilespmem:$0x1DC80] =	vst v63  }
0x2d: {  	s6 =	simm.s32 $0x200;
	s19 =	rddreg [dreg:$0x10]  }
0x2e: {  	[tilespmem:s6], [sflag:$0x1] =	stream.linear.gather [hbm4b:s19+s2], $0x50, $0x38;
	[tilespmem:$0x1DC80] =	vst v63  }
0x2f: {  	_ =	swait.ge [sflag:s15], $0x50  }
0x30: {  	[sflag:s15] =	ssyncset.done $0x0  }
0x31: {  	[sflag:s15] =	ssyncadd.s32 $0xFFFFFFB0  }
0x32: {  	_ =	swait.ge [sflag:s15], $0x50  }
0x33: {  	[sflag:s15] =	ssyncset.done $0x0  }
0x34: {  	[sflag:s15] =	ssyncadd.s32 $0xFFFFFFB0  }
0x35: {  	[tilespmem:s17], [sflag:$0x5] =	stream.indirect.gather [hbm4b:s3+s16], $0x80, s2, s16, $0xb8;
	[tilespmem:$0x1DC80] =	vst v63  }
0x36: {  	_ =	swait.ge [sflag:s4], $0x2800  }
0x37: {  	[sflag:s4] =	ssyncset.done $0x0  }
0x38: {  	[sflag:s4] =	ssyncadd.s32 $0xFFFFD800  }
0x39: {  	[spmem:s1] =	stream.indirect.scatter.add.f32 [tilespmem:s17], [sflag:$0x9], $0x80, s6, s16, $0xb8;
	[tilespmem:$0x1DC80] =	vst v63  }
0x3a: {  	_ =	swait.ge [sflag:s7], $0x2800  }
0x3b: {  	[sflag:s7] =	ssyncset.done $0x0  }
0x3c: {  	[sflag:s7] =	ssyncadd.s32 $0xFFFFD800  }
0x3d: {  	[bflag:$0x0] =	sbarrier.arrive $0xFFFF  }
0x3e: {  	s6 =	rddreg [dreg:$0x11]  }
0x3f: {  	s8 =	rddreg [dreg:$0x15]  }
0x40: {  	s19 =	rddreg [dreg:$0x5]  }
0x41: {  	s5 =	sadd.s32 s8, s6;
	s8 =	rddreg [dreg:$0x1a]  }
0x42: {  	[hbm:s5], [sflag:s19] =	dma.local [spmem:s8], $0x2700  }
0x43: {  	_ =	swait.ge [sflag:s7], $0x2700  }
0x44: {  	[sflag:s7] =	ssyncset.done $0x0  }
0x45: {  	s5 =	sadd.s32 @!p0 $0x27000, s6;
	s8 =	rddreg [dreg:$0x1b];
	[sflag:s7] =	ssyncadd.s32 $0xFFFFD900  }
0x46: {  	[hbm:s5], [sflag:s19] =	dma.local @!p0 [spmem:s8], $0x100  }
0x47: {  	s5 =	simm.s32 @!p0 $0x9  }
0x48: {  	_ =	swait.ge @!p0 [sflag:s5], $0x100  }
0x49: {  	[sflag:s5] =	ssyncset.done @!p0 $0x0  }
0x4a: {  	s6 =	sadd.s32 @!p0 $0x27100, s6;
	s8 =	rddreg [dreg:$0x3];
	[sflag:s5] =	ssyncadd.s32 @!p0 $0xFFFFFF00  }
0x4b: {  	[hbm:s6], [sflag:s19] =	dma.local @!p0 [hbm:s8], $0x700  }
0x4c: {  	_ =	swait.ge @!p0 [sflag:s5], $0x700  }
0x4d: {  	s9 =	rddreg [dreg:$0x19]  }
0x4e: {  	s10 =	rddreg [dreg:$0x12];
	s8 =	sadd.s32 $0x1, s9  }
0x4f: {  	p1 =	sne.s32 s8, s10  }
.Ltmp1:
0x50: {  	_ = 	snop;
	(pc) =	sbr.rel @!p1 .LBB2_5-.Ltmp1, $3  }
0x51: {  	_ =	sdelay $0x1  }
0x52: {  	[sflag:s5] =	ssyncset.done @!p0 $0x0  }
0x53: {  	s6 =	simm.s32 $0x200;
	[sflag:s5] =	ssyncadd.s32 @!p0 $0xFFFFF900  }
.LBB2_1:
0x54: {  	[dreg:$0x19] =	wrdreg s8  }
0x55: {  	s5 =	rddreg [dreg:$0x4]  }
0x56: {  	s9 =	rddreg [dreg:$0x17];
	s5 =	sshrl.u32 s5, $0x3  }
0x57: {  	[dreg:$0x1a] =	wrdreg s5  }
0x58: {  	[spmem:s5], [sflag:s19] =	dma.local [hbm:s9], $0x2700  }
0x59: {  	_ =	swait.ge [sflag:s7], $0x2700  }
0x5a: {  	s5 =	rddreg [dreg:$0x18]  }
0x5b: {  	[sflag:s7] =	ssyncset.done $0x0;
	s8 =	sshrl.u32 @!p0 s5, $0x3;
	s5 =	rddreg [dreg:$0x6]  }
0x5c: {  	s9 =	simm.s32 @!p0 $0x9;
	[sflag:s7] =	ssyncadd.s32 $0xFFFFD900;
	[dreg:$0x1b] =	wrdreg s8  }
0x5d: {  	[spmem:s8], [sflag:s19] =	dma.local @!p0 [hbm:s5], $0x100  }
0x5e: {  	_ =	swait.ge @!p0 [sflag:s9], $0x100  }
0x5f: {  	[sflag:s9] =	ssyncset.done @!p0 $0x0  }
0x60: {  	[sflag:s9] =	ssyncadd.s32 @!p0 $0xFFFFFF00  }
0x61: {  	[bflag:$0x0] =	sbarrier.arrive $0xFFFF  }
0x62: {  	s10 =	rddreg [dreg:$0x7]  }
0x63: {  	s19 =	rddreg [dreg:$0x8]  }
0x64: {  	[tilespmem:s2], [sflag:$0x1] =	stream.linear.gather [hbm4b:s10+s2], $0x50, $0x38;
	[tilespmem:$0x1DC80] =	vst v63  }
0x65: {  	s8 =	rddreg [dreg:$0x9]  }
0x66: {  	[tilespmem:s6], [sflag:$0x1] =	stream.linear.gather [hbm4b:s19+s2], $0x50, $0x38;
	[tilespmem:$0x1DC80] =	vst v63  }
0x67: {  	s9 =	simm.s32 $0x80;
	s10 =	rddreg [dreg:$0xa]  }
0x68: {  	[tilespmem:s9], [sflag:$0x2] =	stream.linear.gather [hbm4b:s8+s2], $0x50, $0x38;
	[tilespmem:$0x1DC80] =	vst v63  }
0x69: {  	s19 =	simm.s32 $0x280;
	s8 =	rddreg [dreg:$0xb]  }
0x6a: {  	[tilespmem:s19], [sflag:$0x2] =	stream.linear.gather [hbm4b:s10+s2], $0x50, $0x38;
	[tilespmem:$0x1DC80] =	vst v63  }
0x6b: {  	s9 =	rddreg [dreg:$0xc]  }
0x6c: {  	[tilespmem:s11], [sflag:$0x3] =	stream.linear.gather [hbm4b:s8+s2], $0x50, $0x38;
	[tilespmem:$0x1DC80] =	vst v63  }
0x6d: {  	s10 =	rddreg [dreg:$0xd]  }
0x6e: {  	[tilespmem:s12], [sflag:$0x3] =	stream.linear.gather [hbm4b:s9+s2], $0x50, $0x38;
	[tilespmem:$0x1DC80] =	vst v63  }
0x6f: {  	s19 =	rddreg [dreg:$0xe]  }
0x70: {  	[tilespmem:s13], [sflag:$0x4] =	stream.linear.gather [hbm4b:s10+s2], $0x50, $0x38;
	[tilespmem:$0x1DC80] =	vst v63  }
0x71: {  	s9 =	rddreg [dreg:$0x16];
	s10 =	simm.s32 $0x0  }
0x72: {  	[tilespmem:s14], [sflag:$0x4] =	stream.linear.gather [hbm4b:s19+s2], $0x50, $0x38;
	[tilespmem:$0x1DC80] =	vst v63  }
.LBB2_2:
0x73: {  	_ =	swait.ge [sflag:s15], $0x50  }
0x74: {  	[sflag:s15] =	ssyncset.done $0x0  }
0x75: {  	[sflag:s15] =	ssyncadd.s32 $0xFFFFFFB0  }
0x76: {  	_ =	swait.ge [sflag:s15], $0x50  }
0x77: {  	[sflag:s15] =	ssyncset.done $0x0  }
0x78: {  	[sflag:s15] =	ssyncadd.s32 $0xFFFFFFB0  }
0x79: {  	[tilespmem:s17], [sflag:$0x5] =	stream.indirect.gather [hbm4b:s3+s16], $0x80, s2, s16, $0xb8;
	[tilespmem:$0x1DC80] =	vst v63  }
0x7a: {  	_ =	swait.ge [sflag:s18], $0x50  }
0x7b: {  	[sflag:s18] =	ssyncset.done $0x0  }
0x7c: {  	[sflag:s18] =	ssyncadd.s32 $0xFFFFFFB0  }
0x7d: {  	_ =	swait.ge [sflag:s18], $0x50  }
0x7e: {  	[sflag:s18] =	ssyncset.done $0x0  }
0x7f: {  	s5 =	simm.s32 $0x80;
	s8 =	simm.s32 $0x2C00;
	[sflag:s18] =	ssyncadd.s32 $0xFFFFFFB0  }
0x80: {  	[tilespmem:s8], [sflag:$0x6] =	stream.indirect.gather [hbm4b:s3+s16], $0x80, s5, s16, $0xb8;
	[tilespmem:$0x1DC80] =	vst v63  }
0x81: {  	_ =	swait.ge [sflag:s20], $0x50  }
0x82: {  	[sflag:s20] =	ssyncset.done $0x0  }
0x83: {  	[sflag:s20] =	ssyncadd.s32 $0xFFFFFFB0  }
0x84: {  	_ =	swait.ge [sflag:s20], $0x50  }
0x85: {  	[sflag:s20] =	ssyncset.done $0x0  }
0x86: {  	[sflag:s20] =	ssyncadd.s32 $0xFFFFFFB0  }
0x87: {  	[tilespmem:s22], [sflag:$0x7] =	stream.indirect.gather [hbm4b:s3+s16], $0x80, s11, s16, $0xb8;
	[tilespmem:$0x1DC80] =	vst v63  }
0x88: {  	_ =	swait.ge [sflag:s0], $0x50  }
0x89: {  	[sflag:s0] =	ssyncset.done $0x0  }
0x8a: {  	[sflag:s0] =	ssyncadd.s32 $0xFFFFFFB0  }
0x8b: {  	_ =	swait.ge [sflag:s0], $0x50  }
0x8c: {  	[sflag:s0] =	ssyncset.done $0x0  }
0x8d: {  	[sflag:s0] =	ssyncadd.s32 $0xFFFFFFB0  }
0x8e: {  	[tilespmem:s31], [sflag:$0x8] =	stream.indirect.gather [hbm4b:s3+s16], $0x80, s13, s16, $0xb8;
	[tilespmem:$0x1DC80] =	vst v63  }
0x8f: {  	_ =	swait.ge [sflag:s4], $0x2800  }
0x90: {  	[sflag:s4] =	ssyncset.done $0x0  }
0x91: {  	[sflag:s4] =	ssyncadd.s32 $0xFFFFD800  }
0x92: {  	[spmem:s1] =	stream.indirect.scatter.add.f32 [tilespmem:s17], [sflag:$0x9], $0x80, s6, s16, $0xb8;
	[tilespmem:$0x1DC80] =	vst v63  }
0x93: {  	_ =	swait.ge [sflag:s7], $0x2800  }
0x94: {  	p1 =	seq.s32 s10, $0x4B0;
	[sflag:s7] =	ssyncset.done $0x0  }
0x95: {  	s19 =	simm.s32 @p1 $0x6;
	[sflag:s7] =	ssyncadd.s32 $0xFFFFD800  }
0x96: {  	_ =	swait.ge @p1 [sflag:s19], $0x2800  }
0x97: {  	s8 =	simm.s32 @p1 $0x280;
	[sflag:s19] =	ssyncset.done @p1 $0x0  }
0x98: {  	s5 =	simm.s32 @p1 $0x2C00;
	[sflag:s19] =	ssyncadd.s32 @p1 $0xFFFFD800;
	s19 =	simm.s32 @p1 $0x50  }
0x99: {  	[spmem:s1] =	stream.indirect.scatter.add.f32 @p1 [tilespmem:s5], [sflag:$0x9], $0x80, s8, s19, $0xb8;
	[tilespmem:$0x1DC80] =	vst v63  }
0x9a: {  	s5 =	simm.s32 @p1 $0x9  }
0x9b: {  	_ =	swait.ge @p1 [sflag:s5], $0x2800  }
0x9c: {  	s8 =	sshrl.u32 @!p1 s9, $0x3;
	[sflag:s5] =	ssyncset.done @p1 $0x0  }
0x9d: {  	s19 =	simm.s32 @!p1 $0x0;
	[sflag:s5] =	ssyncadd.s32 @p1 $0xFFFFD800;
	s5 =	sadd.s32 @!p1 s24, s8  }
0x9e: {  	[tilespmem:s19], [sflag:$0x1] =	stream.linear.gather @!p1 [hbm4b:s5+s19], $0x50, $0x38;
	[tilespmem:$0x1DC80] =	vst v63  }
0x9f: {  	s5 =	sadd.s32 @!p1 s23, s8;
	s8 =	simm.s32 @!p1 $0x200  }
0xa0: {  	[tilespmem:s8], [sflag:$0x1] =	stream.linear.gather @!p1 [hbm4b:s5+s19], $0x50, $0x38;
	[tilespmem:$0x1DC80] =	vst v63  }
0xa1: {  	s5 =	simm.s32 @!p1 $0x6  }
0xa2: {  	_ =	swait.ge @!p1 [sflag:s5], $0x2800  }
0xa3: {  	s6 =	simm.s32 @!p1 $0x2C00;
	[sflag:s5] =	ssyncset.done @!p1 $0x0  }
0xa4: {  	s8 =	simm.s32 @!p1 $0x280;
	[sflag:s5] =	ssyncadd.s32 @!p1 $0xFFFFD800;
	s5 =	simm.s32 @!p1 $0x50  }
0xa5: {  	[spmem:s1] =	stream.indirect.scatter.add.f32 @!p1 [tilespmem:s6], [sflag:$0x9], $0x80, s8, s5, $0xb8;
	[tilespmem:$0x1DC80] =	vst v63  }
0xa6: {  	s5 =	simm.s32 @!p1 $0x9  }
0xa7: {  	_ =	swait.ge @!p1 [sflag:s5], $0x2800  }
0xa8: {  	[sflag:s5] =	ssyncset.done @!p1 $0x0  }
0xa9: {  	s6 =	simm.s32 @!p1 $0x80;
	[sflag:s5] =	ssyncadd.s32 @!p1 $0xFFFFD800;
	s5 =	sadd.s32 @!p1 s10, s30  }
0xaa: {  	[tilespmem:s6], [sflag:$0x2] =	stream.linear.gather @!p1 [hbm4b:s5+s19], $0x50, $0x38;
	[tilespmem:$0x1DC80] =	vst v63  }
0xab: {  	s5 =	sadd.s32 @!p1 s10, s29  }
0xac: {  	[tilespmem:s8], [sflag:$0x2] =	stream.linear.gather @!p1 [hbm4b:s5+s19], $0x50, $0x38;
	[tilespmem:$0x1DC80] =	vst v63  }
0xad: {  	_ =	swait.ge [sflag:s28], $0x2800  }
0xae: {  	[sflag:s28] =	ssyncset.done $0x0  }
.Ltmp2:
0xaf: {  	[sflag:s28] =	ssyncadd.s32 $0xFFFFD800;
	(pc) =	sbr.rel @p1 .LBB2_4-.Ltmp2, $4  }
0xb0: {  	[spmem:s1] =	stream.indirect.scatter.add.f32 [tilespmem:s22], [sflag:$0x9], $0x80, s12, s16, $0xb8;
	[tilespmem:$0x1DC80] =	vst v63  }
0xb1: {  	_ =	swait.ge [sflag:s7], $0x2800  }
0xb2: {  	[sflag:s7] =	ssyncset.done $0x0  }
0xb3: {  	[sflag:s7] =	ssyncadd.s32 $0xFFFFD800  }
0xb4: {  	s5 =	sadd.s32 s10, s26  }
0xb5: {  	[tilespmem:s11], [sflag:$0x3] =	stream.linear.gather [hbm4b:s5+s2], $0x50, $0x38;
	[tilespmem:$0x1DC80] =	vst v63  }
0xb6: {  	s6 =	sadd.s32 s10, s25  }
0xb7: {  	[tilespmem:s12], [sflag:$0x3] =	stream.linear.gather [hbm4b:s6+s2], $0x50, $0x38;
	[tilespmem:$0x1DC80] =	vst v63  }
0xb8: {  	_ =	swait.ge [sflag:s21], $0x2800  }
0xb9: {  	[sflag:s21] =	ssyncset.done $0x0  }
0xba: {  	[sflag:s21] =	ssyncadd.s32 $0xFFFFD800  }
0xbb: {  	[spmem:s1] =	stream.indirect.scatter.add.f32 [tilespmem:s31], [sflag:$0x9], $0x80, s14, s16, $0xb8;
	[tilespmem:$0x1DC80] =	vst v63  }
0xbc: {  	s9 =	sadd.s32 $0x140, s9;
	_ =	swait.ge [sflag:s7], $0x2800  }
.Ltmp3:
0xbd: {  	[sflag:s7] =	ssyncset.done $0x0;
	s8 =	rddreg [dreg:$0x14];
	(pc) =	sbr.rel .LBB2_2-.Ltmp3, $4  }
0xbe: {  	s19 =	rddreg [dreg:$0x13];
	[sflag:s7] =	ssyncadd.s32 $0xFFFFD800;
	s5 =	sadd.s32 s10, s8  }
0xbf: {  	[tilespmem:s13], [sflag:$0x4] =	stream.linear.gather [hbm4b:s5+s2], $0x50, $0x38;
	[tilespmem:$0x1DC80] =	vst v63  }
0xc0: {  	s6 =	simm.s32 $0x200;
	s5 =	sadd.s32 s10, s19;
	s10 =	sadd.s32 $0x28, s10  }
0xc1: {  	[tilespmem:s14], [sflag:$0x4] =	stream.linear.gather [hbm4b:s5+s2], $0x50, $0x38;
	[tilespmem:$0x1DC80] =	vst v63  }
.LBB2_5:
0xc2: {  	_ =	sfence.sel $0x180000  }
0xc3: {  	[bflag:$0x0] =	sbarrier.arrive $0xFFFF  }
0xc4: {  	_ =	strace $0x9000004D  }
0xc5: {  	s0 =	stileid.u32;
	[bflag:$0x2] =	sbarrier.arrive $0xFFFF  }
0xc6: {  	p0 =	sne.s32 s0, $0x0;
	s0 =	rddreg [dreg:$0x2]  }
0xc7: {  	s0 =	sadd.s32 @!p0 $0x100000, s0  }
0xc8: {  	[sflag:s0] =	ssyncadd.tile.s32 @!p0 $0x1;
	_ =	shalt  }
.Lfunc_end2:
_tile_overlayer_lowered:
.L_overlay_start_2:
0xc9: {  	(tag) =	ssettag $0x2  }
0xca: {  	s0 =	rddreg [dreg:$0x0];
	s2 =	stileid.u32  }
0xcb: {  	s1 =	rddreg [dreg:$0x1];
	p0 =	sne.s32 s2, $0x0  }
0xcc: {  	s3 =	rddreg [dreg:$0x2];
	[bflag:$0x3] =	sbarrier.arrive $0xFFFF;
	s2 =	simm.s32 @!p0 $0x1C09  }
0xcd: {  	[timem:s3], [sflag:s2] =	dma.local @!p0 [hbm:s0], s1  }
0xce: {  	s0 =	simm.s32 @!p0 $0x9  }
0xcf: {  	_ =	swait.ge @!p0 [sflag:s0], s1  }
0xd0: {  	s1 =	ssub.s32 @!p0 $0x0, s1;
	[sflag:s0] =	ssyncset.done @!p0 $0x0  }
0xd1: {  	[sflag:s0] =	ssyncadd.s32 @!p0 s1  }
0xd2: {  	[bflag:$0x3] =	sbarrier.arrive $0xFFFF  }
0xd3: {  	_ =	shalt  }

</sc_bundles>
